<compile_context>
chip_gen: v7x
topology: tpu7x:2x2x1
jax: 0.10.2.dev20260603
libtpu: 0.0.44.dev20260713+nightly
codegen_flags: <defaults>
</compile_context>

<pallas_src>
import functools

import jax
import jax.numpy as jnp
from jax import lax
from jax.experimental import pallas as pl
from jax.experimental.pallas import tpu as pltpu
from jax.experimental.pallas import tpu_sc as plsc

_CHANNELS = 256
_GRID = 32
_N = 20000
_NW = 32
_BPW = 640
_CHUNK = 128
_NCHUNK = _BPW // _CHUNK
_MAGIC = 12582912.0
_MAGIC32 = 402653184.0


@functools.partial(
    pl.kernel,
    mesh=plsc.VectorSubcoreMesh(core_axis_name="c", subcore_axis_name="s"),
    out_type=jax.ShapeDtypeStruct((_N, _CHANNELS), jnp.float32),
    scratch_types=[
        pltpu.VMEM((4 * _BPW,), jnp.float32),
        pltpu.VMEM((_BPW,), jnp.int32),
        pltpu.VMEM((_CHUNK, _CHANNELS), jnp.float32),
        pltpu.VMEM((_CHUNK, _CHANNELS), jnp.float32),
        pltpu.SemaphoreType.DMA,
        pltpu.SemaphoreType.DMA,
        pltpu.SemaphoreType.DMA,
        pltpu.SemaphoreType.DMA,
    ],
)
def _pos_enc_sc(x1_hbm, y1_hbm, x2_hbm, y2_hbm, sup_hbm, out_hbm, coord_v,
                idx_v, buf0, buf1, sem0, sem1, sem2, sem3):
    bufs = (buf0, buf1)
    sems = (sem0, sem1)

    wid = lax.axis_index("s") * 2 + lax.axis_index("c")
    base = jnp.minimum(wid * _BPW, _N - _BPW)

    stage = []
    for i, src in enumerate((x1_hbm, y1_hbm, x2_hbm, y2_hbm)):
        stage.append(pltpu.async_copy(src.at[pl.ds(base, _BPW)],
                                      coord_v.at[pl.ds(i * _BPW, _BPW)],
                                      (sem0, sem1, sem2, sem3)[i]))
    for cp in stage:
        cp.wait()

    gathers = [None] * _NCHUNK
    for c in range(_NCHUNK):
        for j in range(8):
            o = (c * 8 + j) * 16
            sx = coord_v[pl.ds(o, 16)] + coord_v[pl.ds(2 * _BPW + o, 16)]
            sy = coord_v[pl.ds(_BPW + o, 16)] + coord_v[pl.ds(3 * _BPW + o, 16)]
            vx = (sx * 496.0 + _MAGIC32) - _MAGIC32
            vy = (sy * 15.5 + _MAGIC) - _MAGIC
            idx = (jnp.clip(vx, 0.0, 992.0)
                   + jnp.clip(vy, 0.0, 31.0)).astype(jnp.int32)
            idx_v[pl.ds(c * _CHUNK + j * 16, 16)] = idx
        gathers[c] = pltpu.async_copy(
            sup_hbm.at[idx_v.at[pl.ds(c * _CHUNK, _CHUNK)]], bufs[c % 2],
            sems[c % 2])
        if c >= 1:
            gathers[c - 1].wait()
            pltpu.sync_copy(bufs[(c - 1) % 2],
                            out_hbm.at[pl.ds(base + (c - 1) * _CHUNK, _CHUNK)])
    c = _NCHUNK - 1
    gathers[c].wait()
    pltpu.sync_copy(bufs[c % 2],
                    out_hbm.at[pl.ds(base + c * _CHUNK, _CHUNK)])


def kernel(boxes_norm, row_embed, col_embed):
    x1 = boxes_norm[:, 0]
    y1 = boxes_norm[:, 1]
    x2 = boxes_norm[:, 2]
    y2 = boxes_norm[:, 3]
    tbl = jnp.zeros((2 * _GRID, _CHANNELS), jnp.float32)
    tbl = lax.dynamic_update_slice(tbl, col_embed, (0, 0))
    tbl = lax.dynamic_update_slice(tbl, row_embed, (_GRID, 128))
    i = jnp.arange(_GRID * _GRID)
    g = jnp.arange(2 * _GRID)
    twohot = ((i[:, None] // _GRID == g[None, :])
              | (_GRID + i[:, None] % _GRID == g[None, :])).astype(jnp.float32)
    sup = jax.lax.dot(twohot, tbl, precision=jax.lax.Precision.HIGHEST)
    out = _pos_enc_sc(x1, y1, x2, y2, sup)
    return out[:, :, None, None]

# --- scband reference (transcript-rebuilt; emitter-appended) ---
"""Pipeline reference for scband-positional-encoding2-d-24146306138755 (READ-ONLY COPY).

The authoritative reference and input builder live on the scoring server;
editing this copy changes nothing except your own understanding.
"""

import jax, jax.numpy as jnp
import numpy as np

CHANNELS = 256
GRID_SIZE = 32
N_BOXES = 20000

def setup_inputs(seed: int = 0) -> dict:
    key = jax.random.key(seed)
    k1, k2, k3 = jax.random.split(key, 3)
    boxes_norm = jax.random.uniform(k1, (N_BOXES, 4), dtype=jnp.float32)
    row_embed = jax.random.normal(k2, (GRID_SIZE, CHANNELS // 2), dtype=jnp.float32)
    col_embed = jax.random.normal(k3, (GRID_SIZE, CHANNELS // 2), dtype=jnp.float32)
    return {"boxes_norm": boxes_norm, "row_embed": row_embed, "col_embed": col_embed}

def reference(boxes_norm, row_embed, col_embed):
    # box_convert xyxy -> cxcywh (only cx, cy are used)
    x1, y1, x2, y2 = boxes_norm[:, 0], boxes_norm[:, 1], boxes_norm[:, 2], boxes_norm[:, 3]
    cx = (x1 + x2) * 0.5
    cy = (y1 + y2) * 0.5
    cx_idx = jnp.clip(jnp.round(cx * (GRID_SIZE - 1)).astype(jnp.int32), 0, GRID_SIZE - 1)
    cy_idx = jnp.clip(jnp.round(cy * (GRID_SIZE - 1)).astype(jnp.int32), 0, GRID_SIZE - 1)
    x_embed = jnp.take(col_embed, cx_idx, axis=0)  # [N, C//2]
    y_embed = jnp.take(row_embed, cy_idx, axis=0)  # [N, C//2]
    pos_encoding = jnp.concatenate([x_embed, y_embed], axis=1)  # [N, C]
    return pos_encoding[:, :, None, None]  # [N, C, 1, 1]

if __name__ == "__main__":
    import jax
    _d = setup_inputs()
    print(jax.jit(kernel)(*tuple(_d.values())))

</pallas_src>

<mosaic_0001>
#map = affine_map<(d0, d1) -> (0)>
#map1 = affine_map<(d0, d1) -> (0, 0)>
module attributes {stable_mosaic.version = 14 : i64} {
  func.func @_pos_enc_sc(%arg0: i32, %arg1: i32, %arg2: memref<20000xf32, #tpu.memory_space<hbm>>, %arg3: memref<20000xf32, #tpu.memory_space<hbm>>, %arg4: memref<20000xf32, #tpu.memory_space<hbm>>, %arg5: memref<20000xf32, #tpu.memory_space<hbm>>, %arg6: memref<1024x256xf32, #tpu.memory_space<hbm>>, %arg7: memref<20000x256xf32, #tpu.memory_space<hbm>>, %arg8: memref<2560xf32, #tpu.memory_space<vmem>>, %arg9: memref<640xi32, #tpu.memory_space<vmem>>, %arg10: memref<128x256xf32, #tpu.memory_space<vmem>>, %arg11: memref<128x256xf32, #tpu.memory_space<vmem>>, %arg12: memref<!tpu.dma_semaphore, #tpu.memory_space<semaphore_mem>>, %arg13: memref<!tpu.dma_semaphore, #tpu.memory_space<semaphore_mem>>, %arg14: memref<!tpu.dma_semaphore, #tpu.memory_space<semaphore_mem>>, %arg15: memref<!tpu.dma_semaphore, #tpu.memory_space<semaphore_mem>>) attributes {dimension_semantics = [#tpu.dimension_semantics<core_parallel>, #tpu.dimension_semantics<subcore_parallel>], iteration_bounds = array<i64: 2, 16>, scalar_prefetch = 0 : i64, scratch_operands = 8 : i64, tpu.core_type = #tpu.core_type<sc_vector_subcore>, window_params = [{transform_indices = #map}, {transform_indices = #map}, {transform_indices = #map}, {transform_indices = #map}, {transform_indices = #map1}, {transform_indices = #map1}]} {
    %mul3A = arith.constant 2 : i32
    %mul3A_0 = arith.muli %arg1, %mul3A : i32
    %add3A = arith.addi %mul3A_0, %arg0 : i32
    %mul3A_1 = arith.constant 640 : i32
    %mul3A_2 = arith.muli %add3A, %mul3A_1 : i32
    %min3A = arith.constant 19360 : i32
    %min3A_3 = arith.minsi %mul3A_2, %min3A : i32
    %dma_start3A = arith.constant 0 : i32
    %dma_start3A_4 = tpu.memref_slice %arg8[%dma_start3A] : memref<2560xf32, #tpu.memory_space<vmem>> -> memref<640xf32, #tpu.memory_space<vmem>>
    %dma_start3A_5 = tpu.memref_slice %arg2[%min3A_3] : memref<20000xf32, #tpu.memory_space<hbm>> -> memref<640xf32, #tpu.memory_space<hbm>>
    %dma_start3A_6 = arith.constant 0 : i32
    %dma_start3A_7 = tpu.memref_slice %arg8[%dma_start3A_6] : memref<2560xf32, #tpu.memory_space<vmem>> -> memref<640xf32, #tpu.memory_space<vmem>>
    %dma_start3A_8 = tpu.memref_slice %arg2[%min3A_3] : memref<20000xf32, #tpu.memory_space<hbm>> -> memref<640xf32, #tpu.memory_space<hbm>>
    tpu.enqueue_dma source(%dma_start3A_8 : memref<640xf32, #tpu.memory_space<hbm>>) target(%dma_start3A_7 : memref<640xf32, #tpu.memory_space<vmem>>) target_semaphore(%arg12 : memref<!tpu.dma_semaphore, #tpu.memory_space<semaphore_mem>>)
    %dma_start3A_9 = arith.constant 640 : i32
    %dma_start3A_10 = tpu.memref_slice %arg8[%dma_start3A_9] : memref<2560xf32, #tpu.memory_space<vmem>> -> memref<640xf32, #tpu.memory_space<vmem>>
    %dma_start3A_11 = tpu.memref_slice %arg3[%min3A_3] : memref<20000xf32, #tpu.memory_space<hbm>> -> memref<640xf32, #tpu.memory_space<hbm>>
    %dma_start3A_12 = arith.constant 640 : i32
    %dma_start3A_13 = tpu.memref_slice %arg8[%dma_start3A_12] : memref<2560xf32, #tpu.memory_space<vmem>> -> memref<640xf32, #tpu.memory_space<vmem>>
    %dma_start3A_14 = tpu.memref_slice %arg3[%min3A_3] : memref<20000xf32, #tpu.memory_space<hbm>> -> memref<640xf32, #tpu.memory_space<hbm>>
    tpu.enqueue_dma source(%dma_start3A_14 : memref<640xf32, #tpu.memory_space<hbm>>) target(%dma_start3A_13 : memref<640xf32, #tpu.memory_space<vmem>>) target_semaphore(%arg13 : memref<!tpu.dma_semaphore, #tpu.memory_space<semaphore_mem>>)
    %dma_start3A_15 = arith.constant 1280 : i32
    %dma_start3A_16 = tpu.memref_slice %arg8[%dma_start3A_15] : memref<2560xf32, #tpu.memory_space<vmem>> -> memref<640xf32, #tpu.memory_space<vmem>>
    %dma_start3A_17 = tpu.memref_slice %arg4[%min3A_3] : memref<20000xf32, #tpu.memory_space<hbm>> -> memref<640xf32, #tpu.memory_space<hbm>>
    %dma_start3A_18 = arith.constant 1280 : i32
    %dma_start3A_19 = tpu.memref_slice %arg8[%dma_start3A_18] : memref<2560xf32, #tpu.memory_space<vmem>> -> memref<640xf32, #tpu.memory_space<vmem>>
    %dma_start3A_20 = tpu.memref_slice %arg4[%min3A_3] : memref<20000xf32, #tpu.memory_space<hbm>> -> memref<640xf32, #tpu.memory_space<hbm>>
    tpu.enqueue_dma source(%dma_start3A_20 : memref<640xf32, #tpu.memory_space<hbm>>) target(%dma_start3A_19 : memref<640xf32, #tpu.memory_space<vmem>>) target_semaphore(%arg14 : memref<!tpu.dma_semaphore, #tpu.memory_space<semaphore_mem>>)
    %dma_start3A_21 = arith.constant 1920 : i32
    %dma_start3A_22 = tpu.memref_slice %arg8[%dma_start3A_21] : memref<2560xf32, #tpu.memory_space<vmem>> -> memref<640xf32, #tpu.memory_space<vmem>>
    %dma_start3A_23 = tpu.memref_slice %arg5[%min3A_3] : memref<20000xf32, #tpu.memory_space<hbm>> -> memref<640xf32, #tpu.memory_space<hbm>>
    %dma_start3A_24 = arith.constant 1920 : i32
    %dma_start3A_25 = tpu.memref_slice %arg8[%dma_start3A_24] : memref<2560xf32, #tpu.memory_space<vmem>> -> memref<640xf32, #tpu.memory_space<vmem>>
    %dma_start3A_26 = tpu.memref_slice %arg5[%min3A_3] : memref<20000xf32, #tpu.memory_space<hbm>> -> memref<640xf32, #tpu.memory_space<hbm>>
    tpu.enqueue_dma source(%dma_start3A_26 : memref<640xf32, #tpu.memory_space<hbm>>) target(%dma_start3A_25 : memref<640xf32, #tpu.memory_space<vmem>>) target_semaphore(%arg15 : memref<!tpu.dma_semaphore, #tpu.memory_space<semaphore_mem>>)
    %dma_wait3A = arith.constant 0 : i32
    %dma_wait3A_27 = tpu.memref_slice %arg8[%dma_wait3A] : memref<2560xf32, #tpu.memory_space<vmem>> -> memref<640xf32, #tpu.memory_space<vmem>>
    %dma_wait3A_28 = tpu.memref_slice %arg2[%min3A_3] : memref<20000xf32, #tpu.memory_space<hbm>> -> memref<640xf32, #tpu.memory_space<hbm>>
    %dma_wait3A_29 = arith.constant 0 : i32
    %dma_wait3A_30 = tpu.memref_slice %arg8[%dma_wait3A_29] : memref<2560xf32, #tpu.memory_space<vmem>> -> memref<640xf32, #tpu.memory_space<vmem>>
    %dma_wait3A_31 = tpu.memref_slice %arg2[%min3A_3] : memref<20000xf32, #tpu.memory_space<hbm>> -> memref<640xf32, #tpu.memory_space<hbm>>
    tpu.wait_dma2 semaphore(%arg12 : memref<!tpu.dma_semaphore, #tpu.memory_space<semaphore_mem>>) src(%dma_wait3A_31 : memref<640xf32, #tpu.memory_space<hbm>>) dst(%dma_wait3A_30 : memref<640xf32, #tpu.memory_space<vmem>>)
    %dma_wait3A_32 = arith.constant 640 : i32
    %dma_wait3A_33 = tpu.memref_slice %arg8[%dma_wait3A_32] : memref<2560xf32, #tpu.memory_space<vmem>> -> memref<640xf32, #tpu.memory_space<vmem>>
    %dma_wait3A_34 = tpu.memref_slice %arg3[%min3A_3] : memref<20000xf32, #tpu.memory_space<hbm>> -> memref<640xf32, #tpu.memory_space<hbm>>
    %dma_wait3A_35 = arith.constant 640 : i32
    %dma_wait3A_36 = tpu.memref_slice %arg8[%dma_wait3A_35] : memref<2560xf32, #tpu.memory_space<vmem>> -> memref<640xf32, #tpu.memory_space<vmem>>
    %dma_wait3A_37 = tpu.memref_slice %arg3[%min3A_3] : memref<20000xf32, #tpu.memory_space<hbm>> -> memref<640xf32, #tpu.memory_space<hbm>>
    tpu.wait_dma2 semaphore(%arg13 : memref<!tpu.dma_semaphore, #tpu.memory_space<semaphore_mem>>) src(%dma_wait3A_37 : memref<640xf32, #tpu.memory_space<hbm>>) dst(%dma_wait3A_36 : memref<640xf32, #tpu.memory_space<vmem>>)
    %dma_wait3A_38 = arith.constant 1280 : i32
    %dma_wait3A_39 = tpu.memref_slice %arg8[%dma_wait3A_38] : memref<2560xf32, #tpu.memory_space<vmem>> -> memref<640xf32, #tpu.memory_space<vmem>>
    %dma_wait3A_40 = tpu.memref_slice %arg4[%min3A_3] : memref<20000xf32, #tpu.memory_space<hbm>> -> memref<640xf32, #tpu.memory_space<hbm>>
    %dma_wait3A_41 = arith.constant 1280 : i32
    %dma_wait3A_42 = tpu.memref_slice %arg8[%dma_wait3A_41] : memref<2560xf32, #tpu.memory_space<vmem>> -> memref<640xf32, #tpu.memory_space<vmem>>
    %dma_wait3A_43 = tpu.memref_slice %arg4[%min3A_3] : memref<20000xf32, #tpu.memory_space<hbm>> -> memref<640xf32, #tpu.memory_space<hbm>>
    tpu.wait_dma2 semaphore(%arg14 : memref<!tpu.dma_semaphore, #tpu.memory_space<semaphore_mem>>) src(%dma_wait3A_43 : memref<640xf32, #tpu.memory_space<hbm>>) dst(%dma_wait3A_42 : memref<640xf32, #tpu.memory_space<vmem>>)
    %dma_wait3A_44 = arith.constant 1920 : i32
    %dma_wait3A_45 = tpu.memref_slice %arg8[%dma_wait3A_44] : memref<2560xf32, #tpu.memory_space<vmem>> -> memref<640xf32, #tpu.memory_space<vmem>>
    %dma_wait3A_46 = tpu.memref_slice %arg5[%min3A_3] : memref<20000xf32, #tpu.memory_space<hbm>> -> memref<640xf32, #tpu.memory_space<hbm>>
    %dma_wait3A_47 = arith.constant 1920 : i32
    %dma_wait3A_48 = tpu.memref_slice %arg8[%dma_wait3A_47] : memref<2560xf32, #tpu.memory_space<vmem>> -> memref<640xf32, #tpu.memory_space<vmem>>
    %dma_wait3A_49 = tpu.memref_slice %arg5[%min3A_3] : memref<20000xf32, #tpu.memory_space<hbm>> -> memref<640xf32, #tpu.memory_space<hbm>>
    tpu.wait_dma2 semaphore(%arg15 : memref<!tpu.dma_semaphore, #tpu.memory_space<semaphore_mem>>) src(%dma_wait3A_49 : memref<640xf32, #tpu.memory_space<hbm>>) dst(%dma_wait3A_48 : memref<640xf32, #tpu.memory_space<vmem>>)
    %get3A = arith.constant 0 : index
    %get3A_50 = tpu.vector_load %arg8[%get3A] {strides = array<i32>} : memref<2560xf32, #tpu.memory_space<vmem>>, vector<16xf32>,
    %get3A_51 = vector.shape_cast %get3A_50 : vector<16xf32> to vector<16xf32>
    %get3A_52 = arith.constant 1280 : index
    %get3A_53 = tpu.vector_load %arg8[%get3A_52] {strides = array<i32>} : memref<2560xf32, #tpu.memory_space<vmem>>, vector<16xf32>,
    %get3A_54 = vector.shape_cast %get3A_53 : vector<16xf32> to vector<16xf32>
    %add3A_55 = arith.addf %get3A_51, %get3A_54 : vector<16xf32>
    %get3A_56 = arith.constant 640 : index
    %get3A_57 = tpu.vector_load %arg8[%get3A_56] {strides = array<i32>} : memref<2560xf32, #tpu.memory_space<vmem>>, vector<16xf32>,
    %get3A_58 = vector.shape_cast %get3A_57 : vector<16xf32> to vector<16xf32>
    %get3A_59 = arith.constant 1920 : index
    %get3A_60 = tpu.vector_load %arg8[%get3A_59] {strides = array<i32>} : memref<2560xf32, #tpu.memory_space<vmem>>, vector<16xf32>,
    %get3A_61 = vector.shape_cast %get3A_60 : vector<16xf32> to vector<16xf32>
    %add3A_62 = arith.addf %get3A_58, %get3A_61 : vector<16xf32>
    %mul3A_63 = arith.constant 4.960000e+02 : f32
    %mul3A_64 = vector.broadcast %mul3A_63 : f32 to vector<16xf32>
    %mul3A_65 = arith.mulf %add3A_55, %mul3A_64 : vector<16xf32>
    %add3A_66 = arith.constant 0x4DC00000 : f32
    %add3A_67 = vector.broadcast %add3A_66 : f32 to vector<16xf32>
    %add3A_68 = arith.addf %mul3A_65, %add3A_67 : vector<16xf32>
    %sub3A = arith.constant 0x4DC00000 : f32
    %sub3A_69 = vector.broadcast %sub3A : f32 to vector<16xf32>
    %sub3A_70 = arith.subf %add3A_68, %sub3A_69 : vector<16xf32>
    %mul3A_71 = arith.constant 1.550000e+01 : f32
    %mul3A_72 = vector.broadcast %mul3A_71 : f32 to vector<16xf32>
    %mul3A_73 = arith.mulf %add3A_62, %mul3A_72 : vector<16xf32>
    %add3A_74 = arith.constant 0x4B400000 : f32
    %add3A_75 = vector.broadcast %add3A_74 : f32 to vector<16xf32>
    %add3A_76 = arith.addf %mul3A_73, %add3A_75 : vector<16xf32>
    %sub3A_77 = arith.constant 0x4B400000 : f32
    %sub3A_78 = vector.broadcast %sub3A_77 : f32 to vector<16xf32>
    %sub3A_79 = arith.subf %add3A_76, %sub3A_78 : vector<16xf32>
    %jit3A = arith.constant 0.000000e+00 : f32
    %jit3A_80 = arith.constant 9.920000e+02 : f32
    %max3A = vector.broadcast %jit3A : f32 to vector<16xf32>
    %max3A_81 = arith.maximumf %max3A, %sub3A_70 : vector<16xf32>
    %min3A_82 = vector.broadcast %jit3A_80 : f32 to vector<16xf32>
    %min3A_83 = arith.minimumf %min3A_82, %max3A_81 : vector<16xf32>
    %jit3A_84 = arith.constant 0.000000e+00 : f32
    %jit3A_85 = arith.constant 3.100000e+01 : f32
    %max3A_86 = vector.broadcast %jit3A_84 : f32 to vector<16xf32>
    %max3A_87 = arith.maximumf %max3A_86, %sub3A_79 : vector<16xf32>
    %min3A_88 = vector.broadcast %jit3A_85 : f32 to vector<16xf32>
    %min3A_89 = arith.minimumf %min3A_88, %max3A_87 : vector<16xf32>
    %add3A_90 = arith.addf %min3A_83, %min3A_89 : vector<16xf32>
    %convert_element_type3A = arith.fptosi %add3A_90 : vector<16xf32> to vector<16xi32>
    %swap3A = arith.constant 0 : index
    %swap3A_91 = tpu.vector_load %arg9[%swap3A] {strides = array<i32>} : memref<640xi32, #tpu.memory_space<vmem>>, vector<16xi32>,
    %swap3A_92 = vector.shape_cast %swap3A_91 : vector<16xi32> to vector<16xi32>
    %swap3A_93 = vector.shape_cast %convert_element_type3A : vector<16xi32> to vector<16xi32>
    tpu.vector_store %arg9[%swap3A], %swap3A_93 {strides = array<i32>} : memref<640xi32, #tpu.memory_space<vmem>>, vector<16xi32>,
    %get3A_94 = arith.constant 16 : index
    %get3A_95 = tpu.vector_load %arg8[%get3A_94] {strides = array<i32>} : memref<2560xf32, #tpu.memory_space<vmem>>, vector<16xf32>,
    %get3A_96 = vector.shape_cast %get3A_95 : vector<16xf32> to vector<16xf32>
    %get3A_97 = arith.constant 1296 : index
    %get3A_98 = tpu.vector_load %arg8[%get3A_97] {strides = array<i32>} : memref<2560xf32, #tpu.memory_space<vmem>>, vector<16xf32>,
    %get3A_99 = vector.shape_cast %get3A_98 : vector<16xf32> to vector<16xf32>
    %add3A_100 = arith.addf %get3A_96, %get3A_99 : vector<16xf32>
    %get3A_101 = arith.constant 656 : index
    %get3A_102 = tpu.vector_load %arg8[%get3A_101] {strides = array<i32>} : memref<2560xf32, #tpu.memory_space<vmem>>, vector<16xf32>,
    %get3A_103 = vector.shape_cast %get3A_102 : vector<16xf32> to vector<16xf32>
    %get3A_104 = arith.constant 1936 : index
    %get3A_105 = tpu.vector_load %arg8[%get3A_104] {strides = array<i32>} : memref<2560xf32, #tpu.memory_space<vmem>>, vector<16xf32>,
    %get3A_106 = vector.shape_cast %get3A_105 : vector<16xf32> to vector<16xf32>
    %add3A_107 = arith.addf %get3A_103, %get3A_106 : vector<16xf32>
    %mul3A_108 = arith.constant 4.960000e+02 : f32
    %mul3A_109 = vector.broadcast %mul3A_108 : f32 to vector<16xf32>
    %mul3A_110 = arith.mulf %add3A_100, %mul3A_109 : vector<16xf32>
    %add3A_111 = arith.constant 0x4DC00000 : f32
    %add3A_112 = vector.broadcast %add3A_111 : f32 to vector<16xf32>
    %add3A_113 = arith.addf %mul3A_110, %add3A_112 : vector<16xf32>
    %sub3A_114 = arith.constant 0x4DC00000 : f32
    %sub3A_115 = vector.broadcast %sub3A_114 : f32 to vector<16xf32>
    %sub3A_116 = arith.subf %add3A_113, %sub3A_115 : vector<16xf32>
    %mul3A_117 = arith.constant 1.550000e+01 : f32
    %mul3A_118 = vector.broadcast %mul3A_117 : f32 to vector<16xf32>
    %mul3A_119 = arith.mulf %add3A_107, %mul3A_118 : vector<16xf32>
    %add3A_120 = arith.constant 0x4B400000 : f32
    %add3A_121 = vector.broadcast %add3A_120 : f32 to vector<16xf32>
    %add3A_122 = arith.addf %mul3A_119, %add3A_121 : vector<16xf32>
    %sub3A_123 = arith.constant 0x4B400000 : f32
    %sub3A_124 = vector.broadcast %sub3A_123 : f32 to vector<16xf32>
    %sub3A_125 = arith.subf %add3A_122, %sub3A_124 : vector<16xf32>
    %jit3A_126 = arith.constant 0.000000e+00 : f32
    %jit3A_127 = arith.constant 9.920000e+02 : f32
    %max3A_128 = vector.broadcast %jit3A_126 : f32 to vector<16xf32>
    %max3A_129 = arith.maximumf %max3A_128, %sub3A_116 : vector<16xf32>
    %min3A_130 = vector.broadcast %jit3A_127 : f32 to vector<16xf32>
    %min3A_131 = arith.minimumf %min3A_130, %max3A_129 : vector<16xf32>
    %jit3A_132 = arith.constant 0.000000e+00 : f32
    %jit3A_133 = arith.constant 3.100000e+01 : f32
    %max3A_134 = vector.broadcast %jit3A_132 : f32 to vector<16xf32>
    %max3A_135 = arith.maximumf %max3A_134, %sub3A_125 : vector<16xf32>
    %min3A_136 = vector.broadcast %jit3A_133 : f32 to vector<16xf32>
    %min3A_137 = arith.minimumf %min3A_136, %max3A_135 : vector<16xf32>
    %add3A_138 = arith.addf %min3A_131, %min3A_137 : vector<16xf32>
    %convert_element_type3A_139 = arith.fptosi %add3A_138 : vector<16xf32> to vector<16xi32>
    %swap3A_140 = arith.constant 16 : index
    %swap3A_141 = tpu.vector_load %arg9[%swap3A_140] {strides = array<i32>} : memref<640xi32, #tpu.memory_space<vmem>>, vector<16xi32>,
    %swap3A_142 = vector.shape_cast %swap3A_141 : vector<16xi32> to vector<16xi32>
    %swap3A_143 = vector.shape_cast %convert_element_type3A_139 : vector<16xi32> to vector<16xi32>
    tpu.vector_store %arg9[%swap3A_140], %swap3A_143 {strides = array<i32>} : memref<640xi32, #tpu.memory_space<vmem>>, vector<16xi32>,
    %get3A_144 = arith.constant 32 : index
    %get3A_145 = tpu.vector_load %arg8[%get3A_144] {strides = array<i32>} : memref<2560xf32, #tpu.memory_space<vmem>>, vector<16xf32>,
    %get3A_146 = vector.shape_cast %get3A_145 : vector<16xf32> to vector<16xf32>
    %get3A_147 = arith.constant 1312 : index
    %get3A_148 = tpu.vector_load %arg8[%get3A_147] {strides = array<i32>} : memref<2560xf32, #tpu.memory_space<vmem>>, vector<16xf32>,
    %get3A_149 = vector.shape_cast %get3A_148 : vector<16xf32> to vector<16xf32>
    %add3A_150 = arith.addf %get3A_146, %get3A_149 : vector<16xf32>
    %get3A_151 = arith.constant 672 : index
    %get3A_152 = tpu.vector_load %arg8[%get3A_151] {strides = array<i32>} : memref<2560xf32, #tpu.memory_space<vmem>>, vector<16xf32>,
    %get3A_153 = vector.shape_cast %get3A_152 : vector<16xf32> to vector<16xf32>
    %get3A_154 = arith.constant 1952 : index
    %get3A_155 = tpu.vector_load %arg8[%get3A_154] {strides = array<i32>} : memref<2560xf32, #tpu.memory_space<vmem>>, vector<16xf32>,
    %get3A_156 = vector.shape_cast %get3A_155 : vector<16xf32> to vector<16xf32>
    %add3A_157 = arith.addf %get3A_153, %get3A_156 : vector<16xf32>
    %mul3A_158 = arith.constant 4.960000e+02 : f32
    %mul3A_159 = vector.broadcast %mul3A_158 : f32 to vector<16xf32>
    %mul3A_160 = arith.mulf %add3A_150, %mul3A_159 : vector<16xf32>
    %add3A_161 = arith.constant 0x4DC00000 : f32
    %add3A_162 = vector.broadcast %add3A_161 : f32 to vector<16xf32>
    %add3A_163 = arith.addf %mul3A_160, %add3A_162 : vector<16xf32>
    %sub3A_164 = arith.constant 0x4DC00000 : f32
    %sub3A_165 = vector.broadcast %sub3A_164 : f32 to vector<16xf32>
    %sub3A_166 = arith.subf %add3A_163, %sub3A_165 : vector<16xf32>
    %mul3A_167 = arith.constant 1.550000e+01 : f32
    %mul3A_168 = vector.broadcast %mul3A_167 : f32 to vector<16xf32>
    %mul3A_169 = arith.mulf %add3A_157, %mul3A_168 : vector<16xf32>
    %add3A_170 = arith.constant 0x4B400000 : f32
    %add3A_171 = vector.broadcast %add3A_170 : f32 to vector<16xf32>
    %add3A_172 = arith.addf %mul3A_169, %add3A_171 : vector<16xf32>
    %sub3A_173 = arith.constant 0x4B400000 : f32
    %sub3A_174 = vector.broadcast %sub3A_173 : f32 to vector<16xf32>
    %sub3A_175 = arith.subf %add3A_172, %sub3A_174 : vector<16xf32>
    %jit3A_176 = arith.constant 0.000000e+00 : f32
    %jit3A_177 = arith.constant 9.920000e+02 : f32
    %max3A_178 = vector.broadcast %jit3A_176 : f32 to vector<16xf32>
    %max3A_179 = arith.maximumf %max3A_178, %sub3A_166 : vector<16xf32>
    %min3A_180 = vector.broadcast %jit3A_177 : f32 to vector<16xf32>
    %min3A_181 = arith.minimumf %min3A_180, %max3A_179 : vector<16xf32>
    %jit3A_182 = arith.constant 0.000000e+00 : f32
    %jit3A_183 = arith.constant 3.100000e+01 : f32
    %max3A_184 = vector.broadcast %jit3A_182 : f32 to vector<16xf32>
    %max3A_185 = arith.maximumf %max3A_184, %sub3A_175 : vector<16xf32>
    %min3A_186 = vector.broadcast %jit3A_183 : f32 to vector<16xf32>
    %min3A_187 = arith.minimumf %min3A_186, %max3A_185 : vector<16xf32>
    %add3A_188 = arith.addf %min3A_181, %min3A_187 : vector<16xf32>
    %convert_element_type3A_189 = arith.fptosi %add3A_188 : vector<16xf32> to vector<16xi32>
    %swap3A_190 = arith.constant 32 : index
    %swap3A_191 = tpu.vector_load %arg9[%swap3A_190] {strides = array<i32>} : memref<640xi32, #tpu.memory_space<vmem>>, vector<16xi32>,
    %swap3A_192 = vector.shape_cast %swap3A_191 : vector<16xi32> to vector<16xi32>
    %swap3A_193 = vector.shape_cast %convert_element_type3A_189 : vector<16xi32> to vector<16xi32>
    tpu.vector_store %arg9[%swap3A_190], %swap3A_193 {strides = array<i32>} : memref<640xi32, #tpu.memory_space<vmem>>, vector<16xi32>,
    %get3A_194 = arith.constant 48 : index
    %get3A_195 = tpu.vector_load %arg8[%get3A_194] {strides = array<i32>} : memref<2560xf32, #tpu.memory_space<vmem>>, vector<16xf32>,
    %get3A_196 = vector.shape_cast %get3A_195 : vector<16xf32> to vector<16xf32>
    %get3A_197 = arith.constant 1328 : index
    %get3A_198 = tpu.vector_load %arg8[%get3A_197] {strides = array<i32>} : memref<2560xf32, #tpu.memory_space<vmem>>, vector<16xf32>,
    %get3A_199 = vector.shape_cast %get3A_198 : vector<16xf32> to vector<16xf32>
    %add3A_200 = arith.addf %get3A_196, %get3A_199 : vector<16xf32>
    %get3A_201 = arith.constant 688 : index
    %get3A_202 = tpu.vector_load %arg8[%get3A_201] {strides = array<i32>} : memref<2560xf32, #tpu.memory_space<vmem>>, vector<16xf32>,
    %get3A_203 = vector.shape_cast %get3A_202 : vector<16xf32> to vector<16xf32>
    %get3A_204 = arith.constant 1968 : index
    %get3A_205 = tpu.vector_load %arg8[%get3A_204] {strides = array<i32>} : memref<2560xf32, #tpu.memory_space<vmem>>, vector<16xf32>,
    %get3A_206 = vector.shape_cast %get3A_205 : vector<16xf32> to vector<16xf32>
    %add3A_207 = arith.addf %get3A_203, %get3A_206 : vector<16xf32>
    %mul3A_208 = arith.constant 4.960000e+02 : f32
    %mul3A_209 = vector.broadcast %mul3A_208 : f32 to vector<16xf32>
    %mul3A_210 = arith.mulf %add3A_200, %mul3A_209 : vector<16xf32>
    %add3A_211 = arith.constant 0x4DC00000 : f32
    %add3A_212 = vector.broadcast %add3A_211 : f32 to vector<16xf32>
    %add3A_213 = arith.addf %mul3A_210, %add3A_212 : vector<16xf32>
    %sub3A_214 = arith.constant 0x4DC00000 : f32
    %sub3A_215 = vector.broadcast %sub3A_214 : f32 to vector<16xf32>
    %sub3A_216 = arith.subf %add3A_213, %sub3A_215 : vector<16xf32>
    %mul3A_217 = arith.constant 1.550000e+01 : f32
    %mul3A_218 = vector.broadcast %mul3A_217 : f32 to vector<16xf32>
    %mul3A_219 = arith.mulf %add3A_207, %mul3A_218 : vector<16xf32>
    %add3A_220 = arith.constant 0x4B400000 : f32
    %add3A_221 = vector.broadcast %add3A_220 : f32 to vector<16xf32>
    %add3A_222 = arith.addf %mul3A_219, %add3A_221 : vector<16xf32>
    %sub3A_223 = arith.constant 0x4B400000 : f32
    %sub3A_224 = vector.broadcast %sub3A_223 : f32 to vector<16xf32>
    %sub3A_225 = arith.subf %add3A_222, %sub3A_224 : vector<16xf32>
    %jit3A_226 = arith.constant 0.000000e+00 : f32
    %jit3A_227 = arith.constant 9.920000e+02 : f32
    %max3A_228 = vector.broadcast %jit3A_226 : f32 to vector<16xf32>
    %max3A_229 = arith.maximumf %max3A_228, %sub3A_216 : vector<16xf32>
    %min3A_230 = vector.broadcast %jit3A_227 : f32 to vector<16xf32>
    %min3A_231 = arith.minimumf %min3A_230, %max3A_229 : vector<16xf32>
    %jit3A_232 = arith.constant 0.000000e+00 : f32
    %jit3A_233 = arith.constant 3.100000e+01 : f32
    %max3A_234 = vector.broadcast %jit3A_232 : f32 to vector<16xf32>
    %max3A_235 = arith.maximumf %max3A_234, %sub3A_225 : vector<16xf32>
    %min3A_236 = vector.broadcast %jit3A_233 : f32 to vector<16xf32>
    %min3A_237 = arith.minimumf %min3A_236, %max3A_235 : vector<16xf32>
    %add3A_238 = arith.addf %min3A_231, %min3A_237 : vector<16xf32>
    %convert_element_type3A_239 = arith.fptosi %add3A_238 : vector<16xf32> to vector<16xi32>
    %swap3A_240 = arith.constant 48 : index
    %swap3A_241 = tpu.vector_load %arg9[%swap3A_240] {strides = array<i32>} : memref<640xi32, #tpu.memory_space<vmem>>, vector<16xi32>,
    %swap3A_242 = vector.shape_cast %swap3A_241 : vector<16xi32> to vector<16xi32>
    %swap3A_243 = vector.shape_cast %convert_element_type3A_239 : vector<16xi32> to vector<16xi32>
    tpu.vector_store %arg9[%swap3A_240], %swap3A_243 {strides = array<i32>} : memref<640xi32, #tpu.memory_space<vmem>>, vector<16xi32>,
    %get3A_244 = arith.constant 64 : index
    %get3A_245 = tpu.vector_load %arg8[%get3A_244] {strides = array<i32>} : memref<2560xf32, #tpu.memory_space<vmem>>, vector<16xf32>,
    %get3A_246 = vector.shape_cast %get3A_245 : vector<16xf32> to vector<16xf32>
    %get3A_247 = arith.constant 1344 : index
    %get3A_248 = tpu.vector_load %arg8[%get3A_247] {strides = array<i32>} : memref<2560xf32, #tpu.memory_space<vmem>>, vector<16xf32>,
    %get3A_249 = vector.shape_cast %get3A_248 : vector<16xf32> to vector<16xf32>
    %add3A_250 = arith.addf %get3A_246, %get3A_249 : vector<16xf32>
    %get3A_251 = arith.constant 704 : index
    %get3A_252 = tpu.vector_load %arg8[%get3A_251] {strides = array<i32>} : memref<2560xf32, #tpu.memory_space<vmem>>, vector<16xf32>,
    %get3A_253 = vector.shape_cast %get3A_252 : vector<16xf32> to vector<16xf32>
    %get3A_254 = arith.constant 1984 : index
    %get3A_255 = tpu.vector_load %arg8[%get3A_254] {strides = array<i32>} : memref<2560xf32, #tpu.memory_space<vmem>>, vector<16xf32>,
    %get3A_256 = vector.shape_cast %get3A_255 : vector<16xf32> to vector<16xf32>
    %add3A_257 = arith.addf %get3A_253, %get3A_256 : vector<16xf32>
    %mul3A_258 = arith.constant 4.960000e+02 : f32
    %mul3A_259 = vector.broadcast %mul3A_258 : f32 to vector<16xf32>
    %mul3A_260 = arith.mulf %add3A_250, %mul3A_259 : vector<16xf32>
    %add3A_261 = arith.constant 0x4DC00000 : f32
    %add3A_262 = vector.broadcast %add3A_261 : f32 to vector<16xf32>
    %add3A_263 = arith.addf %mul3A_260, %add3A_262 : vector<16xf32>
    %sub3A_264 = arith.constant 0x4DC00000 : f32
    %sub3A_265 = vector.broadcast %sub3A_264 : f32 to vector<16xf32>
    %sub3A_266 = arith.subf %add3A_263, %sub3A_265 : vector<16xf32>
    %mul3A_267 = arith.constant 1.550000e+01 : f32
    %mul3A_268 = vector.broadcast %mul3A_267 : f32 to vector<16xf32>
    %mul3A_269 = arith.mulf %add3A_257, %mul3A_268 : vector<16xf32>
    %add3A_270 = arith.constant 0x4B400000 : f32
    %add3A_271 = vector.broadcast %add3A_270 : f32 to vector<16xf32>
    %add3A_272 = arith.addf %mul3A_269, %add3A_271 : vector<16xf32>
    %sub3A_273 = arith.constant 0x4B400000 : f32
    %sub3A_274 = vector.broadcast %sub3A_273 : f32 to vector<16xf32>
    %sub3A_275 = arith.subf %add3A_272, %sub3A_274 : vector<16xf32>
    %jit3A_276 = arith.constant 0.000000e+00 : f32
    %jit3A_277 = arith.constant 9.920000e+02 : f32
    %max3A_278 = vector.broadcast %jit3A_276 : f32 to vector<16xf32>
    %max3A_279 = arith.maximumf %max3A_278, %sub3A_266 : vector<16xf32>
    %min3A_280 = vector.broadcast %jit3A_277 : f32 to vector<16xf32>
    %min3A_281 = arith.minimumf %min3A_280, %max3A_279 : vector<16xf32>
    %jit3A_282 = arith.constant 0.000000e+00 : f32
    %jit3A_283 = arith.constant 3.100000e+01 : f32
    %max3A_284 = vector.broadcast %jit3A_282 : f32 to vector<16xf32>
    %max3A_285 = arith.maximumf %max3A_284, %sub3A_275 : vector<16xf32>
    %min3A_286 = vector.broadcast %jit3A_283 : f32 to vector<16xf32>
    %min3A_287 = arith.minimumf %min3A_286, %max3A_285 : vector<16xf32>
    %add3A_288 = arith.addf %min3A_281, %min3A_287 : vector<16xf32>
    %convert_element_type3A_289 = arith.fptosi %add3A_288 : vector<16xf32> to vector<16xi32>
    %swap3A_290 = arith.constant 64 : index
    %swap3A_291 = tpu.vector_load %arg9[%swap3A_290] {strides = array<i32>} : memref<640xi32, #tpu.memory_space<vmem>>, vector<16xi32>,
    %swap3A_292 = vector.shape_cast %swap3A_291 : vector<16xi32> to vector<16xi32>
    %swap3A_293 = vector.shape_cast %convert_element_type3A_289 : vector<16xi32> to vector<16xi32>
    tpu.vector_store %arg9[%swap3A_290], %swap3A_293 {strides = array<i32>} : memref<640xi32, #tpu.memory_space<vmem>>, vector<16xi32>,
    %get3A_294 = arith.constant 80 : index
    %get3A_295 = tpu.vector_load %arg8[%get3A_294] {strides = array<i32>} : memref<2560xf32, #tpu.memory_space<vmem>>, vector<16xf32>,
    %get3A_296 = vector.shape_cast %get3A_295 : vector<16xf32> to vector<16xf32>
    %get3A_297 = arith.constant 1360 : index
    %get3A_298 = tpu.vector_load %arg8[%get3A_297] {strides = array<i32>} : memref<2560xf32, #tpu.memory_space<vmem>>, vector<16xf32>,
    %get3A_299 = vector.shape_cast %get3A_298 : vector<16xf32> to vector<16xf32>
    %add3A_300 = arith.addf %get3A_296, %get3A_299 : vector<16xf32>
    %get3A_301 = arith.constant 720 : index
    %get3A_302 = tpu.vector_load %arg8[%get3A_301] {strides = array<i32>} : memref<2560xf32, #tpu.memory_space<vmem>>, vector<16xf32>,
    %get3A_303 = vector.shape_cast %get3A_302 : vector<16xf32> to vector<16xf32>
    %get3A_304 = arith.constant 2000 : index
    %get3A_305 = tpu.vector_load %arg8[%get3A_304] {strides = array<i32>} : memref<2560xf32, #tpu.memory_space<vmem>>, vector<16xf32>,
    %get3A_306 = vector.shape_cast %get3A_305 : vector<16xf32> to vector<16xf32>
    %add3A_307 = arith.addf %get3A_303, %get3A_306 : vector<16xf32>
    %mul3A_308 = arith.constant 4.960000e+02 : f32
    %mul3A_309 = vector.broadcast %mul3A_308 : f32 to vector<16xf32>
    %mul3A_310 = arith.mulf %add3A_300, %mul3A_309 : vector<16xf32>
    %add3A_311 = arith.constant 0x4DC00000 : f32
    %add3A_312 = vector.broadcast %add3A_311 : f32 to vector<16xf32>
    %add3A_313 = arith.addf %mul3A_310, %add3A_312 : vector<16xf32>
    %sub3A_314 = arith.constant 0x4DC00000 : f32
    %sub3A_315 = vector.broadcast %sub3A_314 : f32 to vector<16xf32>
    %sub3A_316 = arith.subf %add3A_313, %sub3A_315 : vector<16xf32>
    %mul3A_317 = arith.constant 1.550000e+01 : f32
    %mul3A_318 = vector.broadcast %mul3A_317 : f32 to vector<16xf32>
    %mul3A_319 = arith.mulf %add3A_307, %mul3A_318 : vector<16xf32>
    %add3A_320 = arith.constant 0x4B400000 : f32
    %add3A_321 = vector.broadcast %add3A_320 : f32 to vector<16xf32>
    %add3A_322 = arith.addf %mul3A_319, %add3A_321 : vector<16xf32>
    %sub3A_323 = arith.constant 0x4B400000 : f32
    %sub3A_324 = vector.broadcast %sub3A_323 : f32 to vector<16xf32>
    %sub3A_325 = arith.subf %add3A_322, %sub3A_324 : vector<16xf32>
    %jit3A_326 = arith.constant 0.000000e+00 : f32
    %jit3A_327 = arith.constant 9.920000e+02 : f32
    %max3A_328 = vector.broadcast %jit3A_326 : f32 to vector<16xf32>
    %max3A_329 = arith.maximumf %max3A_328, %sub3A_316 : vector<16xf32>
    %min3A_330 = vector.broadcast %jit3A_327 : f32 to vector<16xf32>
    %min3A_331 = arith.minimumf %min3A_330, %max3A_329 : vector<16xf32>
    %jit3A_332 = arith.constant 0.000000e+00 : f32
    %jit3A_333 = arith.constant 3.100000e+01 : f32
    %max3A_334 = vector.broadcast %jit3A_332 : f32 to vector<16xf32>
    %max3A_335 = arith.maximumf %max3A_334, %sub3A_325 : vector<16xf32>
    %min3A_336 = vector.broadcast %jit3A_333 : f32 to vector<16xf32>
    %min3A_337 = arith.minimumf %min3A_336, %max3A_335 : vector<16xf32>
    %add3A_338 = arith.addf %min3A_331, %min3A_337 : vector<16xf32>
    %convert_element_type3A_339 = arith.fptosi %add3A_338 : vector<16xf32> to vector<16xi32>
    %swap3A_340 = arith.constant 80 : index
    %swap3A_341 = tpu.vector_load %arg9[%swap3A_340] {strides = array<i32>} : memref<640xi32, #tpu.memory_space<vmem>>, vector<16xi32>,
    %swap3A_342 = vector.shape_cast %swap3A_341 : vector<16xi32> to vector<16xi32>
    %swap3A_343 = vector.shape_cast %convert_element_type3A_339 : vector<16xi32> to vector<16xi32>
    tpu.vector_store %arg9[%swap3A_340], %swap3A_343 {strides = array<i32>} : memref<640xi32, #tpu.memory_space<vmem>>, vector<16xi32>,
    %get3A_344 = arith.constant 96 : index
    %get3A_345 = tpu.vector_load %arg8[%get3A_344] {strides = array<i32>} : memref<2560xf32, #tpu.memory_space<vmem>>, vector<16xf32>,
    %get3A_346 = vector.shape_cast %get3A_345 : vector<16xf32> to vector<16xf32>
    %get3A_347 = arith.constant 1376 : index
    %get3A_348 = tpu.vector_load %arg8[%get3A_347] {strides = array<i32>} : memref<2560xf32, #tpu.memory_space<vmem>>, vector<16xf32>,
    %get3A_349 = vector.shape_cast %get3A_348 : vector<16xf32> to vector<16xf32>
    %add3A_350 = arith.addf %get3A_346, %get3A_349 : vector<16xf32>
    %get3A_351 = arith.constant 736 : index
    %get3A_352 = tpu.vector_load %arg8[%get3A_351] {strides = array<i32>} : memref<2560xf32, #tpu.memory_space<vmem>>, vector<16xf32>,
    %get3A_353 = vector.shape_cast %get3A_352 : vector<16xf32> to vector<16xf32>
    %get3A_354 = arith.constant 2016 : index
    %get3A_355 = tpu.vector_load %arg8[%get3A_354] {strides = array<i32>} : memref<2560xf32, #tpu.memory_space<vmem>>, vector<16xf32>,
    %get3A_356 = vector.shape_cast %get3A_355 : vector<16xf32> to vector<16xf32>
    %add3A_357 = arith.addf %get3A_353, %get3A_356 : vector<16xf32>
    %mul3A_358 = arith.constant 4.960000e+02 : f32
    %mul3A_359 = vector.broadcast %mul3A_358 : f32 to vector<16xf32>
    %mul3A_360 = arith.mulf %add3A_350, %mul3A_359 : vector<16xf32>
    %add3A_361 = arith.constant 0x4DC00000 : f32
    %add3A_362 = vector.broadcast %add3A_361 : f32 to vector<16xf32>
    %add3A_363 = arith.addf %mul3A_360, %add3A_362 : vector<16xf32>
    %sub3A_364 = arith.constant 0x4DC00000 : f32
    %sub3A_365 = vector.broadcast %sub3A_364 : f32 to vector<16xf32>
    %sub3A_366 = arith.subf %add3A_363, %sub3A_365 : vector<16xf32>
    %mul3A_367 = arith.constant 1.550000e+01 : f32
    %mul3A_368 = vector.broadcast %mul3A_367 : f32 to vector<16xf32>
    %mul3A_369 = arith.mulf %add3A_357, %mul3A_368 : vector<16xf32>
    %add3A_370 = arith.constant 0x4B400000 : f32
    %add3A_371 = vector.broadcast %add3A_370 : f32 to vector<16xf32>
    %add3A_372 = arith.addf %mul3A_369, %add3A_371 : vector<16xf32>
    %sub3A_373 = arith.constant 0x4B400000 : f32
    %sub3A_374 = vector.broadcast %sub3A_373 : f32 to vector<16xf32>
    %sub3A_375 = arith.subf %add3A_372, %sub3A_374 : vector<16xf32>
    %jit3A_376 = arith.constant 0.000000e+00 : f32
    %jit3A_377 = arith.constant 9.920000e+02 : f32
    %max3A_378 = vector.broadcast %jit3A_376 : f32 to vector<16xf32>
    %max3A_379 = arith.maximumf %max3A_378, %sub3A_366 : vector<16xf32>
    %min3A_380 = vector.broadcast %jit3A_377 : f32 to vector<16xf32>
    %min3A_381 = arith.minimumf %min3A_380, %max3A_379 : vector<16xf32>
    %jit3A_382 = arith.constant 0.000000e+00 : f32
    %jit3A_383 = arith.constant 3.100000e+01 : f32
    %max3A_384 = vector.broadcast %jit3A_382 : f32 to vector<16xf32>
    %max3A_385 = arith.maximumf %max3A_384, %sub3A_375 : vector<16xf32>
    %min3A_386 = vector.broadcast %jit3A_383 : f32 to vector<16xf32>
    %min3A_387 = arith.minimumf %min3A_386, %max3A_385 : vector<16xf32>
    %add3A_388 = arith.addf %min3A_381, %min3A_387 : vector<16xf32>
    %convert_element_type3A_389 = arith.fptosi %add3A_388 : vector<16xf32> to vector<16xi32>
    %swap3A_390 = arith.constant 96 : index
    %swap3A_391 = tpu.vector_load %arg9[%swap3A_390] {strides = array<i32>} : memref<640xi32, #tpu.memory_space<vmem>>, vector<16xi32>,
    %swap3A_392 = vector.shape_cast %swap3A_391 : vector<16xi32> to vector<16xi32>
    %swap3A_393 = vector.shape_cast %convert_element_type3A_389 : vector<16xi32> to vector<16xi32>
    tpu.vector_store %arg9[%swap3A_390], %swap3A_393 {strides = array<i32>} : memref<640xi32, #tpu.memory_space<vmem>>, vector<16xi32>,
    %get3A_394 = arith.constant 112 : index
    %get3A_395 = tpu.vector_load %arg8[%get3A_394] {strides = array<i32>} : memref<2560xf32, #tpu.memory_space<vmem>>, vector<16xf32>,
    %get3A_396 = vector.shape_cast %get3A_395 : vector<16xf32> to vector<16xf32>
    %get3A_397 = arith.constant 1392 : index
    %get3A_398 = tpu.vector_load %arg8[%get3A_397] {strides = array<i32>} : memref<2560xf32, #tpu.memory_space<vmem>>, vector<16xf32>,
    %get3A_399 = vector.shape_cast %get3A_398 : vector<16xf32> to vector<16xf32>
    %add3A_400 = arith.addf %get3A_396, %get3A_399 : vector<16xf32>
    %get3A_401 = arith.constant 752 : index
    %get3A_402 = tpu.vector_load %arg8[%get3A_401] {strides = array<i32>} : memref<2560xf32, #tpu.memory_space<vmem>>, vector<16xf32>,
    %get3A_403 = vector.shape_cast %get3A_402 : vector<16xf32> to vector<16xf32>
    %get3A_404 = arith.constant 2032 : index
    %get3A_405 = tpu.vector_load %arg8[%get3A_404] {strides = array<i32>} : memref<2560xf32, #tpu.memory_space<vmem>>, vector<16xf32>,
    %get3A_406 = vector.shape_cast %get3A_405 : vector<16xf32> to vector<16xf32>
    %add3A_407 = arith.addf %get3A_403, %get3A_406 : vector<16xf32>
    %mul3A_408 = arith.constant 4.960000e+02 : f32
    %mul3A_409 = vector.broadcast %mul3A_408 : f32 to vector<16xf32>
    %mul3A_410 = arith.mulf %add3A_400, %mul3A_409 : vector<16xf32>
    %add3A_411 = arith.constant 0x4DC00000 : f32
    %add3A_412 = vector.broadcast %add3A_411 : f32 to vector<16xf32>
    %add3A_413 = arith.addf %mul3A_410, %add3A_412 : vector<16xf32>
    %sub3A_414 = arith.constant 0x4DC00000 : f32
    %sub3A_415 = vector.broadcast %sub3A_414 : f32 to vector<16xf32>
    %sub3A_416 = arith.subf %add3A_413, %sub3A_415 : vector<16xf32>
    %mul3A_417 = arith.constant 1.550000e+01 : f32
    %mul3A_418 = vector.broadcast %mul3A_417 : f32 to vector<16xf32>
    %mul3A_419 = arith.mulf %add3A_407, %mul3A_418 : vector<16xf32>
    %add3A_420 = arith.constant 0x4B400000 : f32
    %add3A_421 = vector.broadcast %add3A_420 : f32 to vector<16xf32>
    %add3A_422 = arith.addf %mul3A_419, %add3A_421 : vector<16xf32>
    %sub3A_423 = arith.constant 0x4B400000 : f32
    %sub3A_424 = vector.broadcast %sub3A_423 : f32 to vector<16xf32>
    %sub3A_425 = arith.subf %add3A_422, %sub3A_424 : vector<16xf32>
    %jit3A_426 = arith.constant 0.000000e+00 : f32
    %jit3A_427 = arith.constant 9.920000e+02 : f32
    %max3A_428 = vector.broadcast %jit3A_426 : f32 to vector<16xf32>
    %max3A_429 = arith.maximumf %max3A_428, %sub3A_416 : vector<16xf32>
    %min3A_430 = vector.broadcast %jit3A_427 : f32 to vector<16xf32>
    %min3A_431 = arith.minimumf %min3A_430, %max3A_429 : vector<16xf32>
    %jit3A_432 = arith.constant 0.000000e+00 : f32
    %jit3A_433 = arith.constant 3.100000e+01 : f32
    %max3A_434 = vector.broadcast %jit3A_432 : f32 to vector<16xf32>
    %max3A_435 = arith.maximumf %max3A_434, %sub3A_425 : vector<16xf32>
    %min3A_436 = vector.broadcast %jit3A_433 : f32 to vector<16xf32>
    %min3A_437 = arith.minimumf %min3A_436, %max3A_435 : vector<16xf32>
    %add3A_438 = arith.addf %min3A_431, %min3A_437 : vector<16xf32>
    %convert_element_type3A_439 = arith.fptosi %add3A_438 : vector<16xf32> to vector<16xi32>
    %swap3A_440 = arith.constant 112 : index
    %swap3A_441 = tpu.vector_load %arg9[%swap3A_440] {strides = array<i32>} : memref<640xi32, #tpu.memory_space<vmem>>, vector<16xi32>,
    %swap3A_442 = vector.shape_cast %swap3A_441 : vector<16xi32> to vector<16xi32>
    %swap3A_443 = vector.shape_cast %convert_element_type3A_439 : vector<16xi32> to vector<16xi32>
    tpu.vector_store %arg9[%swap3A_440], %swap3A_443 {strides = array<i32>} : memref<640xi32, #tpu.memory_space<vmem>>, vector<16xi32>,
    %dma_start3A_444 = arith.constant 0 : i32
    %dma_start3A_445 = tpu.memref_slice %arg9[%dma_start3A_444] : memref<640xi32, #tpu.memory_space<vmem>> -> memref<128xi32, #tpu.memory_space<vmem>>
    %dma_start3A_446 = arith.constant 0 : i32
    %dma_start3A_447 = arith.constant 0 : i32
    %dma_start3A_448 = tpu.memref_slice %arg6[%dma_start3A_446, %dma_start3A_447] : memref<1024x256xf32, #tpu.memory_space<hbm>> -> memref<1024x256xf32, #tpu.memory_space<hbm>>
    tpu.enqueue_indirect_dma source(%dma_start3A_448 : memref<1024x256xf32, #tpu.memory_space<hbm>>) target(%arg10 : memref<128x256xf32, #tpu.memory_space<vmem>>) offsets(%dma_start3A_445 : memref<128xi32, #tpu.memory_space<vmem>>) semaphore(%arg12 : memref<!tpu.dma_semaphore, #tpu.memory_space<semaphore_mem>>)
    %get3A_449 = arith.constant 128 : index
    %get3A_450 = tpu.vector_load %arg8[%get3A_449] {strides = array<i32>} : memref<2560xf32, #tpu.memory_space<vmem>>, vector<16xf32>,
    %get3A_451 = vector.shape_cast %get3A_450 : vector<16xf32> to vector<16xf32>
    %get3A_452 = arith.constant 1408 : index
    %get3A_453 = tpu.vector_load %arg8[%get3A_452] {strides = array<i32>} : memref<2560xf32, #tpu.memory_space<vmem>>, vector<16xf32>,
    %get3A_454 = vector.shape_cast %get3A_453 : vector<16xf32> to vector<16xf32>
    %add3A_455 = arith.addf %get3A_451, %get3A_454 : vector<16xf32>
    %get3A_456 = arith.constant 768 : index
    %get3A_457 = tpu.vector_load %arg8[%get3A_456] {strides = array<i32>} : memref<2560xf32, #tpu.memory_space<vmem>>, vector<16xf32>,
    %get3A_458 = vector.shape_cast %get3A_457 : vector<16xf32> to vector<16xf32>
    %get3A_459 = arith.constant 2048 : index
    %get3A_460 = tpu.vector_load %arg8[%get3A_459] {strides = array<i32>} : memref<2560xf32, #tpu.memory_space<vmem>>, vector<16xf32>,
    %get3A_461 = vector.shape_cast %get3A_460 : vector<16xf32> to vector<16xf32>
    %add3A_462 = arith.addf %get3A_458, %get3A_461 : vector<16xf32>
    %mul3A_463 = arith.constant 4.960000e+02 : f32
    %mul3A_464 = vector.broadcast %mul3A_463 : f32 to vector<16xf32>
    %mul3A_465 = arith.mulf %add3A_455, %mul3A_464 : vector<16xf32>
    %add3A_466 = arith.constant 0x4DC00000 : f32
    %add3A_467 = vector.broadcast %add3A_466 : f32 to vector<16xf32>
    %add3A_468 = arith.addf %mul3A_465, %add3A_467 : vector<16xf32>
    %sub3A_469 = arith.constant 0x4DC00000 : f32
    %sub3A_470 = vector.broadcast %sub3A_469 : f32 to vector<16xf32>
    %sub3A_471 = arith.subf %add3A_468, %sub3A_470 : vector<16xf32>
    %mul3A_472 = arith.constant 1.550000e+01 : f32
    %mul3A_473 = vector.broadcast %mul3A_472 : f32 to vector<16xf32>
    %mul3A_474 = arith.mulf %add3A_462, %mul3A_473 : vector<16xf32>
    %add3A_475 = arith.constant 0x4B400000 : f32
    %add3A_476 = vector.broadcast %add3A_475 : f32 to vector<16xf32>
    %add3A_477 = arith.addf %mul3A_474, %add3A_476 : vector<16xf32>
    %sub3A_478 = arith.constant 0x4B400000 : f32
    %sub3A_479 = vector.broadcast %sub3A_478 : f32 to vector<16xf32>
    %sub3A_480 = arith.subf %add3A_477, %sub3A_479 : vector<16xf32>
    %jit3A_481 = arith.constant 0.000000e+00 : f32
    %jit3A_482 = arith.constant 9.920000e+02 : f32
    %max3A_483 = vector.broadcast %jit3A_481 : f32 to vector<16xf32>
    %max3A_484 = arith.maximumf %max3A_483, %sub3A_471 : vector<16xf32>
    %min3A_485 = vector.broadcast %jit3A_482 : f32 to vector<16xf32>
    %min3A_486 = arith.minimumf %min3A_485, %max3A_484 : vector<16xf32>
    %jit3A_487 = arith.constant 0.000000e+00 : f32
    %jit3A_488 = arith.constant 3.100000e+01 : f32
    %max3A_489 = vector.broadcast %jit3A_487 : f32 to vector<16xf32>
    %max3A_490 = arith.maximumf %max3A_489, %sub3A_480 : vector<16xf32>
    %min3A_491 = vector.broadcast %jit3A_488 : f32 to vector<16xf32>
    %min3A_492 = arith.minimumf %min3A_491, %max3A_490 : vector<16xf32>
    %add3A_493 = arith.addf %min3A_486, %min3A_492 : vector<16xf32>
    %convert_element_type3A_494 = arith.fptosi %add3A_493 : vector<16xf32> to vector<16xi32>
    %swap3A_495 = arith.constant 128 : index
    %swap3A_496 = tpu.vector_load %arg9[%swap3A_495] {strides = array<i32>} : memref<640xi32, #tpu.memory_space<vmem>>, vector<16xi32>,
    %swap3A_497 = vector.shape_cast %swap3A_496 : vector<16xi32> to vector<16xi32>
    %swap3A_498 = vector.shape_cast %convert_element_type3A_494 : vector<16xi32> to vector<16xi32>
    tpu.vector_store %arg9[%swap3A_495], %swap3A_498 {strides = array<i32>} : memref<640xi32, #tpu.memory_space<vmem>>, vector<16xi32>,
    %get3A_499 = arith.constant 144 : index
    %get3A_500 = tpu.vector_load %arg8[%get3A_499] {strides = array<i32>} : memref<2560xf32, #tpu.memory_space<vmem>>, vector<16xf32>,
    %get3A_501 = vector.shape_cast %get3A_500 : vector<16xf32> to vector<16xf32>
    %get3A_502 = arith.constant 1424 : index
    %get3A_503 = tpu.vector_load %arg8[%get3A_502] {strides = array<i32>} : memref<2560xf32, #tpu.memory_space<vmem>>, vector<16xf32>,
    %get3A_504 = vector.shape_cast %get3A_503 : vector<16xf32> to vector<16xf32>
    %add3A_505 = arith.addf %get3A_501, %get3A_504 : vector<16xf32>
    %get3A_506 = arith.constant 784 : index
    %get3A_507 = tpu.vector_load %arg8[%get3A_506] {strides = array<i32>} : memref<2560xf32, #tpu.memory_space<vmem>>, vector<16xf32>,
    %get3A_508 = vector.shape_cast %get3A_507 : vector<16xf32> to vector<16xf32>
    %get3A_509 = arith.constant 2064 : index
    %get3A_510 = tpu.vector_load %arg8[%get3A_509] {strides = array<i32>} : memref<2560xf32, #tpu.memory_space<vmem>>, vector<16xf32>,
    %get3A_511 = vector.shape_cast %get3A_510 : vector<16xf32> to vector<16xf32>
    %add3A_512 = arith.addf %get3A_508, %get3A_511 : vector<16xf32>
    %mul3A_513 = arith.constant 4.960000e+02 : f32
    %mul3A_514 = vector.broadcast %mul3A_513 : f32 to vector<16xf32>
    %mul3A_515 = arith.mulf %add3A_505, %mul3A_514 : vector<16xf32>
    %add3A_516 = arith.constant 0x4DC00000 : f32
    %add3A_517 = vector.broadcast %add3A_516 : f32 to vector<16xf32>
    %add3A_518 = arith.addf %mul3A_515, %add3A_517 : vector<16xf32>
    %sub3A_519 = arith.constant 0x4DC00000 : f32
    %sub3A_520 = vector.broadcast %sub3A_519 : f32 to vector<16xf32>
    %sub3A_521 = arith.subf %add3A_518, %sub3A_520 : vector<16xf32>
    %mul3A_522 = arith.constant 1.550000e+01 : f32
    %mul3A_523 = vector.broadcast %mul3A_522 : f32 to vector<16xf32>
    %mul3A_524 = arith.mulf %add3A_512, %mul3A_523 : vector<16xf32>
    %add3A_525 = arith.constant 0x4B400000 : f32
    %add3A_526 = vector.broadcast %add3A_525 : f32 to vector<16xf32>
    %add3A_527 = arith.addf %mul3A_524, %add3A_526 : vector<16xf32>
    %sub3A_528 = arith.constant 0x4B400000 : f32
    %sub3A_529 = vector.broadcast %sub3A_528 : f32 to vector<16xf32>
    %sub3A_530 = arith.subf %add3A_527, %sub3A_529 : vector<16xf32>
    %jit3A_531 = arith.constant 0.000000e+00 : f32
    %jit3A_532 = arith.constant 9.920000e+02 : f32
    %max3A_533 = vector.broadcast %jit3A_531 : f32 to vector<16xf32>
    %max3A_534 = arith.maximumf %max3A_533, %sub3A_521 : vector<16xf32>
    %min3A_535 = vector.broadcast %jit3A_532 : f32 to vector<16xf32>
    %min3A_536 = arith.minimumf %min3A_535, %max3A_534 : vector<16xf32>
    %jit3A_537 = arith.constant 0.000000e+00 : f32
    %jit3A_538 = arith.constant 3.100000e+01 : f32
    %max3A_539 = vector.broadcast %jit3A_537 : f32 to vector<16xf32>
    %max3A_540 = arith.maximumf %max3A_539, %sub3A_530 : vector<16xf32>
    %min3A_541 = vector.broadcast %jit3A_538 : f32 to vector<16xf32>
    %min3A_542 = arith.minimumf %min3A_541, %max3A_540 : vector<16xf32>
    %add3A_543 = arith.addf %min3A_536, %min3A_542 : vector<16xf32>
    %convert_element_type3A_544 = arith.fptosi %add3A_543 : vector<16xf32> to vector<16xi32>
    %swap3A_545 = arith.constant 144 : index
    %swap3A_546 = tpu.vector_load %arg9[%swap3A_545] {strides = array<i32>} : memref<640xi32, #tpu.memory_space<vmem>>, vector<16xi32>,
    %swap3A_547 = vector.shape_cast %swap3A_546 : vector<16xi32> to vector<16xi32>
    %swap3A_548 = vector.shape_cast %convert_element_type3A_544 : vector<16xi32> to vector<16xi32>
    tpu.vector_store %arg9[%swap3A_545], %swap3A_548 {strides = array<i32>} : memref<640xi32, #tpu.memory_space<vmem>>, vector<16xi32>,
    %get3A_549 = arith.constant 160 : index
    %get3A_550 = tpu.vector_load %arg8[%get3A_549] {strides = array<i32>} : memref<2560xf32, #tpu.memory_space<vmem>>, vector<16xf32>,
    %get3A_551 = vector.shape_cast %get3A_550 : vector<16xf32> to vector<16xf32>
    %get3A_552 = arith.constant 1440 : index
    %get3A_553 = tpu.vector_load %arg8[%get3A_552] {strides = array<i32>} : memref<2560xf32, #tpu.memory_space<vmem>>, vector<16xf32>,
    %get3A_554 = vector.shape_cast %get3A_553 : vector<16xf32> to vector<16xf32>
    %add3A_555 = arith.addf %get3A_551, %get3A_554 : vector<16xf32>
    %get3A_556 = arith.constant 800 : index
    %get3A_557 = tpu.vector_load %arg8[%get3A_556] {strides = array<i32>} : memref<2560xf32, #tpu.memory_space<vmem>>, vector<16xf32>,
    %get3A_558 = vector.shape_cast %get3A_557 : vector<16xf32> to vector<16xf32>
    %get3A_559 = arith.constant 2080 : index
    %get3A_560 = tpu.vector_load %arg8[%get3A_559] {strides = array<i32>} : memref<2560xf32, #tpu.memory_space<vmem>>, vector<16xf32>,
    %get3A_561 = vector.shape_cast %get3A_560 : vector<16xf32> to vector<16xf32>
    %add3A_562 = arith.addf %get3A_558, %get3A_561 : vector<16xf32>
    %mul3A_563 = arith.constant 4.960000e+02 : f32
    %mul3A_564 = vector.broadcast %mul3A_563 : f32 to vector<16xf32>
    %mul3A_565 = arith.mulf %add3A_555, %mul3A_564 : vector<16xf32>
    %add3A_566 = arith.constant 0x4DC00000 : f32
    %add3A_567 = vector.broadcast %add3A_566 : f32 to vector<16xf32>
    %add3A_568 = arith.addf %mul3A_565, %add3A_567 : vector<16xf32>
    %sub3A_569 = arith.constant 0x4DC00000 : f32
    %sub3A_570 = vector.broadcast %sub3A_569 : f32 to vector<16xf32>
    %sub3A_571 = arith.subf %add3A_568, %sub3A_570 : vector<16xf32>
    %mul3A_572 = arith.constant 1.550000e+01 : f32
    %mul3A_573 = vector.broadcast %mul3A_572 : f32 to vector<16xf32>
    %mul3A_574 = arith.mulf %add3A_562, %mul3A_573 : vector<16xf32>
    %add3A_575 = arith.constant 0x4B400000 : f32
    %add3A_576 = vector.broadcast %add3A_575 : f32 to vector<16xf32>
    %add3A_577 = arith.addf %mul3A_574, %add3A_576 : vector<16xf32>
    %sub3A_578 = arith.constant 0x4B400000 : f32
    %sub3A_579 = vector.broadcast %sub3A_578 : f32 to vector<16xf32>
    %sub3A_580 = arith.subf %add3A_577, %sub3A_579 : vector<16xf32>
    %jit3A_581 = arith.constant 0.000000e+00 : f32
    %jit3A_582 = arith.constant 9.920000e+02 : f32
    %max3A_583 = vector.broadcast %jit3A_581 : f32 to vector<16xf32>
    %max3A_584 = arith.maximumf %max3A_583, %sub3A_571 : vector<16xf32>
    %min3A_585 = vector.broadcast %jit3A_582 : f32 to vector<16xf32>
    %min3A_586 = arith.minimumf %min3A_585, %max3A_584 : vector<16xf32>
    %jit3A_587 = arith.constant 0.000000e+00 : f32
    %jit3A_588 = arith.constant 3.100000e+01 : f32
    %max3A_589 = vector.broadcast %jit3A_587 : f32 to vector<16xf32>
    %max3A_590 = arith.maximumf %max3A_589, %sub3A_580 : vector<16xf32>
    %min3A_591 = vector.broadcast %jit3A_588 : f32 to vector<16xf32>
    %min3A_592 = arith.minimumf %min3A_591, %max3A_590 : vector<16xf32>
    %add3A_593 = arith.addf %min3A_586, %min3A_592 : vector<16xf32>
    %convert_element_type3A_594 = arith.fptosi %add3A_593 : vector<16xf32> to vector<16xi32>
    %swap3A_595 = arith.constant 160 : index
    %swap3A_596 = tpu.vector_load %arg9[%swap3A_595] {strides = array<i32>} : memref<640xi32, #tpu.memory_space<vmem>>, vector<16xi32>,
    %swap3A_597 = vector.shape_cast %swap3A_596 : vector<16xi32> to vector<16xi32>
    %swap3A_598 = vector.shape_cast %convert_element_type3A_594 : vector<16xi32> to vector<16xi32>
    tpu.vector_store %arg9[%swap3A_595], %swap3A_598 {strides = array<i32>} : memref<640xi32, #tpu.memory_space<vmem>>, vector<16xi32>,
    %get3A_599 = arith.constant 176 : index
    %get3A_600 = tpu.vector_load %arg8[%get3A_599] {strides = array<i32>} : memref<2560xf32, #tpu.memory_space<vmem>>, vector<16xf32>,
    %get3A_601 = vector.shape_cast %get3A_600 : vector<16xf32> to vector<16xf32>
    %get3A_602 = arith.constant 1456 : index
    %get3A_603 = tpu.vector_load %arg8[%get3A_602] {strides = array<i32>} : memref<2560xf32, #tpu.memory_space<vmem>>, vector<16xf32>,
    %get3A_604 = vector.shape_cast %get3A_603 : vector<16xf32> to vector<16xf32>
    %add3A_605 = arith.addf %get3A_601, %get3A_604 : vector<16xf32>
    %get3A_606 = arith.constant 816 : index
    %get3A_607 = tpu.vector_load %arg8[%get3A_606] {strides = array<i32>} : memref<2560xf32, #tpu.memory_space<vmem>>, vector<16xf32>,
    %get3A_608 = vector.shape_cast %get3A_607 : vector<16xf32> to vector<16xf32>
    %get3A_609 = arith.constant 2096 : index
    %get3A_610 = tpu.vector_load %arg8[%get3A_609] {strides = array<i32>} : memref<2560xf32, #tpu.memory_space<vmem>>, vector<16xf32>,
    %get3A_611 = vector.shape_cast %get3A_610 : vector<16xf32> to vector<16xf32>
    %add3A_612 = arith.addf %get3A_608, %get3A_611 : vector<16xf32>
    %mul3A_613 = arith.constant 4.960000e+02 : f32
    %mul3A_614 = vector.broadcast %mul3A_613 : f32 to vector<16xf32>
    %mul3A_615 = arith.mulf %add3A_605, %mul3A_614 : vector<16xf32>
    %add3A_616 = arith.constant 0x4DC00000 : f32
    %add3A_617 = vector.broadcast %add3A_616 : f32 to vector<16xf32>
    %add3A_618 = arith.addf %mul3A_615, %add3A_617 : vector<16xf32>
    %sub3A_619 = arith.constant 0x4DC00000 : f32
    %sub3A_620 = vector.broadcast %sub3A_619 : f32 to vector<16xf32>
    %sub3A_621 = arith.subf %add3A_618, %sub3A_620 : vector<16xf32>
    %mul3A_622 = arith.constant 1.550000e+01 : f32
    %mul3A_623 = vector.broadcast %mul3A_622 : f32 to vector<16xf32>
    %mul3A_624 = arith.mulf %add3A_612, %mul3A_623 : vector<16xf32>
    %add3A_625 = arith.constant 0x4B400000 : f32
    %add3A_626 = vector.broadcast %add3A_625 : f32 to vector<16xf32>
    %add3A_627 = arith.addf %mul3A_624, %add3A_626 : vector<16xf32>
    %sub3A_628 = arith.constant 0x4B400000 : f32
    %sub3A_629 = vector.broadcast %sub3A_628 : f32 to vector<16xf32>
    %sub3A_630 = arith.subf %add3A_627, %sub3A_629 : vector<16xf32>
    %jit3A_631 = arith.constant 0.000000e+00 : f32
    %jit3A_632 = arith.constant 9.920000e+02 : f32
    %max3A_633 = vector.broadcast %jit3A_631 : f32 to vector<16xf32>
    %max3A_634 = arith.maximumf %max3A_633, %sub3A_621 : vector<16xf32>
    %min3A_635 = vector.broadcast %jit3A_632 : f32 to vector<16xf32>
    %min3A_636 = arith.minimumf %min3A_635, %max3A_634 : vector<16xf32>
    %jit3A_637 = arith.constant 0.000000e+00 : f32
    %jit3A_638 = arith.constant 3.100000e+01 : f32
    %max3A_639 = vector.broadcast %jit3A_637 : f32 to vector<16xf32>
    %max3A_640 = arith.maximumf %max3A_639, %sub3A_630 : vector<16xf32>
    %min3A_641 = vector.broadcast %jit3A_638 : f32 to vector<16xf32>
    %min3A_642 = arith.minimumf %min3A_641, %max3A_640 : vector<16xf32>
    %add3A_643 = arith.addf %min3A_636, %min3A_642 : vector<16xf32>
    %convert_element_type3A_644 = arith.fptosi %add3A_643 : vector<16xf32> to vector<16xi32>
    %swap3A_645 = arith.constant 176 : index
    %swap3A_646 = tpu.vector_load %arg9[%swap3A_645] {strides = array<i32>} : memref<640xi32, #tpu.memory_space<vmem>>, vector<16xi32>,
    %swap3A_647 = vector.shape_cast %swap3A_646 : vector<16xi32> to vector<16xi32>
    %swap3A_648 = vector.shape_cast %convert_element_type3A_644 : vector<16xi32> to vector<16xi32>
    tpu.vector_store %arg9[%swap3A_645], %swap3A_648 {strides = array<i32>} : memref<640xi32, #tpu.memory_space<vmem>>, vector<16xi32>,
    %get3A_649 = arith.constant 192 : index
    %get3A_650 = tpu.vector_load %arg8[%get3A_649] {strides = array<i32>} : memref<2560xf32, #tpu.memory_space<vmem>>, vector<16xf32>,
    %get3A_651 = vector.shape_cast %get3A_650 : vector<16xf32> to vector<16xf32>
    %get3A_652 = arith.constant 1472 : index
    %get3A_653 = tpu.vector_load %arg8[%get3A_652] {strides = array<i32>} : memref<2560xf32, #tpu.memory_space<vmem>>, vector<16xf32>,
    %get3A_654 = vector.shape_cast %get3A_653 : vector<16xf32> to vector<16xf32>
    %add3A_655 = arith.addf %get3A_651, %get3A_654 : vector<16xf32>
    %get3A_656 = arith.constant 832 : index
    %get3A_657 = tpu.vector_load %arg8[%get3A_656] {strides = array<i32>} : memref<2560xf32, #tpu.memory_space<vmem>>, vector<16xf32>,
    %get3A_658 = vector.shape_cast %get3A_657 : vector<16xf32> to vector<16xf32>
    %get3A_659 = arith.constant 2112 : index
    %get3A_660 = tpu.vector_load %arg8[%get3A_659] {strides = array<i32>} : memref<2560xf32, #tpu.memory_space<vmem>>, vector<16xf32>,
    %get3A_661 = vector.shape_cast %get3A_660 : vector<16xf32> to vector<16xf32>
    %add3A_662 = arith.addf %get3A_658, %get3A_661 : vector<16xf32>
    %mul3A_663 = arith.constant 4.960000e+02 : f32
    %mul3A_664 = vector.broadcast %mul3A_663 : f32 to vector<16xf32>
    %mul3A_665 = arith.mulf %add3A_655, %mul3A_664 : vector<16xf32>
    %add3A_666 = arith.constant 0x4DC00000 : f32
    %add3A_667 = vector.broadcast %add3A_666 : f32 to vector<16xf32>
    %add3A_668 = arith.addf %mul3A_665, %add3A_667 : vector<16xf32>
    %sub3A_669 = arith.constant 0x4DC00000 : f32
    %sub3A_670 = vector.broadcast %sub3A_669 : f32 to vector<16xf32>
    %sub3A_671 = arith.subf %add3A_668, %sub3A_670 : vector<16xf32>
    %mul3A_672 = arith.constant 1.550000e+01 : f32
    %mul3A_673 = vector.broadcast %mul3A_672 : f32 to vector<16xf32>
    %mul3A_674 = arith.mulf %add3A_662, %mul3A_673 : vector<16xf32>
    %add3A_675 = arith.constant 0x4B400000 : f32
    %add3A_676 = vector.broadcast %add3A_675 : f32 to vector<16xf32>
    %add3A_677 = arith.addf %mul3A_674, %add3A_676 : vector<16xf32>
    %sub3A_678 = arith.constant 0x4B400000 : f32
    %sub3A_679 = vector.broadcast %sub3A_678 : f32 to vector<16xf32>
    %sub3A_680 = arith.subf %add3A_677, %sub3A_679 : vector<16xf32>
    %jit3A_681 = arith.constant 0.000000e+00 : f32
    %jit3A_682 = arith.constant 9.920000e+02 : f32
    %max3A_683 = vector.broadcast %jit3A_681 : f32 to vector<16xf32>
    %max3A_684 = arith.maximumf %max3A_683, %sub3A_671 : vector<16xf32>
    %min3A_685 = vector.broadcast %jit3A_682 : f32 to vector<16xf32>
    %min3A_686 = arith.minimumf %min3A_685, %max3A_684 : vector<16xf32>
    %jit3A_687 = arith.constant 0.000000e+00 : f32
    %jit3A_688 = arith.constant 3.100000e+01 : f32
    %max3A_689 = vector.broadcast %jit3A_687 : f32 to vector<16xf32>
    %max3A_690 = arith.maximumf %max3A_689, %sub3A_680 : vector<16xf32>
    %min3A_691 = vector.broadcast %jit3A_688 : f32 to vector<16xf32>
    %min3A_692 = arith.minimumf %min3A_691, %max3A_690 : vector<16xf32>
    %add3A_693 = arith.addf %min3A_686, %min3A_692 : vector<16xf32>
    %convert_element_type3A_694 = arith.fptosi %add3A_693 : vector<16xf32> to vector<16xi32>
    %swap3A_695 = arith.constant 192 : index
    %swap3A_696 = tpu.vector_load %arg9[%swap3A_695] {strides = array<i32>} : memref<640xi32, #tpu.memory_space<vmem>>, vector<16xi32>,
    %swap3A_697 = vector.shape_cast %swap3A_696 : vector<16xi32> to vector<16xi32>
    %swap3A_698 = vector.shape_cast %convert_element_type3A_694 : vector<16xi32> to vector<16xi32>
    tpu.vector_store %arg9[%swap3A_695], %swap3A_698 {strides = array<i32>} : memref<640xi32, #tpu.memory_space<vmem>>, vector<16xi32>,
    %get3A_699 = arith.constant 208 : index
    %get3A_700 = tpu.vector_load %arg8[%get3A_699] {strides = array<i32>} : memref<2560xf32, #tpu.memory_space<vmem>>, vector<16xf32>,
    %get3A_701 = vector.shape_cast %get3A_700 : vector<16xf32> to vector<16xf32>
    %get3A_702 = arith.constant 1488 : index
    %get3A_703 = tpu.vector_load %arg8[%get3A_702] {strides = array<i32>} : memref<2560xf32, #tpu.memory_space<vmem>>, vector<16xf32>,
    %get3A_704 = vector.shape_cast %get3A_703 : vector<16xf32> to vector<16xf32>
    %add3A_705 = arith.addf %get3A_701, %get3A_704 : vector<16xf32>
    %get3A_706 = arith.constant 848 : index
    %get3A_707 = tpu.vector_load %arg8[%get3A_706] {strides = array<i32>} : memref<2560xf32, #tpu.memory_space<vmem>>, vector<16xf32>,
    %get3A_708 = vector.shape_cast %get3A_707 : vector<16xf32> to vector<16xf32>
    %get3A_709 = arith.constant 2128 : index
    %get3A_710 = tpu.vector_load %arg8[%get3A_709] {strides = array<i32>} : memref<2560xf32, #tpu.memory_space<vmem>>, vector<16xf32>,
    %get3A_711 = vector.shape_cast %get3A_710 : vector<16xf32> to vector<16xf32>
    %add3A_712 = arith.addf %get3A_708, %get3A_711 : vector<16xf32>
    %mul3A_713 = arith.constant 4.960000e+02 : f32
    %mul3A_714 = vector.broadcast %mul3A_713 : f32 to vector<16xf32>
    %mul3A_715 = arith.mulf %add3A_705, %mul3A_714 : vector<16xf32>
    %add3A_716 = arith.constant 0x4DC00000 : f32
    %add3A_717 = vector.broadcast %add3A_716 : f32 to vector<16xf32>
    %add3A_718 = arith.addf %mul3A_715, %add3A_717 : vector<16xf32>
    %sub3A_719 = arith.constant 0x4DC00000 : f32
    %sub3A_720 = vector.broadcast %sub3A_719 : f32 to vector<16xf32>
    %sub3A_721 = arith.subf %add3A_718, %sub3A_720 : vector<16xf32>
    %mul3A_722 = arith.constant 1.550000e+01 : f32
    %mul3A_723 = vector.broadcast %mul3A_722 : f32 to vector<16xf32>
    %mul3A_724 = arith.mulf %add3A_712, %mul3A_723 : vector<16xf32>
    %add3A_725 = arith.constant 0x4B400000 : f32
    %add3A_726 = vector.broadcast %add3A_725 : f32 to vector<16xf32>
    %add3A_727 = arith.addf %mul3A_724, %add3A_726 : vector<16xf32>
    %sub3A_728 = arith.constant 0x4B400000 : f32
    %sub3A_729 = vector.broadcast %sub3A_728 : f32 to vector<16xf32>
    %sub3A_730 = arith.subf %add3A_727, %sub3A_729 : vector<16xf32>
    %jit3A_731 = arith.constant 0.000000e+00 : f32
    %jit3A_732 = arith.constant 9.920000e+02 : f32
    %max3A_733 = vector.broadcast %jit3A_731 : f32 to vector<16xf32>
    %max3A_734 = arith.maximumf %max3A_733, %sub3A_721 : vector<16xf32>
    %min3A_735 = vector.broadcast %jit3A_732 : f32 to vector<16xf32>
    %min3A_736 = arith.minimumf %min3A_735, %max3A_734 : vector<16xf32>
    %jit3A_737 = arith.constant 0.000000e+00 : f32
    %jit3A_738 = arith.constant 3.100000e+01 : f32
    %max3A_739 = vector.broadcast %jit3A_737 : f32 to vector<16xf32>
    %max3A_740 = arith.maximumf %max3A_739, %sub3A_730 : vector<16xf32>
    %min3A_741 = vector.broadcast %jit3A_738 : f32 to vector<16xf32>
    %min3A_742 = arith.minimumf %min3A_741, %max3A_740 : vector<16xf32>
    %add3A_743 = arith.addf %min3A_736, %min3A_742 : vector<16xf32>
    %convert_element_type3A_744 = arith.fptosi %add3A_743 : vector<16xf32> to vector<16xi32>
    %swap3A_745 = arith.constant 208 : index
    %swap3A_746 = tpu.vector_load %arg9[%swap3A_745] {strides = array<i32>} : memref<640xi32, #tpu.memory_space<vmem>>, vector<16xi32>,
    %swap3A_747 = vector.shape_cast %swap3A_746 : vector<16xi32> to vector<16xi32>
    %swap3A_748 = vector.shape_cast %convert_element_type3A_744 : vector<16xi32> to vector<16xi32>
    tpu.vector_store %arg9[%swap3A_745], %swap3A_748 {strides = array<i32>} : memref<640xi32, #tpu.memory_space<vmem>>, vector<16xi32>,
    %get3A_749 = arith.constant 224 : index
    %get3A_750 = tpu.vector_load %arg8[%get3A_749] {strides = array<i32>} : memref<2560xf32, #tpu.memory_space<vmem>>, vector<16xf32>,
    %get3A_751 = vector.shape_cast %get3A_750 : vector<16xf32> to vector<16xf32>
    %get3A_752 = arith.constant 1504 : index
    %get3A_753 = tpu.vector_load %arg8[%get3A_752] {strides = array<i32>} : memref<2560xf32, #tpu.memory_space<vmem>>, vector<16xf32>,
    %get3A_754 = vector.shape_cast %get3A_753 : vector<16xf32> to vector<16xf32>
    %add3A_755 = arith.addf %get3A_751, %get3A_754 : vector<16xf32>
    %get3A_756 = arith.constant 864 : index
    %get3A_757 = tpu.vector_load %arg8[%get3A_756] {strides = array<i32>} : memref<2560xf32, #tpu.memory_space<vmem>>, vector<16xf32>,
    %get3A_758 = vector.shape_cast %get3A_757 : vector<16xf32> to vector<16xf32>
    %get3A_759 = arith.constant 2144 : index
    %get3A_760 = tpu.vector_load %arg8[%get3A_759] {strides = array<i32>} : memref<2560xf32, #tpu.memory_space<vmem>>, vector<16xf32>,
    %get3A_761 = vector.shape_cast %get3A_760 : vector<16xf32> to vector<16xf32>
    %add3A_762 = arith.addf %get3A_758, %get3A_761 : vector<16xf32>
    %mul3A_763 = arith.constant 4.960000e+02 : f32
    %mul3A_764 = vector.broadcast %mul3A_763 : f32 to vector<16xf32>
    %mul3A_765 = arith.mulf %add3A_755, %mul3A_764 : vector<16xf32>
    %add3A_766 = arith.constant 0x4DC00000 : f32
    %add3A_767 = vector.broadcast %add3A_766 : f32 to vector<16xf32>
    %add3A_768 = arith.addf %mul3A_765, %add3A_767 : vector<16xf32>
    %sub3A_769 = arith.constant 0x4DC00000 : f32
    %sub3A_770 = vector.broadcast %sub3A_769 : f32 to vector<16xf32>
    %sub3A_771 = arith.subf %add3A_768, %sub3A_770 : vector<16xf32>
    %mul3A_772 = arith.constant 1.550000e+01 : f32
    %mul3A_773 = vector.broadcast %mul3A_772 : f32 to vector<16xf32>
    %mul3A_774 = arith.mulf %add3A_762, %mul3A_773 : vector<16xf32>
    %add3A_775 = arith.constant 0x4B400000 : f32
    %add3A_776 = vector.broadcast %add3A_775 : f32 to vector<16xf32>
    %add3A_777 = arith.addf %mul3A_774, %add3A_776 : vector<16xf32>
    %sub3A_778 = arith.constant 0x4B400000 : f32
    %sub3A_779 = vector.broadcast %sub3A_778 : f32 to vector<16xf32>
    %sub3A_780 = arith.subf %add3A_777, %sub3A_779 : vector<16xf32>
    %jit3A_781 = arith.constant 0.000000e+00 : f32
    %jit3A_782 = arith.constant 9.920000e+02 : f32
    %max3A_783 = vector.broadcast %jit3A_781 : f32 to vector<16xf32>
    %max3A_784 = arith.maximumf %max3A_783, %sub3A_771 : vector<16xf32>
    %min3A_785 = vector.broadcast %jit3A_782 : f32 to vector<16xf32>
    %min3A_786 = arith.minimumf %min3A_785, %max3A_784 : vector<16xf32>
    %jit3A_787 = arith.constant 0.000000e+00 : f32
    %jit3A_788 = arith.constant 3.100000e+01 : f32
    %max3A_789 = vector.broadcast %jit3A_787 : f32 to vector<16xf32>
    %max3A_790 = arith.maximumf %max3A_789, %sub3A_780 : vector<16xf32>
    %min3A_791 = vector.broadcast %jit3A_788 : f32 to vector<16xf32>
    %min3A_792 = arith.minimumf %min3A_791, %max3A_790 : vector<16xf32>
    %add3A_793 = arith.addf %min3A_786, %min3A_792 : vector<16xf32>
    %convert_element_type3A_794 = arith.fptosi %add3A_793 : vector<16xf32> to vector<16xi32>
    %swap3A_795 = arith.constant 224 : index
    %swap3A_796 = tpu.vector_load %arg9[%swap3A_795] {strides = array<i32>} : memref<640xi32, #tpu.memory_space<vmem>>, vector<16xi32>,
    %swap3A_797 = vector.shape_cast %swap3A_796 : vector<16xi32> to vector<16xi32>
    %swap3A_798 = vector.shape_cast %convert_element_type3A_794 : vector<16xi32> to vector<16xi32>
    tpu.vector_store %arg9[%swap3A_795], %swap3A_798 {strides = array<i32>} : memref<640xi32, #tpu.memory_space<vmem>>, vector<16xi32>,
    %get3A_799 = arith.constant 240 : index
    %get3A_800 = tpu.vector_load %arg8[%get3A_799] {strides = array<i32>} : memref<2560xf32, #tpu.memory_space<vmem>>, vector<16xf32>,
    %get3A_801 = vector.shape_cast %get3A_800 : vector<16xf32> to vector<16xf32>
    %get3A_802 = arith.constant 1520 : index
    %get3A_803 = tpu.vector_load %arg8[%get3A_802] {strides = array<i32>} : memref<2560xf32, #tpu.memory_space<vmem>>, vector<16xf32>,
    %get3A_804 = vector.shape_cast %get3A_803 : vector<16xf32> to vector<16xf32>
    %add3A_805 = arith.addf %get3A_801, %get3A_804 : vector<16xf32>
    %get3A_806 = arith.constant 880 : index
    %get3A_807 = tpu.vector_load %arg8[%get3A_806] {strides = array<i32>} : memref<2560xf32, #tpu.memory_space<vmem>>, vector<16xf32>,
    %get3A_808 = vector.shape_cast %get3A_807 : vector<16xf32> to vector<16xf32>
    %get3A_809 = arith.constant 2160 : index
    %get3A_810 = tpu.vector_load %arg8[%get3A_809] {strides = array<i32>} : memref<2560xf32, #tpu.memory_space<vmem>>, vector<16xf32>,
    %get3A_811 = vector.shape_cast %get3A_810 : vector<16xf32> to vector<16xf32>
    %add3A_812 = arith.addf %get3A_808, %get3A_811 : vector<16xf32>
    %mul3A_813 = arith.constant 4.960000e+02 : f32
    %mul3A_814 = vector.broadcast %mul3A_813 : f32 to vector<16xf32>
    %mul3A_815 = arith.mulf %add3A_805, %mul3A_814 : vector<16xf32>
    %add3A_816 = arith.constant 0x4DC00000 : f32
    %add3A_817 = vector.broadcast %add3A_816 : f32 to vector<16xf32>
    %add3A_818 = arith.addf %mul3A_815, %add3A_817 : vector<16xf32>
    %sub3A_819 = arith.constant 0x4DC00000 : f32
    %sub3A_820 = vector.broadcast %sub3A_819 : f32 to vector<16xf32>
    %sub3A_821 = arith.subf %add3A_818, %sub3A_820 : vector<16xf32>
    %mul3A_822 = arith.constant 1.550000e+01 : f32
    %mul3A_823 = vector.broadcast %mul3A_822 : f32 to vector<16xf32>
    %mul3A_824 = arith.mulf %add3A_812, %mul3A_823 : vector<16xf32>
    %add3A_825 = arith.constant 0x4B400000 : f32
    %add3A_826 = vector.broadcast %add3A_825 : f32 to vector<16xf32>
    %add3A_827 = arith.addf %mul3A_824, %add3A_826 : vector<16xf32>
    %sub3A_828 = arith.constant 0x4B400000 : f32
    %sub3A_829 = vector.broadcast %sub3A_828 : f32 to vector<16xf32>
    %sub3A_830 = arith.subf %add3A_827, %sub3A_829 : vector<16xf32>
    %jit3A_831 = arith.constant 0.000000e+00 : f32
    %jit3A_832 = arith.constant 9.920000e+02 : f32
    %max3A_833 = vector.broadcast %jit3A_831 : f32 to vector<16xf32>
    %max3A_834 = arith.maximumf %max3A_833, %sub3A_821 : vector<16xf32>
    %min3A_835 = vector.broadcast %jit3A_832 : f32 to vector<16xf32>
    %min3A_836 = arith.minimumf %min3A_835, %max3A_834 : vector<16xf32>
    %jit3A_837 = arith.constant 0.000000e+00 : f32
    %jit3A_838 = arith.constant 3.100000e+01 : f32
    %max3A_839 = vector.broadcast %jit3A_837 : f32 to vector<16xf32>
    %max3A_840 = arith.maximumf %max3A_839, %sub3A_830 : vector<16xf32>
    %min3A_841 = vector.broadcast %jit3A_838 : f32 to vector<16xf32>
    %min3A_842 = arith.minimumf %min3A_841, %max3A_840 : vector<16xf32>
    %add3A_843 = arith.addf %min3A_836, %min3A_842 : vector<16xf32>
    %convert_element_type3A_844 = arith.fptosi %add3A_843 : vector<16xf32> to vector<16xi32>
    %swap3A_845 = arith.constant 240 : index
    %swap3A_846 = tpu.vector_load %arg9[%swap3A_845] {strides = array<i32>} : memref<640xi32, #tpu.memory_space<vmem>>, vector<16xi32>,
    %swap3A_847 = vector.shape_cast %swap3A_846 : vector<16xi32> to vector<16xi32>
    %swap3A_848 = vector.shape_cast %convert_element_type3A_844 : vector<16xi32> to vector<16xi32>
    tpu.vector_store %arg9[%swap3A_845], %swap3A_848 {strides = array<i32>} : memref<640xi32, #tpu.memory_space<vmem>>, vector<16xi32>,
    %dma_start3A_849 = arith.constant 128 : i32
    %dma_start3A_850 = tpu.memref_slice %arg9[%dma_start3A_849] : memref<640xi32, #tpu.memory_space<vmem>> -> memref<128xi32, #tpu.memory_space<vmem>>
    %dma_start3A_851 = arith.constant 0 : i32
    %dma_start3A_852 = arith.constant 0 : i32
    %dma_start3A_853 = tpu.memref_slice %arg6[%dma_start3A_851, %dma_start3A_852] : memref<1024x256xf32, #tpu.memory_space<hbm>> -> memref<1024x256xf32, #tpu.memory_space<hbm>>
    tpu.enqueue_indirect_dma source(%dma_start3A_853 : memref<1024x256xf32, #tpu.memory_space<hbm>>) target(%arg11 : memref<128x256xf32, #tpu.memory_space<vmem>>) offsets(%dma_start3A_850 : memref<128xi32, #tpu.memory_space<vmem>>) semaphore(%arg13 : memref<!tpu.dma_semaphore, #tpu.memory_space<semaphore_mem>>)
    %dma_wait3A_854 = arith.constant 0 : i32
    %dma_wait3A_855 = tpu.memref_slice %arg9[%dma_wait3A_854] : memref<640xi32, #tpu.memory_space<vmem>> -> memref<128xi32, #tpu.memory_space<vmem>>
    %dma_wait3A_856 = arith.constant 0 : i32
    %dma_wait3A_857 = arith.constant 0 : i32
    %dma_wait3A_858 = tpu.memref_slice %arg6[%dma_wait3A_856, %dma_wait3A_857] : memref<1024x256xf32, #tpu.memory_space<hbm>> -> memref<1024x256xf32, #tpu.memory_space<hbm>>
    tpu.wait_indirect_dma semaphore(%arg12 : memref<!tpu.dma_semaphore, #tpu.memory_space<semaphore_mem>>) src(%dma_wait3A_858 : memref<1024x256xf32, #tpu.memory_space<hbm>>) dst(%arg10 : memref<128x256xf32, #tpu.memory_space<vmem>>)
    %add3A_859 = arith.constant 0 : i32
    %add3A_860 = arith.addi %min3A_3, %add3A_859 : i32
    "tpu.region"() ({
      %run_scoped3A = tpu.sem_alloc : memref<!tpu.dma_semaphore, #tpu.memory_space<semaphore_mem>>
      %dma_start3A_2104 = arith.constant 0 : i32
      %dma_start3A_2105 = tpu.memref_slice %arg7[%add3A_860, %dma_start3A_2104] : memref<20000x256xf32, #tpu.memory_space<hbm>> -> memref<128x256xf32, #tpu.memory_space<hbm>>
      %dma_start3A_2106 = arith.constant 0 : i32
      %dma_start3A_2107 = tpu.memref_slice %arg7[%add3A_860, %dma_start3A_2106] : memref<20000x256xf32, #tpu.memory_space<hbm>> -> memref<128x256xf32, #tpu.memory_space<hbm>>
      tpu.enqueue_dma source(%arg10 : memref<128x256xf32, #tpu.memory_space<vmem>>) target(%dma_start3A_2107 : memref<128x256xf32, #tpu.memory_space<hbm>>) target_semaphore(%run_scoped3A : memref<!tpu.dma_semaphore, #tpu.memory_space<semaphore_mem>>)
      %dma_wait3A_2108 = arith.constant 0 : i32
      %dma_wait3A_2109 = tpu.memref_slice %arg7[%add3A_860, %dma_wait3A_2108] : memref<20000x256xf32, #tpu.memory_space<hbm>> -> memref<128x256xf32, #tpu.memory_space<hbm>>
      %dma_wait3A_2110 = arith.constant 0 : i32
      %dma_wait3A_2111 = tpu.memref_slice %arg7[%add3A_860, %dma_wait3A_2110] : memref<20000x256xf32, #tpu.memory_space<hbm>> -> memref<128x256xf32, #tpu.memory_space<hbm>>
      tpu.wait_dma2 semaphore(%run_scoped3A : memref<!tpu.dma_semaphore, #tpu.memory_space<semaphore_mem>>) src(%arg10 : memref<128x256xf32, #tpu.memory_space<vmem>>) dst(%dma_wait3A_2111 : memref<128x256xf32, #tpu.memory_space<hbm>>)
      tpu.yield
    }) : () -> ()
    %get3A_861 = arith.constant 256 : index
    %get3A_862 = tpu.vector_load %arg8[%get3A_861] {strides = array<i32>} : memref<2560xf32, #tpu.memory_space<vmem>>, vector<16xf32>,
    %get3A_863 = vector.shape_cast %get3A_862 : vector<16xf32> to vector<16xf32>
    %get3A_864 = arith.constant 1536 : index
    %get3A_865 = tpu.vector_load %arg8[%get3A_864] {strides = array<i32>} : memref<2560xf32, #tpu.memory_space<vmem>>, vector<16xf32>,
    %get3A_866 = vector.shape_cast %get3A_865 : vector<16xf32> to vector<16xf32>
    %add3A_867 = arith.addf %get3A_863, %get3A_866 : vector<16xf32>
    %get3A_868 = arith.constant 896 : index
    %get3A_869 = tpu.vector_load %arg8[%get3A_868] {strides = array<i32>} : memref<2560xf32, #tpu.memory_space<vmem>>, vector<16xf32>,
    %get3A_870 = vector.shape_cast %get3A_869 : vector<16xf32> to vector<16xf32>
    %get3A_871 = arith.constant 2176 : index
    %get3A_872 = tpu.vector_load %arg8[%get3A_871] {strides = array<i32>} : memref<2560xf32, #tpu.memory_space<vmem>>, vector<16xf32>,
    %get3A_873 = vector.shape_cast %get3A_872 : vector<16xf32> to vector<16xf32>
    %add3A_874 = arith.addf %get3A_870, %get3A_873 : vector<16xf32>
    %mul3A_875 = arith.constant 4.960000e+02 : f32
    %mul3A_876 = vector.broadcast %mul3A_875 : f32 to vector<16xf32>
    %mul3A_877 = arith.mulf %add3A_867, %mul3A_876 : vector<16xf32>
    %add3A_878 = arith.constant 0x4DC00000 : f32
    %add3A_879 = vector.broadcast %add3A_878 : f32 to vector<16xf32>
    %add3A_880 = arith.addf %mul3A_877, %add3A_879 : vector<16xf32>
    %sub3A_881 = arith.constant 0x4DC00000 : f32
    %sub3A_882 = vector.broadcast %sub3A_881 : f32 to vector<16xf32>
    %sub3A_883 = arith.subf %add3A_880, %sub3A_882 : vector<16xf32>
    %mul3A_884 = arith.constant 1.550000e+01 : f32
    %mul3A_885 = vector.broadcast %mul3A_884 : f32 to vector<16xf32>
    %mul3A_886 = arith.mulf %add3A_874, %mul3A_885 : vector<16xf32>
    %add3A_887 = arith.constant 0x4B400000 : f32
    %add3A_888 = vector.broadcast %add3A_887 : f32 to vector<16xf32>
    %add3A_889 = arith.addf %mul3A_886, %add3A_888 : vector<16xf32>
    %sub3A_890 = arith.constant 0x4B400000 : f32
    %sub3A_891 = vector.broadcast %sub3A_890 : f32 to vector<16xf32>
    %sub3A_892 = arith.subf %add3A_889, %sub3A_891 : vector<16xf32>
    %jit3A_893 = arith.constant 0.000000e+00 : f32
    %jit3A_894 = arith.constant 9.920000e+02 : f32
    %max3A_895 = vector.broadcast %jit3A_893 : f32 to vector<16xf32>
    %max3A_896 = arith.maximumf %max3A_895, %sub3A_883 : vector<16xf32>
    %min3A_897 = vector.broadcast %jit3A_894 : f32 to vector<16xf32>
    %min3A_898 = arith.minimumf %min3A_897, %max3A_896 : vector<16xf32>
    %jit3A_899 = arith.constant 0.000000e+00 : f32
    %jit3A_900 = arith.constant 3.100000e+01 : f32
    %max3A_901 = vector.broadcast %jit3A_899 : f32 to vector<16xf32>
    %max3A_902 = arith.maximumf %max3A_901, %sub3A_892 : vector<16xf32>
    %min3A_903 = vector.broadcast %jit3A_900 : f32 to vector<16xf32>
    %min3A_904 = arith.minimumf %min3A_903, %max3A_902 : vector<16xf32>
    %add3A_905 = arith.addf %min3A_898, %min3A_904 : vector<16xf32>
    %convert_element_type3A_906 = arith.fptosi %add3A_905 : vector<16xf32> to vector<16xi32>
    %swap3A_907 = arith.constant 256 : index
    %swap3A_908 = tpu.vector_load %arg9[%swap3A_907] {strides = array<i32>} : memref<640xi32, #tpu.memory_space<vmem>>, vector<16xi32>,
    %swap3A_909 = vector.shape_cast %swap3A_908 : vector<16xi32> to vector<16xi32>
    %swap3A_910 = vector.shape_cast %convert_element_type3A_906 : vector<16xi32> to vector<16xi32>
    tpu.vector_store %arg9[%swap3A_907], %swap3A_910 {strides = array<i32>} : memref<640xi32, #tpu.memory_space<vmem>>, vector<16xi32>,
    %get3A_911 = arith.constant 272 : index
    %get3A_912 = tpu.vector_load %arg8[%get3A_911] {strides = array<i32>} : memref<2560xf32, #tpu.memory_space<vmem>>, vector<16xf32>,
    %get3A_913 = vector.shape_cast %get3A_912 : vector<16xf32> to vector<16xf32>
    %get3A_914 = arith.constant 1552 : index
    %get3A_915 = tpu.vector_load %arg8[%get3A_914] {strides = array<i32>} : memref<2560xf32, #tpu.memory_space<vmem>>, vector<16xf32>,
    %get3A_916 = vector.shape_cast %get3A_915 : vector<16xf32> to vector<16xf32>
    %add3A_917 = arith.addf %get3A_913, %get3A_916 : vector<16xf32>
    %get3A_918 = arith.constant 912 : index
    %get3A_919 = tpu.vector_load %arg8[%get3A_918] {strides = array<i32>} : memref<2560xf32, #tpu.memory_space<vmem>>, vector<16xf32>,
    %get3A_920 = vector.shape_cast %get3A_919 : vector<16xf32> to vector<16xf32>
    %get3A_921 = arith.constant 2192 : index
    %get3A_922 = tpu.vector_load %arg8[%get3A_921] {strides = array<i32>} : memref<2560xf32, #tpu.memory_space<vmem>>, vector<16xf32>,
    %get3A_923 = vector.shape_cast %get3A_922 : vector<16xf32> to vector<16xf32>
    %add3A_924 = arith.addf %get3A_920, %get3A_923 : vector<16xf32>
    %mul3A_925 = arith.constant 4.960000e+02 : f32
    %mul3A_926 = vector.broadcast %mul3A_925 : f32 to vector<16xf32>
    %mul3A_927 = arith.mulf %add3A_917, %mul3A_926 : vector<16xf32>
    %add3A_928 = arith.constant 0x4DC00000 : f32
    %add3A_929 = vector.broadcast %add3A_928 : f32 to vector<16xf32>
    %add3A_930 = arith.addf %mul3A_927, %add3A_929 : vector<16xf32>
    %sub3A_931 = arith.constant 0x4DC00000 : f32
    %sub3A_932 = vector.broadcast %sub3A_931 : f32 to vector<16xf32>
    %sub3A_933 = arith.subf %add3A_930, %sub3A_932 : vector<16xf32>
    %mul3A_934 = arith.constant 1.550000e+01 : f32
    %mul3A_935 = vector.broadcast %mul3A_934 : f32 to vector<16xf32>
    %mul3A_936 = arith.mulf %add3A_924, %mul3A_935 : vector<16xf32>
    %add3A_937 = arith.constant 0x4B400000 : f32
    %add3A_938 = vector.broadcast %add3A_937 : f32 to vector<16xf32>
    %add3A_939 = arith.addf %mul3A_936, %add3A_938 : vector<16xf32>
    %sub3A_940 = arith.constant 0x4B400000 : f32
    %sub3A_941 = vector.broadcast %sub3A_940 : f32 to vector<16xf32>
    %sub3A_942 = arith.subf %add3A_939, %sub3A_941 : vector<16xf32>
    %jit3A_943 = arith.constant 0.000000e+00 : f32
    %jit3A_944 = arith.constant 9.920000e+02 : f32
    %max3A_945 = vector.broadcast %jit3A_943 : f32 to vector<16xf32>
    %max3A_946 = arith.maximumf %max3A_945, %sub3A_933 : vector<16xf32>
    %min3A_947 = vector.broadcast %jit3A_944 : f32 to vector<16xf32>
    %min3A_948 = arith.minimumf %min3A_947, %max3A_946 : vector<16xf32>
    %jit3A_949 = arith.constant 0.000000e+00 : f32
    %jit3A_950 = arith.constant 3.100000e+01 : f32
    %max3A_951 = vector.broadcast %jit3A_949 : f32 to vector<16xf32>
    %max3A_952 = arith.maximumf %max3A_951, %sub3A_942 : vector<16xf32>
    %min3A_953 = vector.broadcast %jit3A_950 : f32 to vector<16xf32>
    %min3A_954 = arith.minimumf %min3A_953, %max3A_952 : vector<16xf32>
    %add3A_955 = arith.addf %min3A_948, %min3A_954 : vector<16xf32>
    %convert_element_type3A_956 = arith.fptosi %add3A_955 : vector<16xf32> to vector<16xi32>
    %swap3A_957 = arith.constant 272 : index
    %swap3A_958 = tpu.vector_load %arg9[%swap3A_957] {strides = array<i32>} : memref<640xi32, #tpu.memory_space<vmem>>, vector<16xi32>,
    %swap3A_959 = vector.shape_cast %swap3A_958 : vector<16xi32> to vector<16xi32>
    %swap3A_960 = vector.shape_cast %convert_element_type3A_956 : vector<16xi32> to vector<16xi32>
    tpu.vector_store %arg9[%swap3A_957], %swap3A_960 {strides = array<i32>} : memref<640xi32, #tpu.memory_space<vmem>>, vector<16xi32>,
    %get3A_961 = arith.constant 288 : index
    %get3A_962 = tpu.vector_load %arg8[%get3A_961] {strides = array<i32>} : memref<2560xf32, #tpu.memory_space<vmem>>, vector<16xf32>,
    %get3A_963 = vector.shape_cast %get3A_962 : vector<16xf32> to vector<16xf32>
    %get3A_964 = arith.constant 1568 : index
    %get3A_965 = tpu.vector_load %arg8[%get3A_964] {strides = array<i32>} : memref<2560xf32, #tpu.memory_space<vmem>>, vector<16xf32>,
    %get3A_966 = vector.shape_cast %get3A_965 : vector<16xf32> to vector<16xf32>
    %add3A_967 = arith.addf %get3A_963, %get3A_966 : vector<16xf32>
    %get3A_968 = arith.constant 928 : index
    %get3A_969 = tpu.vector_load %arg8[%get3A_968] {strides = array<i32>} : memref<2560xf32, #tpu.memory_space<vmem>>, vector<16xf32>,
    %get3A_970 = vector.shape_cast %get3A_969 : vector<16xf32> to vector<16xf32>
    %get3A_971 = arith.constant 2208 : index
    %get3A_972 = tpu.vector_load %arg8[%get3A_971] {strides = array<i32>} : memref<2560xf32, #tpu.memory_space<vmem>>, vector<16xf32>,
    %get3A_973 = vector.shape_cast %get3A_972 : vector<16xf32> to vector<16xf32>
    %add3A_974 = arith.addf %get3A_970, %get3A_973 : vector<16xf32>
    %mul3A_975 = arith.constant 4.960000e+02 : f32
    %mul3A_976 = vector.broadcast %mul3A_975 : f32 to vector<16xf32>
    %mul3A_977 = arith.mulf %add3A_967, %mul3A_976 : vector<16xf32>
    %add3A_978 = arith.constant 0x4DC00000 : f32
    %add3A_979 = vector.broadcast %add3A_978 : f32 to vector<16xf32>
    %add3A_980 = arith.addf %mul3A_977, %add3A_979 : vector<16xf32>
    %sub3A_981 = arith.constant 0x4DC00000 : f32
    %sub3A_982 = vector.broadcast %sub3A_981 : f32 to vector<16xf32>
    %sub3A_983 = arith.subf %add3A_980, %sub3A_982 : vector<16xf32>
    %mul3A_984 = arith.constant 1.550000e+01 : f32
    %mul3A_985 = vector.broadcast %mul3A_984 : f32 to vector<16xf32>
    %mul3A_986 = arith.mulf %add3A_974, %mul3A_985 : vector<16xf32>
    %add3A_987 = arith.constant 0x4B400000 : f32
    %add3A_988 = vector.broadcast %add3A_987 : f32 to vector<16xf32>
    %add3A_989 = arith.addf %mul3A_986, %add3A_988 : vector<16xf32>
    %sub3A_990 = arith.constant 0x4B400000 : f32
    %sub3A_991 = vector.broadcast %sub3A_990 : f32 to vector<16xf32>
    %sub3A_992 = arith.subf %add3A_989, %sub3A_991 : vector<16xf32>
    %jit3A_993 = arith.constant 0.000000e+00 : f32
    %jit3A_994 = arith.constant 9.920000e+02 : f32
    %max3A_995 = vector.broadcast %jit3A_993 : f32 to vector<16xf32>
    %max3A_996 = arith.maximumf %max3A_995, %sub3A_983 : vector<16xf32>
    %min3A_997 = vector.broadcast %jit3A_994 : f32 to vector<16xf32>
    %min3A_998 = arith.minimumf %min3A_997, %max3A_996 : vector<16xf32>
    %jit3A_999 = arith.constant 0.000000e+00 : f32
    %jit3A_1000 = arith.constant 3.100000e+01 : f32
    %max3A_1001 = vector.broadcast %jit3A_999 : f32 to vector<16xf32>
    %max3A_1002 = arith.maximumf %max3A_1001, %sub3A_992 : vector<16xf32>
    %min3A_1003 = vector.broadcast %jit3A_1000 : f32 to vector<16xf32>
    %min3A_1004 = arith.minimumf %min3A_1003, %max3A_1002 : vector<16xf32>
    %add3A_1005 = arith.addf %min3A_998, %min3A_1004 : vector<16xf32>
    %convert_element_type3A_1006 = arith.fptosi %add3A_1005 : vector<16xf32> to vector<16xi32>
    %swap3A_1007 = arith.constant 288 : index
    %swap3A_1008 = tpu.vector_load %arg9[%swap3A_1007] {strides = array<i32>} : memref<640xi32, #tpu.memory_space<vmem>>, vector<16xi32>,
    %swap3A_1009 = vector.shape_cast %swap3A_1008 : vector<16xi32> to vector<16xi32>
    %swap3A_1010 = vector.shape_cast %convert_element_type3A_1006 : vector<16xi32> to vector<16xi32>
    tpu.vector_store %arg9[%swap3A_1007], %swap3A_1010 {strides = array<i32>} : memref<640xi32, #tpu.memory_space<vmem>>, vector<16xi32>,
    %get3A_1011 = arith.constant 304 : index
    %get3A_1012 = tpu.vector_load %arg8[%get3A_1011] {strides = array<i32>} : memref<2560xf32, #tpu.memory_space<vmem>>, vector<16xf32>,
    %get3A_1013 = vector.shape_cast %get3A_1012 : vector<16xf32> to vector<16xf32>
    %get3A_1014 = arith.constant 1584 : index
    %get3A_1015 = tpu.vector_load %arg8[%get3A_1014] {strides = array<i32>} : memref<2560xf32, #tpu.memory_space<vmem>>, vector<16xf32>,
    %get3A_1016 = vector.shape_cast %get3A_1015 : vector<16xf32> to vector<16xf32>
    %add3A_1017 = arith.addf %get3A_1013, %get3A_1016 : vector<16xf32>
    %get3A_1018 = arith.constant 944 : index
    %get3A_1019 = tpu.vector_load %arg8[%get3A_1018] {strides = array<i32>} : memref<2560xf32, #tpu.memory_space<vmem>>, vector<16xf32>,
    %get3A_1020 = vector.shape_cast %get3A_1019 : vector<16xf32> to vector<16xf32>
    %get3A_1021 = arith.constant 2224 : index
    %get3A_1022 = tpu.vector_load %arg8[%get3A_1021] {strides = array<i32>} : memref<2560xf32, #tpu.memory_space<vmem>>, vector<16xf32>,
    %get3A_1023 = vector.shape_cast %get3A_1022 : vector<16xf32> to vector<16xf32>
    %add3A_1024 = arith.addf %get3A_1020, %get3A_1023 : vector<16xf32>
    %mul3A_1025 = arith.constant 4.960000e+02 : f32
    %mul3A_1026 = vector.broadcast %mul3A_1025 : f32 to vector<16xf32>
    %mul3A_1027 = arith.mulf %add3A_1017, %mul3A_1026 : vector<16xf32>
    %add3A_1028 = arith.constant 0x4DC00000 : f32
    %add3A_1029 = vector.broadcast %add3A_1028 : f32 to vector<16xf32>
    %add3A_1030 = arith.addf %mul3A_1027, %add3A_1029 : vector<16xf32>
    %sub3A_1031 = arith.constant 0x4DC00000 : f32
    %sub3A_1032 = vector.broadcast %sub3A_1031 : f32 to vector<16xf32>
    %sub3A_1033 = arith.subf %add3A_1030, %sub3A_1032 : vector<16xf32>
    %mul3A_1034 = arith.constant 1.550000e+01 : f32
    %mul3A_1035 = vector.broadcast %mul3A_1034 : f32 to vector<16xf32>
    %mul3A_1036 = arith.mulf %add3A_1024, %mul3A_1035 : vector<16xf32>
    %add3A_1037 = arith.constant 0x4B400000 : f32
    %add3A_1038 = vector.broadcast %add3A_1037 : f32 to vector<16xf32>
    %add3A_1039 = arith.addf %mul3A_1036, %add3A_1038 : vector<16xf32>
    %sub3A_1040 = arith.constant 0x4B400000 : f32
    %sub3A_1041 = vector.broadcast %sub3A_1040 : f32 to vector<16xf32>
    %sub3A_1042 = arith.subf %add3A_1039, %sub3A_1041 : vector<16xf32>
    %jit3A_1043 = arith.constant 0.000000e+00 : f32
    %jit3A_1044 = arith.constant 9.920000e+02 : f32
    %max3A_1045 = vector.broadcast %jit3A_1043 : f32 to vector<16xf32>
    %max3A_1046 = arith.maximumf %max3A_1045, %sub3A_1033 : vector<16xf32>
    %min3A_1047 = vector.broadcast %jit3A_1044 : f32 to vector<16xf32>
    %min3A_1048 = arith.minimumf %min3A_1047, %max3A_1046 : vector<16xf32>
    %jit3A_1049 = arith.constant 0.000000e+00 : f32
    %jit3A_1050 = arith.constant 3.100000e+01 : f32
    %max3A_1051 = vector.broadcast %jit3A_1049 : f32 to vector<16xf32>
    %max3A_1052 = arith.maximumf %max3A_1051, %sub3A_1042 : vector<16xf32>
    %min3A_1053 = vector.broadcast %jit3A_1050 : f32 to vector<16xf32>
    %min3A_1054 = arith.minimumf %min3A_1053, %max3A_1052 : vector<16xf32>
    %add3A_1055 = arith.addf %min3A_1048, %min3A_1054 : vector<16xf32>
    %convert_element_type3A_1056 = arith.fptosi %add3A_1055 : vector<16xf32> to vector<16xi32>
    %swap3A_1057 = arith.constant 304 : index
    %swap3A_1058 = tpu.vector_load %arg9[%swap3A_1057] {strides = array<i32>} : memref<640xi32, #tpu.memory_space<vmem>>, vector<16xi32>,
    %swap3A_1059 = vector.shape_cast %swap3A_1058 : vector<16xi32> to vector<16xi32>
    %swap3A_1060 = vector.shape_cast %convert_element_type3A_1056 : vector<16xi32> to vector<16xi32>
    tpu.vector_store %arg9[%swap3A_1057], %swap3A_1060 {strides = array<i32>} : memref<640xi32, #tpu.memory_space<vmem>>, vector<16xi32>,
    %get3A_1061 = arith.constant 320 : index
    %get3A_1062 = tpu.vector_load %arg8[%get3A_1061] {strides = array<i32>} : memref<2560xf32, #tpu.memory_space<vmem>>, vector<16xf32>,
    %get3A_1063 = vector.shape_cast %get3A_1062 : vector<16xf32> to vector<16xf32>
    %get3A_1064 = arith.constant 1600 : index
    %get3A_1065 = tpu.vector_load %arg8[%get3A_1064] {strides = array<i32>} : memref<2560xf32, #tpu.memory_space<vmem>>, vector<16xf32>,
    %get3A_1066 = vector.shape_cast %get3A_1065 : vector<16xf32> to vector<16xf32>
    %add3A_1067 = arith.addf %get3A_1063, %get3A_1066 : vector<16xf32>
    %get3A_1068 = arith.constant 960 : index
    %get3A_1069 = tpu.vector_load %arg8[%get3A_1068] {strides = array<i32>} : memref<2560xf32, #tpu.memory_space<vmem>>, vector<16xf32>,
    %get3A_1070 = vector.shape_cast %get3A_1069 : vector<16xf32> to vector<16xf32>
    %get3A_1071 = arith.constant 2240 : index
    %get3A_1072 = tpu.vector_load %arg8[%get3A_1071] {strides = array<i32>} : memref<2560xf32, #tpu.memory_space<vmem>>, vector<16xf32>,
    %get3A_1073 = vector.shape_cast %get3A_1072 : vector<16xf32> to vector<16xf32>
    %add3A_1074 = arith.addf %get3A_1070, %get3A_1073 : vector<16xf32>
    %mul3A_1075 = arith.constant 4.960000e+02 : f32
    %mul3A_1076 = vector.broadcast %mul3A_1075 : f32 to vector<16xf32>
    %mul3A_1077 = arith.mulf %add3A_1067, %mul3A_1076 : vector<16xf32>
    %add3A_1078 = arith.constant 0x4DC00000 : f32
    %add3A_1079 = vector.broadcast %add3A_1078 : f32 to vector<16xf32>
    %add3A_1080 = arith.addf %mul3A_1077, %add3A_1079 : vector<16xf32>
    %sub3A_1081 = arith.constant 0x4DC00000 : f32
    %sub3A_1082 = vector.broadcast %sub3A_1081 : f32 to vector<16xf32>
    %sub3A_1083 = arith.subf %add3A_1080, %sub3A_1082 : vector<16xf32>
    %mul3A_1084 = arith.constant 1.550000e+01 : f32
    %mul3A_1085 = vector.broadcast %mul3A_1084 : f32 to vector<16xf32>
    %mul3A_1086 = arith.mulf %add3A_1074, %mul3A_1085 : vector<16xf32>
    %add3A_1087 = arith.constant 0x4B400000 : f32
    %add3A_1088 = vector.broadcast %add3A_1087 : f32 to vector<16xf32>
    %add3A_1089 = arith.addf %mul3A_1086, %add3A_1088 : vector<16xf32>
    %sub3A_1090 = arith.constant 0x4B400000 : f32
    %sub3A_1091 = vector.broadcast %sub3A_1090 : f32 to vector<16xf32>
    %sub3A_1092 = arith.subf %add3A_1089, %sub3A_1091 : vector<16xf32>
    %jit3A_1093 = arith.constant 0.000000e+00 : f32
    %jit3A_1094 = arith.constant 9.920000e+02 : f32
    %max3A_1095 = vector.broadcast %jit3A_1093 : f32 to vector<16xf32>
    %max3A_1096 = arith.maximumf %max3A_1095, %sub3A_1083 : vector<16xf32>
    %min3A_1097 = vector.broadcast %jit3A_1094 : f32 to vector<16xf32>
    %min3A_1098 = arith.minimumf %min3A_1097, %max3A_1096 : vector<16xf32>
    %jit3A_1099 = arith.constant 0.000000e+00 : f32
    %jit3A_1100 = arith.constant 3.100000e+01 : f32
    %max3A_1101 = vector.broadcast %jit3A_1099 : f32 to vector<16xf32>
    %max3A_1102 = arith.maximumf %max3A_1101, %sub3A_1092 : vector<16xf32>
    %min3A_1103 = vector.broadcast %jit3A_1100 : f32 to vector<16xf32>
    %min3A_1104 = arith.minimumf %min3A_1103, %max3A_1102 : vector<16xf32>
    %add3A_1105 = arith.addf %min3A_1098, %min3A_1104 : vector<16xf32>
    %convert_element_type3A_1106 = arith.fptosi %add3A_1105 : vector<16xf32> to vector<16xi32>
    %swap3A_1107 = arith.constant 320 : index
    %swap3A_1108 = tpu.vector_load %arg9[%swap3A_1107] {strides = array<i32>} : memref<640xi32, #tpu.memory_space<vmem>>, vector<16xi32>,
    %swap3A_1109 = vector.shape_cast %swap3A_1108 : vector<16xi32> to vector<16xi32>
    %swap3A_1110 = vector.shape_cast %convert_element_type3A_1106 : vector<16xi32> to vector<16xi32>
    tpu.vector_store %arg9[%swap3A_1107], %swap3A_1110 {strides = array<i32>} : memref<640xi32, #tpu.memory_space<vmem>>, vector<16xi32>,
    %get3A_1111 = arith.constant 336 : index
    %get3A_1112 = tpu.vector_load %arg8[%get3A_1111] {strides = array<i32>} : memref<2560xf32, #tpu.memory_space<vmem>>, vector<16xf32>,
    %get3A_1113 = vector.shape_cast %get3A_1112 : vector<16xf32> to vector<16xf32>
    %get3A_1114 = arith.constant 1616 : index
    %get3A_1115 = tpu.vector_load %arg8[%get3A_1114] {strides = array<i32>} : memref<2560xf32, #tpu.memory_space<vmem>>, vector<16xf32>,
    %get3A_1116 = vector.shape_cast %get3A_1115 : vector<16xf32> to vector<16xf32>
    %add3A_1117 = arith.addf %get3A_1113, %get3A_1116 : vector<16xf32>
    %get3A_1118 = arith.constant 976 : index
    %get3A_1119 = tpu.vector_load %arg8[%get3A_1118] {strides = array<i32>} : memref<2560xf32, #tpu.memory_space<vmem>>, vector<16xf32>,
    %get3A_1120 = vector.shape_cast %get3A_1119 : vector<16xf32> to vector<16xf32>
    %get3A_1121 = arith.constant 2256 : index
    %get3A_1122 = tpu.vector_load %arg8[%get3A_1121] {strides = array<i32>} : memref<2560xf32, #tpu.memory_space<vmem>>, vector<16xf32>,
    %get3A_1123 = vector.shape_cast %get3A_1122 : vector<16xf32> to vector<16xf32>
    %add3A_1124 = arith.addf %get3A_1120, %get3A_1123 : vector<16xf32>
    %mul3A_1125 = arith.constant 4.960000e+02 : f32
    %mul3A_1126 = vector.broadcast %mul3A_1125 : f32 to vector<16xf32>
    %mul3A_1127 = arith.mulf %add3A_1117, %mul3A_1126 : vector<16xf32>
    %add3A_1128 = arith.constant 0x4DC00000 : f32
    %add3A_1129 = vector.broadcast %add3A_1128 : f32 to vector<16xf32>
    %add3A_1130 = arith.addf %mul3A_1127, %add3A_1129 : vector<16xf32>
    %sub3A_1131 = arith.constant 0x4DC00000 : f32
    %sub3A_1132 = vector.broadcast %sub3A_1131 : f32 to vector<16xf32>
    %sub3A_1133 = arith.subf %add3A_1130, %sub3A_1132 : vector<16xf32>
    %mul3A_1134 = arith.constant 1.550000e+01 : f32
    %mul3A_1135 = vector.broadcast %mul3A_1134 : f32 to vector<16xf32>
    %mul3A_1136 = arith.mulf %add3A_1124, %mul3A_1135 : vector<16xf32>
    %add3A_1137 = arith.constant 0x4B400000 : f32
    %add3A_1138 = vector.broadcast %add3A_1137 : f32 to vector<16xf32>
    %add3A_1139 = arith.addf %mul3A_1136, %add3A_1138 : vector<16xf32>
    %sub3A_1140 = arith.constant 0x4B400000 : f32
    %sub3A_1141 = vector.broadcast %sub3A_1140 : f32 to vector<16xf32>
    %sub3A_1142 = arith.subf %add3A_1139, %sub3A_1141 : vector<16xf32>
    %jit3A_1143 = arith.constant 0.000000e+00 : f32
    %jit3A_1144 = arith.constant 9.920000e+02 : f32
    %max3A_1145 = vector.broadcast %jit3A_1143 : f32 to vector<16xf32>
    %max3A_1146 = arith.maximumf %max3A_1145, %sub3A_1133 : vector<16xf32>
    %min3A_1147 = vector.broadcast %jit3A_1144 : f32 to vector<16xf32>
    %min3A_1148 = arith.minimumf %min3A_1147, %max3A_1146 : vector<16xf32>
    %jit3A_1149 = arith.constant 0.000000e+00 : f32
    %jit3A_1150 = arith.constant 3.100000e+01 : f32
    %max3A_1151 = vector.broadcast %jit3A_1149 : f32 to vector<16xf32>
    %max3A_1152 = arith.maximumf %max3A_1151, %sub3A_1142 : vector<16xf32>
    %min3A_1153 = vector.broadcast %jit3A_1150 : f32 to vector<16xf32>
    %min3A_1154 = arith.minimumf %min3A_1153, %max3A_1152 : vector<16xf32>
    %add3A_1155 = arith.addf %min3A_1148, %min3A_1154 : vector<16xf32>
    %convert_element_type3A_1156 = arith.fptosi %add3A_1155 : vector<16xf32> to vector<16xi32>
    %swap3A_1157 = arith.constant 336 : index
    %swap3A_1158 = tpu.vector_load %arg9[%swap3A_1157] {strides = array<i32>} : memref<640xi32, #tpu.memory_space<vmem>>, vector<16xi32>,
    %swap3A_1159 = vector.shape_cast %swap3A_1158 : vector<16xi32> to vector<16xi32>
    %swap3A_1160 = vector.shape_cast %convert_element_type3A_1156 : vector<16xi32> to vector<16xi32>
    tpu.vector_store %arg9[%swap3A_1157], %swap3A_1160 {strides = array<i32>} : memref<640xi32, #tpu.memory_space<vmem>>, vector<16xi32>,
    %get3A_1161 = arith.constant 352 : index
    %get3A_1162 = tpu.vector_load %arg8[%get3A_1161] {strides = array<i32>} : memref<2560xf32, #tpu.memory_space<vmem>>, vector<16xf32>,
    %get3A_1163 = vector.shape_cast %get3A_1162 : vector<16xf32> to vector<16xf32>
    %get3A_1164 = arith.constant 1632 : index
    %get3A_1165 = tpu.vector_load %arg8[%get3A_1164] {strides = array<i32>} : memref<2560xf32, #tpu.memory_space<vmem>>, vector<16xf32>,
    %get3A_1166 = vector.shape_cast %get3A_1165 : vector<16xf32> to vector<16xf32>
    %add3A_1167 = arith.addf %get3A_1163, %get3A_1166 : vector<16xf32>
    %get3A_1168 = arith.constant 992 : index
    %get3A_1169 = tpu.vector_load %arg8[%get3A_1168] {strides = array<i32>} : memref<2560xf32, #tpu.memory_space<vmem>>, vector<16xf32>,
    %get3A_1170 = vector.shape_cast %get3A_1169 : vector<16xf32> to vector<16xf32>
    %get3A_1171 = arith.constant 2272 : index
    %get3A_1172 = tpu.vector_load %arg8[%get3A_1171] {strides = array<i32>} : memref<2560xf32, #tpu.memory_space<vmem>>, vector<16xf32>,
    %get3A_1173 = vector.shape_cast %get3A_1172 : vector<16xf32> to vector<16xf32>
    %add3A_1174 = arith.addf %get3A_1170, %get3A_1173 : vector<16xf32>
    %mul3A_1175 = arith.constant 4.960000e+02 : f32
    %mul3A_1176 = vector.broadcast %mul3A_1175 : f32 to vector<16xf32>
    %mul3A_1177 = arith.mulf %add3A_1167, %mul3A_1176 : vector<16xf32>
    %add3A_1178 = arith.constant 0x4DC00000 : f32
    %add3A_1179 = vector.broadcast %add3A_1178 : f32 to vector<16xf32>
    %add3A_1180 = arith.addf %mul3A_1177, %add3A_1179 : vector<16xf32>
    %sub3A_1181 = arith.constant 0x4DC00000 : f32
    %sub3A_1182 = vector.broadcast %sub3A_1181 : f32 to vector<16xf32>
    %sub3A_1183 = arith.subf %add3A_1180, %sub3A_1182 : vector<16xf32>
    %mul3A_1184 = arith.constant 1.550000e+01 : f32
    %mul3A_1185 = vector.broadcast %mul3A_1184 : f32 to vector<16xf32>
    %mul3A_1186 = arith.mulf %add3A_1174, %mul3A_1185 : vector<16xf32>
    %add3A_1187 = arith.constant 0x4B400000 : f32
    %add3A_1188 = vector.broadcast %add3A_1187 : f32 to vector<16xf32>
    %add3A_1189 = arith.addf %mul3A_1186, %add3A_1188 : vector<16xf32>
    %sub3A_1190 = arith.constant 0x4B400000 : f32
    %sub3A_1191 = vector.broadcast %sub3A_1190 : f32 to vector<16xf32>
    %sub3A_1192 = arith.subf %add3A_1189, %sub3A_1191 : vector<16xf32>
    %jit3A_1193 = arith.constant 0.000000e+00 : f32
    %jit3A_1194 = arith.constant 9.920000e+02 : f32
    %max3A_1195 = vector.broadcast %jit3A_1193 : f32 to vector<16xf32>
    %max3A_1196 = arith.maximumf %max3A_1195, %sub3A_1183 : vector<16xf32>
    %min3A_1197 = vector.broadcast %jit3A_1194 : f32 to vector<16xf32>
    %min3A_1198 = arith.minimumf %min3A_1197, %max3A_1196 : vector<16xf32>
    %jit3A_1199 = arith.constant 0.000000e+00 : f32
    %jit3A_1200 = arith.constant 3.100000e+01 : f32
    %max3A_1201 = vector.broadcast %jit3A_1199 : f32 to vector<16xf32>
    %max3A_1202 = arith.maximumf %max3A_1201, %sub3A_1192 : vector<16xf32>
    %min3A_1203 = vector.broadcast %jit3A_1200 : f32 to vector<16xf32>
    %min3A_1204 = arith.minimumf %min3A_1203, %max3A_1202 : vector<16xf32>
    %add3A_1205 = arith.addf %min3A_1198, %min3A_1204 : vector<16xf32>
    %convert_element_type3A_1206 = arith.fptosi %add3A_1205 : vector<16xf32> to vector<16xi32>
    %swap3A_1207 = arith.constant 352 : index
    %swap3A_1208 = tpu.vector_load %arg9[%swap3A_1207] {strides = array<i32>} : memref<640xi32, #tpu.memory_space<vmem>>, vector<16xi32>,
    %swap3A_1209 = vector.shape_cast %swap3A_1208 : vector<16xi32> to vector<16xi32>
    %swap3A_1210 = vector.shape_cast %convert_element_type3A_1206 : vector<16xi32> to vector<16xi32>
    tpu.vector_store %arg9[%swap3A_1207], %swap3A_1210 {strides = array<i32>} : memref<640xi32, #tpu.memory_space<vmem>>, vector<16xi32>,
    %get3A_1211 = arith.constant 368 : index
    %get3A_1212 = tpu.vector_load %arg8[%get3A_1211] {strides = array<i32>} : memref<2560xf32, #tpu.memory_space<vmem>>, vector<16xf32>,
    %get3A_1213 = vector.shape_cast %get3A_1212 : vector<16xf32> to vector<16xf32>
    %get3A_1214 = arith.constant 1648 : index
    %get3A_1215 = tpu.vector_load %arg8[%get3A_1214] {strides = array<i32>} : memref<2560xf32, #tpu.memory_space<vmem>>, vector<16xf32>,
    %get3A_1216 = vector.shape_cast %get3A_1215 : vector<16xf32> to vector<16xf32>
    %add3A_1217 = arith.addf %get3A_1213, %get3A_1216 : vector<16xf32>
    %get3A_1218 = arith.constant 1008 : index
    %get3A_1219 = tpu.vector_load %arg8[%get3A_1218] {strides = array<i32>} : memref<2560xf32, #tpu.memory_space<vmem>>, vector<16xf32>,
    %get3A_1220 = vector.shape_cast %get3A_1219 : vector<16xf32> to vector<16xf32>
    %get3A_1221 = arith.constant 2288 : index
    %get3A_1222 = tpu.vector_load %arg8[%get3A_1221] {strides = array<i32>} : memref<2560xf32, #tpu.memory_space<vmem>>, vector<16xf32>,
    %get3A_1223 = vector.shape_cast %get3A_1222 : vector<16xf32> to vector<16xf32>
    %add3A_1224 = arith.addf %get3A_1220, %get3A_1223 : vector<16xf32>
    %mul3A_1225 = arith.constant 4.960000e+02 : f32
    %mul3A_1226 = vector.broadcast %mul3A_1225 : f32 to vector<16xf32>
    %mul3A_1227 = arith.mulf %add3A_1217, %mul3A_1226 : vector<16xf32>
    %add3A_1228 = arith.constant 0x4DC00000 : f32
    %add3A_1229 = vector.broadcast %add3A_1228 : f32 to vector<16xf32>
    %add3A_1230 = arith.addf %mul3A_1227, %add3A_1229 : vector<16xf32>
    %sub3A_1231 = arith.constant 0x4DC00000 : f32
    %sub3A_1232 = vector.broadcast %sub3A_1231 : f32 to vector<16xf32>
    %sub3A_1233 = arith.subf %add3A_1230, %sub3A_1232 : vector<16xf32>
    %mul3A_1234 = arith.constant 1.550000e+01 : f32
    %mul3A_1235 = vector.broadcast %mul3A_1234 : f32 to vector<16xf32>
    %mul3A_1236 = arith.mulf %add3A_1224, %mul3A_1235 : vector<16xf32>
    %add3A_1237 = arith.constant 0x4B400000 : f32
    %add3A_1238 = vector.broadcast %add3A_1237 : f32 to vector<16xf32>
    %add3A_1239 = arith.addf %mul3A_1236, %add3A_1238 : vector<16xf32>
    %sub3A_1240 = arith.constant 0x4B400000 : f32
    %sub3A_1241 = vector.broadcast %sub3A_1240 : f32 to vector<16xf32>
    %sub3A_1242 = arith.subf %add3A_1239, %sub3A_1241 : vector<16xf32>
    %jit3A_1243 = arith.constant 0.000000e+00 : f32
    %jit3A_1244 = arith.constant 9.920000e+02 : f32
    %max3A_1245 = vector.broadcast %jit3A_1243 : f32 to vector<16xf32>
    %max3A_1246 = arith.maximumf %max3A_1245, %sub3A_1233 : vector<16xf32>
    %min3A_1247 = vector.broadcast %jit3A_1244 : f32 to vector<16xf32>
    %min3A_1248 = arith.minimumf %min3A_1247, %max3A_1246 : vector<16xf32>
    %jit3A_1249 = arith.constant 0.000000e+00 : f32
    %jit3A_1250 = arith.constant 3.100000e+01 : f32
    %max3A_1251 = vector.broadcast %jit3A_1249 : f32 to vector<16xf32>
    %max3A_1252 = arith.maximumf %max3A_1251, %sub3A_1242 : vector<16xf32>
    %min3A_1253 = vector.broadcast %jit3A_1250 : f32 to vector<16xf32>
    %min3A_1254 = arith.minimumf %min3A_1253, %max3A_1252 : vector<16xf32>
    %add3A_1255 = arith.addf %min3A_1248, %min3A_1254 : vector<16xf32>
    %convert_element_type3A_1256 = arith.fptosi %add3A_1255 : vector<16xf32> to vector<16xi32>
    %swap3A_1257 = arith.constant 368 : index
    %swap3A_1258 = tpu.vector_load %arg9[%swap3A_1257] {strides = array<i32>} : memref<640xi32, #tpu.memory_space<vmem>>, vector<16xi32>,
    %swap3A_1259 = vector.shape_cast %swap3A_1258 : vector<16xi32> to vector<16xi32>
    %swap3A_1260 = vector.shape_cast %convert_element_type3A_1256 : vector<16xi32> to vector<16xi32>
    tpu.vector_store %arg9[%swap3A_1257], %swap3A_1260 {strides = array<i32>} : memref<640xi32, #tpu.memory_space<vmem>>, vector<16xi32>,
    %dma_start3A_1261 = arith.constant 256 : i32
    %dma_start3A_1262 = tpu.memref_slice %arg9[%dma_start3A_1261] : memref<640xi32, #tpu.memory_space<vmem>> -> memref<128xi32, #tpu.memory_space<vmem>>
    %dma_start3A_1263 = arith.constant 0 : i32
    %dma_start3A_1264 = arith.constant 0 : i32
    %dma_start3A_1265 = tpu.memref_slice %arg6[%dma_start3A_1263, %dma_start3A_1264] : memref<1024x256xf32, #tpu.memory_space<hbm>> -> memref<1024x256xf32, #tpu.memory_space<hbm>>
    tpu.enqueue_indirect_dma source(%dma_start3A_1265 : memref<1024x256xf32, #tpu.memory_space<hbm>>) target(%arg10 : memref<128x256xf32, #tpu.memory_space<vmem>>) offsets(%dma_start3A_1262 : memref<128xi32, #tpu.memory_space<vmem>>) semaphore(%arg12 : memref<!tpu.dma_semaphore, #tpu.memory_space<semaphore_mem>>)
    %dma_wait3A_1266 = arith.constant 128 : i32
    %dma_wait3A_1267 = tpu.memref_slice %arg9[%dma_wait3A_1266] : memref<640xi32, #tpu.memory_space<vmem>> -> memref<128xi32, #tpu.memory_space<vmem>>
    %dma_wait3A_1268 = arith.constant 0 : i32
    %dma_wait3A_1269 = arith.constant 0 : i32
    %dma_wait3A_1270 = tpu.memref_slice %arg6[%dma_wait3A_1268, %dma_wait3A_1269] : memref<1024x256xf32, #tpu.memory_space<hbm>> -> memref<1024x256xf32, #tpu.memory_space<hbm>>
    tpu.wait_indirect_dma semaphore(%arg13 : memref<!tpu.dma_semaphore, #tpu.memory_space<semaphore_mem>>) src(%dma_wait3A_1270 : memref<1024x256xf32, #tpu.memory_space<hbm>>) dst(%arg11 : memref<128x256xf32, #tpu.memory_space<vmem>>)
    %add3A_1271 = arith.constant 128 : i32
    %add3A_1272 = arith.addi %min3A_3, %add3A_1271 : i32
    "tpu.region"() ({
      %run_scoped3A = tpu.sem_alloc : memref<!tpu.dma_semaphore, #tpu.memory_space<semaphore_mem>>
      %dma_start3A_2104 = arith.constant 0 : i32
      %dma_start3A_2105 = tpu.memref_slice %arg7[%add3A_1272, %dma_start3A_2104] : memref<20000x256xf32, #tpu.memory_space<hbm>> -> memref<128x256xf32, #tpu.memory_space<hbm>>
      %dma_start3A_2106 = arith.constant 0 : i32
      %dma_start3A_2107 = tpu.memref_slice %arg7[%add3A_1272, %dma_start3A_2106] : memref<20000x256xf32, #tpu.memory_space<hbm>> -> memref<128x256xf32, #tpu.memory_space<hbm>>
      tpu.enqueue_dma source(%arg11 : memref<128x256xf32, #tpu.memory_space<vmem>>) target(%dma_start3A_2107 : memref<128x256xf32, #tpu.memory_space<hbm>>) target_semaphore(%run_scoped3A : memref<!tpu.dma_semaphore, #tpu.memory_space<semaphore_mem>>)
      %dma_wait3A_2108 = arith.constant 0 : i32
      %dma_wait3A_2109 = tpu.memref_slice %arg7[%add3A_1272, %dma_wait3A_2108] : memref<20000x256xf32, #tpu.memory_space<hbm>> -> memref<128x256xf32, #tpu.memory_space<hbm>>
      %dma_wait3A_2110 = arith.constant 0 : i32
      %dma_wait3A_2111 = tpu.memref_slice %arg7[%add3A_1272, %dma_wait3A_2110] : memref<20000x256xf32, #tpu.memory_space<hbm>> -> memref<128x256xf32, #tpu.memory_space<hbm>>
      tpu.wait_dma2 semaphore(%run_scoped3A : memref<!tpu.dma_semaphore, #tpu.memory_space<semaphore_mem>>) src(%arg11 : memref<128x256xf32, #tpu.memory_space<vmem>>) dst(%dma_wait3A_2111 : memref<128x256xf32, #tpu.memory_space<hbm>>)
      tpu.yield
    }) : () -> ()
    %get3A_1273 = arith.constant 384 : index
    %get3A_1274 = tpu.vector_load %arg8[%get3A_1273] {strides = array<i32>} : memref<2560xf32, #tpu.memory_space<vmem>>, vector<16xf32>,
    %get3A_1275 = vector.shape_cast %get3A_1274 : vector<16xf32> to vector<16xf32>
    %get3A_1276 = arith.constant 1664 : index
    %get3A_1277 = tpu.vector_load %arg8[%get3A_1276] {strides = array<i32>} : memref<2560xf32, #tpu.memory_space<vmem>>, vector<16xf32>,
    %get3A_1278 = vector.shape_cast %get3A_1277 : vector<16xf32> to vector<16xf32>
    %add3A_1279 = arith.addf %get3A_1275, %get3A_1278 : vector<16xf32>
    %get3A_1280 = arith.constant 1024 : index
    %get3A_1281 = tpu.vector_load %arg8[%get3A_1280] {strides = array<i32>} : memref<2560xf32, #tpu.memory_space<vmem>>, vector<16xf32>,
    %get3A_1282 = vector.shape_cast %get3A_1281 : vector<16xf32> to vector<16xf32>
    %get3A_1283 = arith.constant 2304 : index
    %get3A_1284 = tpu.vector_load %arg8[%get3A_1283] {strides = array<i32>} : memref<2560xf32, #tpu.memory_space<vmem>>, vector<16xf32>,
    %get3A_1285 = vector.shape_cast %get3A_1284 : vector<16xf32> to vector<16xf32>
    %add3A_1286 = arith.addf %get3A_1282, %get3A_1285 : vector<16xf32>
    %mul3A_1287 = arith.constant 4.960000e+02 : f32
    %mul3A_1288 = vector.broadcast %mul3A_1287 : f32 to vector<16xf32>
    %mul3A_1289 = arith.mulf %add3A_1279, %mul3A_1288 : vector<16xf32>
    %add3A_1290 = arith.constant 0x4DC00000 : f32
    %add3A_1291 = vector.broadcast %add3A_1290 : f32 to vector<16xf32>
    %add3A_1292 = arith.addf %mul3A_1289, %add3A_1291 : vector<16xf32>
    %sub3A_1293 = arith.constant 0x4DC00000 : f32
    %sub3A_1294 = vector.broadcast %sub3A_1293 : f32 to vector<16xf32>
    %sub3A_1295 = arith.subf %add3A_1292, %sub3A_1294 : vector<16xf32>
    %mul3A_1296 = arith.constant 1.550000e+01 : f32
    %mul3A_1297 = vector.broadcast %mul3A_1296 : f32 to vector<16xf32>
    %mul3A_1298 = arith.mulf %add3A_1286, %mul3A_1297 : vector<16xf32>
    %add3A_1299 = arith.constant 0x4B400000 : f32
    %add3A_1300 = vector.broadcast %add3A_1299 : f32 to vector<16xf32>
    %add3A_1301 = arith.addf %mul3A_1298, %add3A_1300 : vector<16xf32>
    %sub3A_1302 = arith.constant 0x4B400000 : f32
    %sub3A_1303 = vector.broadcast %sub3A_1302 : f32 to vector<16xf32>
    %sub3A_1304 = arith.subf %add3A_1301, %sub3A_1303 : vector<16xf32>
    %jit3A_1305 = arith.constant 0.000000e+00 : f32
    %jit3A_1306 = arith.constant 9.920000e+02 : f32
    %max3A_1307 = vector.broadcast %jit3A_1305 : f32 to vector<16xf32>
    %max3A_1308 = arith.maximumf %max3A_1307, %sub3A_1295 : vector<16xf32>
    %min3A_1309 = vector.broadcast %jit3A_1306 : f32 to vector<16xf32>
    %min3A_1310 = arith.minimumf %min3A_1309, %max3A_1308 : vector<16xf32>
    %jit3A_1311 = arith.constant 0.000000e+00 : f32
    %jit3A_1312 = arith.constant 3.100000e+01 : f32
    %max3A_1313 = vector.broadcast %jit3A_1311 : f32 to vector<16xf32>
    %max3A_1314 = arith.maximumf %max3A_1313, %sub3A_1304 : vector<16xf32>
    %min3A_1315 = vector.broadcast %jit3A_1312 : f32 to vector<16xf32>
    %min3A_1316 = arith.minimumf %min3A_1315, %max3A_1314 : vector<16xf32>
    %add3A_1317 = arith.addf %min3A_1310, %min3A_1316 : vector<16xf32>
    %convert_element_type3A_1318 = arith.fptosi %add3A_1317 : vector<16xf32> to vector<16xi32>
    %swap3A_1319 = arith.constant 384 : index
    %swap3A_1320 = tpu.vector_load %arg9[%swap3A_1319] {strides = array<i32>} : memref<640xi32, #tpu.memory_space<vmem>>, vector<16xi32>,
    %swap3A_1321 = vector.shape_cast %swap3A_1320 : vector<16xi32> to vector<16xi32>
    %swap3A_1322 = vector.shape_cast %convert_element_type3A_1318 : vector<16xi32> to vector<16xi32>
    tpu.vector_store %arg9[%swap3A_1319], %swap3A_1322 {strides = array<i32>} : memref<640xi32, #tpu.memory_space<vmem>>, vector<16xi32>,
    %get3A_1323 = arith.constant 400 : index
    %get3A_1324 = tpu.vector_load %arg8[%get3A_1323] {strides = array<i32>} : memref<2560xf32, #tpu.memory_space<vmem>>, vector<16xf32>,
    %get3A_1325 = vector.shape_cast %get3A_1324 : vector<16xf32> to vector<16xf32>
    %get3A_1326 = arith.constant 1680 : index
    %get3A_1327 = tpu.vector_load %arg8[%get3A_1326] {strides = array<i32>} : memref<2560xf32, #tpu.memory_space<vmem>>, vector<16xf32>,
    %get3A_1328 = vector.shape_cast %get3A_1327 : vector<16xf32> to vector<16xf32>
    %add3A_1329 = arith.addf %get3A_1325, %get3A_1328 : vector<16xf32>
    %get3A_1330 = arith.constant 1040 : index
    %get3A_1331 = tpu.vector_load %arg8[%get3A_1330] {strides = array<i32>} : memref<2560xf32, #tpu.memory_space<vmem>>, vector<16xf32>,
    %get3A_1332 = vector.shape_cast %get3A_1331 : vector<16xf32> to vector<16xf32>
    %get3A_1333 = arith.constant 2320 : index
    %get3A_1334 = tpu.vector_load %arg8[%get3A_1333] {strides = array<i32>} : memref<2560xf32, #tpu.memory_space<vmem>>, vector<16xf32>,
    %get3A_1335 = vector.shape_cast %get3A_1334 : vector<16xf32> to vector<16xf32>
    %add3A_1336 = arith.addf %get3A_1332, %get3A_1335 : vector<16xf32>
    %mul3A_1337 = arith.constant 4.960000e+02 : f32
    %mul3A_1338 = vector.broadcast %mul3A_1337 : f32 to vector<16xf32>
    %mul3A_1339 = arith.mulf %add3A_1329, %mul3A_1338 : vector<16xf32>
    %add3A_1340 = arith.constant 0x4DC00000 : f32
    %add3A_1341 = vector.broadcast %add3A_1340 : f32 to vector<16xf32>
    %add3A_1342 = arith.addf %mul3A_1339, %add3A_1341 : vector<16xf32>
    %sub3A_1343 = arith.constant 0x4DC00000 : f32
    %sub3A_1344 = vector.broadcast %sub3A_1343 : f32 to vector<16xf32>
    %sub3A_1345 = arith.subf %add3A_1342, %sub3A_1344 : vector<16xf32>
    %mul3A_1346 = arith.constant 1.550000e+01 : f32
    %mul3A_1347 = vector.broadcast %mul3A_1346 : f32 to vector<16xf32>
    %mul3A_1348 = arith.mulf %add3A_1336, %mul3A_1347 : vector<16xf32>
    %add3A_1349 = arith.constant 0x4B400000 : f32
    %add3A_1350 = vector.broadcast %add3A_1349 : f32 to vector<16xf32>
    %add3A_1351 = arith.addf %mul3A_1348, %add3A_1350 : vector<16xf32>
    %sub3A_1352 = arith.constant 0x4B400000 : f32
    %sub3A_1353 = vector.broadcast %sub3A_1352 : f32 to vector<16xf32>
    %sub3A_1354 = arith.subf %add3A_1351, %sub3A_1353 : vector<16xf32>
    %jit3A_1355 = arith.constant 0.000000e+00 : f32
    %jit3A_1356 = arith.constant 9.920000e+02 : f32
    %max3A_1357 = vector.broadcast %jit3A_1355 : f32 to vector<16xf32>
    %max3A_1358 = arith.maximumf %max3A_1357, %sub3A_1345 : vector<16xf32>
    %min3A_1359 = vector.broadcast %jit3A_1356 : f32 to vector<16xf32>
    %min3A_1360 = arith.minimumf %min3A_1359, %max3A_1358 : vector<16xf32>
    %jit3A_1361 = arith.constant 0.000000e+00 : f32
    %jit3A_1362 = arith.constant 3.100000e+01 : f32
    %max3A_1363 = vector.broadcast %jit3A_1361 : f32 to vector<16xf32>
    %max3A_1364 = arith.maximumf %max3A_1363, %sub3A_1354 : vector<16xf32>
    %min3A_1365 = vector.broadcast %jit3A_1362 : f32 to vector<16xf32>
    %min3A_1366 = arith.minimumf %min3A_1365, %max3A_1364 : vector<16xf32>
    %add3A_1367 = arith.addf %min3A_1360, %min3A_1366 : vector<16xf32>
    %convert_element_type3A_1368 = arith.fptosi %add3A_1367 : vector<16xf32> to vector<16xi32>
    %swap3A_1369 = arith.constant 400 : index
    %swap3A_1370 = tpu.vector_load %arg9[%swap3A_1369] {strides = array<i32>} : memref<640xi32, #tpu.memory_space<vmem>>, vector<16xi32>,
    %swap3A_1371 = vector.shape_cast %swap3A_1370 : vector<16xi32> to vector<16xi32>
    %swap3A_1372 = vector.shape_cast %convert_element_type3A_1368 : vector<16xi32> to vector<16xi32>
    tpu.vector_store %arg9[%swap3A_1369], %swap3A_1372 {strides = array<i32>} : memref<640xi32, #tpu.memory_space<vmem>>, vector<16xi32>,
    %get3A_1373 = arith.constant 416 : index
    %get3A_1374 = tpu.vector_load %arg8[%get3A_1373] {strides = array<i32>} : memref<2560xf32, #tpu.memory_space<vmem>>, vector<16xf32>,
    %get3A_1375 = vector.shape_cast %get3A_1374 : vector<16xf32> to vector<16xf32>
    %get3A_1376 = arith.constant 1696 : index
    %get3A_1377 = tpu.vector_load %arg8[%get3A_1376] {strides = array<i32>} : memref<2560xf32, #tpu.memory_space<vmem>>, vector<16xf32>,
    %get3A_1378 = vector.shape_cast %get3A_1377 : vector<16xf32> to vector<16xf32>
    %add3A_1379 = arith.addf %get3A_1375, %get3A_1378 : vector<16xf32>
    %get3A_1380 = arith.constant 1056 : index
    %get3A_1381 = tpu.vector_load %arg8[%get3A_1380] {strides = array<i32>} : memref<2560xf32, #tpu.memory_space<vmem>>, vector<16xf32>,
    %get3A_1382 = vector.shape_cast %get3A_1381 : vector<16xf32> to vector<16xf32>
    %get3A_1383 = arith.constant 2336 : index
    %get3A_1384 = tpu.vector_load %arg8[%get3A_1383] {strides = array<i32>} : memref<2560xf32, #tpu.memory_space<vmem>>, vector<16xf32>,
    %get3A_1385 = vector.shape_cast %get3A_1384 : vector<16xf32> to vector<16xf32>
    %add3A_1386 = arith.addf %get3A_1382, %get3A_1385 : vector<16xf32>
    %mul3A_1387 = arith.constant 4.960000e+02 : f32
    %mul3A_1388 = vector.broadcast %mul3A_1387 : f32 to vector<16xf32>
    %mul3A_1389 = arith.mulf %add3A_1379, %mul3A_1388 : vector<16xf32>
    %add3A_1390 = arith.constant 0x4DC00000 : f32
    %add3A_1391 = vector.broadcast %add3A_1390 : f32 to vector<16xf32>
    %add3A_1392 = arith.addf %mul3A_1389, %add3A_1391 : vector<16xf32>
    %sub3A_1393 = arith.constant 0x4DC00000 : f32
    %sub3A_1394 = vector.broadcast %sub3A_1393 : f32 to vector<16xf32>
    %sub3A_1395 = arith.subf %add3A_1392, %sub3A_1394 : vector<16xf32>
    %mul3A_1396 = arith.constant 1.550000e+01 : f32
    %mul3A_1397 = vector.broadcast %mul3A_1396 : f32 to vector<16xf32>
    %mul3A_1398 = arith.mulf %add3A_1386, %mul3A_1397 : vector<16xf32>
    %add3A_1399 = arith.constant 0x4B400000 : f32
    %add3A_1400 = vector.broadcast %add3A_1399 : f32 to vector<16xf32>
    %add3A_1401 = arith.addf %mul3A_1398, %add3A_1400 : vector<16xf32>
    %sub3A_1402 = arith.constant 0x4B400000 : f32
    %sub3A_1403 = vector.broadcast %sub3A_1402 : f32 to vector<16xf32>
    %sub3A_1404 = arith.subf %add3A_1401, %sub3A_1403 : vector<16xf32>
    %jit3A_1405 = arith.constant 0.000000e+00 : f32
    %jit3A_1406 = arith.constant 9.920000e+02 : f32
    %max3A_1407 = vector.broadcast %jit3A_1405 : f32 to vector<16xf32>
    %max3A_1408 = arith.maximumf %max3A_1407, %sub3A_1395 : vector<16xf32>
    %min3A_1409 = vector.broadcast %jit3A_1406 : f32 to vector<16xf32>
    %min3A_1410 = arith.minimumf %min3A_1409, %max3A_1408 : vector<16xf32>
    %jit3A_1411 = arith.constant 0.000000e+00 : f32
    %jit3A_1412 = arith.constant 3.100000e+01 : f32
    %max3A_1413 = vector.broadcast %jit3A_1411 : f32 to vector<16xf32>
    %max3A_1414 = arith.maximumf %max3A_1413, %sub3A_1404 : vector<16xf32>
    %min3A_1415 = vector.broadcast %jit3A_1412 : f32 to vector<16xf32>
    %min3A_1416 = arith.minimumf %min3A_1415, %max3A_1414 : vector<16xf32>
    %add3A_1417 = arith.addf %min3A_1410, %min3A_1416 : vector<16xf32>
    %convert_element_type3A_1418 = arith.fptosi %add3A_1417 : vector<16xf32> to vector<16xi32>
    %swap3A_1419 = arith.constant 416 : index
    %swap3A_1420 = tpu.vector_load %arg9[%swap3A_1419] {strides = array<i32>} : memref<640xi32, #tpu.memory_space<vmem>>, vector<16xi32>,
    %swap3A_1421 = vector.shape_cast %swap3A_1420 : vector<16xi32> to vector<16xi32>
    %swap3A_1422 = vector.shape_cast %convert_element_type3A_1418 : vector<16xi32> to vector<16xi32>
    tpu.vector_store %arg9[%swap3A_1419], %swap3A_1422 {strides = array<i32>} : memref<640xi32, #tpu.memory_space<vmem>>, vector<16xi32>,
    %get3A_1423 = arith.constant 432 : index
    %get3A_1424 = tpu.vector_load %arg8[%get3A_1423] {strides = array<i32>} : memref<2560xf32, #tpu.memory_space<vmem>>, vector<16xf32>,
    %get3A_1425 = vector.shape_cast %get3A_1424 : vector<16xf32> to vector<16xf32>
    %get3A_1426 = arith.constant 1712 : index
    %get3A_1427 = tpu.vector_load %arg8[%get3A_1426] {strides = array<i32>} : memref<2560xf32, #tpu.memory_space<vmem>>, vector<16xf32>,
    %get3A_1428 = vector.shape_cast %get3A_1427 : vector<16xf32> to vector<16xf32>
    %add3A_1429 = arith.addf %get3A_1425, %get3A_1428 : vector<16xf32>
    %get3A_1430 = arith.constant 1072 : index
    %get3A_1431 = tpu.vector_load %arg8[%get3A_1430] {strides = array<i32>} : memref<2560xf32, #tpu.memory_space<vmem>>, vector<16xf32>,
    %get3A_1432 = vector.shape_cast %get3A_1431 : vector<16xf32> to vector<16xf32>
    %get3A_1433 = arith.constant 2352 : index
    %get3A_1434 = tpu.vector_load %arg8[%get3A_1433] {strides = array<i32>} : memref<2560xf32, #tpu.memory_space<vmem>>, vector<16xf32>,
    %get3A_1435 = vector.shape_cast %get3A_1434 : vector<16xf32> to vector<16xf32>
    %add3A_1436 = arith.addf %get3A_1432, %get3A_1435 : vector<16xf32>
    %mul3A_1437 = arith.constant 4.960000e+02 : f32
    %mul3A_1438 = vector.broadcast %mul3A_1437 : f32 to vector<16xf32>
    %mul3A_1439 = arith.mulf %add3A_1429, %mul3A_1438 : vector<16xf32>
    %add3A_1440 = arith.constant 0x4DC00000 : f32
    %add3A_1441 = vector.broadcast %add3A_1440 : f32 to vector<16xf32>
    %add3A_1442 = arith.addf %mul3A_1439, %add3A_1441 : vector<16xf32>
    %sub3A_1443 = arith.constant 0x4DC00000 : f32
    %sub3A_1444 = vector.broadcast %sub3A_1443 : f32 to vector<16xf32>
    %sub3A_1445 = arith.subf %add3A_1442, %sub3A_1444 : vector<16xf32>
    %mul3A_1446 = arith.constant 1.550000e+01 : f32
    %mul3A_1447 = vector.broadcast %mul3A_1446 : f32 to vector<16xf32>
    %mul3A_1448 = arith.mulf %add3A_1436, %mul3A_1447 : vector<16xf32>
    %add3A_1449 = arith.constant 0x4B400000 : f32
    %add3A_1450 = vector.broadcast %add3A_1449 : f32 to vector<16xf32>
    %add3A_1451 = arith.addf %mul3A_1448, %add3A_1450 : vector<16xf32>
    %sub3A_1452 = arith.constant 0x4B400000 : f32
    %sub3A_1453 = vector.broadcast %sub3A_1452 : f32 to vector<16xf32>
    %sub3A_1454 = arith.subf %add3A_1451, %sub3A_1453 : vector<16xf32>
    %jit3A_1455 = arith.constant 0.000000e+00 : f32
    %jit3A_1456 = arith.constant 9.920000e+02 : f32
    %max3A_1457 = vector.broadcast %jit3A_1455 : f32 to vector<16xf32>
    %max3A_1458 = arith.maximumf %max3A_1457, %sub3A_1445 : vector<16xf32>
    %min3A_1459 = vector.broadcast %jit3A_1456 : f32 to vector<16xf32>
    %min3A_1460 = arith.minimumf %min3A_1459, %max3A_1458 : vector<16xf32>
    %jit3A_1461 = arith.constant 0.000000e+00 : f32
    %jit3A_1462 = arith.constant 3.100000e+01 : f32
    %max3A_1463 = vector.broadcast %jit3A_1461 : f32 to vector<16xf32>
    %max3A_1464 = arith.maximumf %max3A_1463, %sub3A_1454 : vector<16xf32>
    %min3A_1465 = vector.broadcast %jit3A_1462 : f32 to vector<16xf32>
    %min3A_1466 = arith.minimumf %min3A_1465, %max3A_1464 : vector<16xf32>
    %add3A_1467 = arith.addf %min3A_1460, %min3A_1466 : vector<16xf32>
    %convert_element_type3A_1468 = arith.fptosi %add3A_1467 : vector<16xf32> to vector<16xi32>
    %swap3A_1469 = arith.constant 432 : index
    %swap3A_1470 = tpu.vector_load %arg9[%swap3A_1469] {strides = array<i32>} : memref<640xi32, #tpu.memory_space<vmem>>, vector<16xi32>,
    %swap3A_1471 = vector.shape_cast %swap3A_1470 : vector<16xi32> to vector<16xi32>
    %swap3A_1472 = vector.shape_cast %convert_element_type3A_1468 : vector<16xi32> to vector<16xi32>
    tpu.vector_store %arg9[%swap3A_1469], %swap3A_1472 {strides = array<i32>} : memref<640xi32, #tpu.memory_space<vmem>>, vector<16xi32>,
    %get3A_1473 = arith.constant 448 : index
    %get3A_1474 = tpu.vector_load %arg8[%get3A_1473] {strides = array<i32>} : memref<2560xf32, #tpu.memory_space<vmem>>, vector<16xf32>,
    %get3A_1475 = vector.shape_cast %get3A_1474 : vector<16xf32> to vector<16xf32>
    %get3A_1476 = arith.constant 1728 : index
    %get3A_1477 = tpu.vector_load %arg8[%get3A_1476] {strides = array<i32>} : memref<2560xf32, #tpu.memory_space<vmem>>, vector<16xf32>,
    %get3A_1478 = vector.shape_cast %get3A_1477 : vector<16xf32> to vector<16xf32>
    %add3A_1479 = arith.addf %get3A_1475, %get3A_1478 : vector<16xf32>
    %get3A_1480 = arith.constant 1088 : index
    %get3A_1481 = tpu.vector_load %arg8[%get3A_1480] {strides = array<i32>} : memref<2560xf32, #tpu.memory_space<vmem>>, vector<16xf32>,
    %get3A_1482 = vector.shape_cast %get3A_1481 : vector<16xf32> to vector<16xf32>
    %get3A_1483 = arith.constant 2368 : index
    %get3A_1484 = tpu.vector_load %arg8[%get3A_1483] {strides = array<i32>} : memref<2560xf32, #tpu.memory_space<vmem>>, vector<16xf32>,
    %get3A_1485 = vector.shape_cast %get3A_1484 : vector<16xf32> to vector<16xf32>
    %add3A_1486 = arith.addf %get3A_1482, %get3A_1485 : vector<16xf32>
    %mul3A_1487 = arith.constant 4.960000e+02 : f32
    %mul3A_1488 = vector.broadcast %mul3A_1487 : f32 to vector<16xf32>
    %mul3A_1489 = arith.mulf %add3A_1479, %mul3A_1488 : vector<16xf32>
    %add3A_1490 = arith.constant 0x4DC00000 : f32
    %add3A_1491 = vector.broadcast %add3A_1490 : f32 to vector<16xf32>
    %add3A_1492 = arith.addf %mul3A_1489, %add3A_1491 : vector<16xf32>
    %sub3A_1493 = arith.constant 0x4DC00000 : f32
    %sub3A_1494 = vector.broadcast %sub3A_1493 : f32 to vector<16xf32>
    %sub3A_1495 = arith.subf %add3A_1492, %sub3A_1494 : vector<16xf32>
    %mul3A_1496 = arith.constant 1.550000e+01 : f32
    %mul3A_1497 = vector.broadcast %mul3A_1496 : f32 to vector<16xf32>
    %mul3A_1498 = arith.mulf %add3A_1486, %mul3A_1497 : vector<16xf32>
    %add3A_1499 = arith.constant 0x4B400000 : f32
    %add3A_1500 = vector.broadcast %add3A_1499 : f32 to vector<16xf32>
    %add3A_1501 = arith.addf %mul3A_1498, %add3A_1500 : vector<16xf32>
    %sub3A_1502 = arith.constant 0x4B400000 : f32
    %sub3A_1503 = vector.broadcast %sub3A_1502 : f32 to vector<16xf32>
    %sub3A_1504 = arith.subf %add3A_1501, %sub3A_1503 : vector<16xf32>
    %jit3A_1505 = arith.constant 0.000000e+00 : f32
    %jit3A_1506 = arith.constant 9.920000e+02 : f32
    %max3A_1507 = vector.broadcast %jit3A_1505 : f32 to vector<16xf32>
    %max3A_1508 = arith.maximumf %max3A_1507, %sub3A_1495 : vector<16xf32>
    %min3A_1509 = vector.broadcast %jit3A_1506 : f32 to vector<16xf32>
    %min3A_1510 = arith.minimumf %min3A_1509, %max3A_1508 : vector<16xf32>
    %jit3A_1511 = arith.constant 0.000000e+00 : f32
    %jit3A_1512 = arith.constant 3.100000e+01 : f32
    %max3A_1513 = vector.broadcast %jit3A_1511 : f32 to vector<16xf32>
    %max3A_1514 = arith.maximumf %max3A_1513, %sub3A_1504 : vector<16xf32>
    %min3A_1515 = vector.broadcast %jit3A_1512 : f32 to vector<16xf32>
    %min3A_1516 = arith.minimumf %min3A_1515, %max3A_1514 : vector<16xf32>
    %add3A_1517 = arith.addf %min3A_1510, %min3A_1516 : vector<16xf32>
    %convert_element_type3A_1518 = arith.fptosi %add3A_1517 : vector<16xf32> to vector<16xi32>
    %swap3A_1519 = arith.constant 448 : index
    %swap3A_1520 = tpu.vector_load %arg9[%swap3A_1519] {strides = array<i32>} : memref<640xi32, #tpu.memory_space<vmem>>, vector<16xi32>,
    %swap3A_1521 = vector.shape_cast %swap3A_1520 : vector<16xi32> to vector<16xi32>
    %swap3A_1522 = vector.shape_cast %convert_element_type3A_1518 : vector<16xi32> to vector<16xi32>
    tpu.vector_store %arg9[%swap3A_1519], %swap3A_1522 {strides = array<i32>} : memref<640xi32, #tpu.memory_space<vmem>>, vector<16xi32>,
    %get3A_1523 = arith.constant 464 : index
    %get3A_1524 = tpu.vector_load %arg8[%get3A_1523] {strides = array<i32>} : memref<2560xf32, #tpu.memory_space<vmem>>, vector<16xf32>,
    %get3A_1525 = vector.shape_cast %get3A_1524 : vector<16xf32> to vector<16xf32>
    %get3A_1526 = arith.constant 1744 : index
    %get3A_1527 = tpu.vector_load %arg8[%get3A_1526] {strides = array<i32>} : memref<2560xf32, #tpu.memory_space<vmem>>, vector<16xf32>,
    %get3A_1528 = vector.shape_cast %get3A_1527 : vector<16xf32> to vector<16xf32>
    %add3A_1529 = arith.addf %get3A_1525, %get3A_1528 : vector<16xf32>
    %get3A_1530 = arith.constant 1104 : index
    %get3A_1531 = tpu.vector_load %arg8[%get3A_1530] {strides = array<i32>} : memref<2560xf32, #tpu.memory_space<vmem>>, vector<16xf32>,
    %get3A_1532 = vector.shape_cast %get3A_1531 : vector<16xf32> to vector<16xf32>
    %get3A_1533 = arith.constant 2384 : index
    %get3A_1534 = tpu.vector_load %arg8[%get3A_1533] {strides = array<i32>} : memref<2560xf32, #tpu.memory_space<vmem>>, vector<16xf32>,
    %get3A_1535 = vector.shape_cast %get3A_1534 : vector<16xf32> to vector<16xf32>
    %add3A_1536 = arith.addf %get3A_1532, %get3A_1535 : vector<16xf32>
    %mul3A_1537 = arith.constant 4.960000e+02 : f32
    %mul3A_1538 = vector.broadcast %mul3A_1537 : f32 to vector<16xf32>
    %mul3A_1539 = arith.mulf %add3A_1529, %mul3A_1538 : vector<16xf32>
    %add3A_1540 = arith.constant 0x4DC00000 : f32
    %add3A_1541 = vector.broadcast %add3A_1540 : f32 to vector<16xf32>
    %add3A_1542 = arith.addf %mul3A_1539, %add3A_1541 : vector<16xf32>
    %sub3A_1543 = arith.constant 0x4DC00000 : f32
    %sub3A_1544 = vector.broadcast %sub3A_1543 : f32 to vector<16xf32>
    %sub3A_1545 = arith.subf %add3A_1542, %sub3A_1544 : vector<16xf32>
    %mul3A_1546 = arith.constant 1.550000e+01 : f32
    %mul3A_1547 = vector.broadcast %mul3A_1546 : f32 to vector<16xf32>
    %mul3A_1548 = arith.mulf %add3A_1536, %mul3A_1547 : vector<16xf32>
    %add3A_1549 = arith.constant 0x4B400000 : f32
    %add3A_1550 = vector.broadcast %add3A_1549 : f32 to vector<16xf32>
    %add3A_1551 = arith.addf %mul3A_1548, %add3A_1550 : vector<16xf32>
    %sub3A_1552 = arith.constant 0x4B400000 : f32
    %sub3A_1553 = vector.broadcast %sub3A_1552 : f32 to vector<16xf32>
    %sub3A_1554 = arith.subf %add3A_1551, %sub3A_1553 : vector<16xf32>
    %jit3A_1555 = arith.constant 0.000000e+00 : f32
    %jit3A_1556 = arith.constant 9.920000e+02 : f32
    %max3A_1557 = vector.broadcast %jit3A_1555 : f32 to vector<16xf32>
    %max3A_1558 = arith.maximumf %max3A_1557, %sub3A_1545 : vector<16xf32>
    %min3A_1559 = vector.broadcast %jit3A_1556 : f32 to vector<16xf32>
    %min3A_1560 = arith.minimumf %min3A_1559, %max3A_1558 : vector<16xf32>
    %jit3A_1561 = arith.constant 0.000000e+00 : f32
    %jit3A_1562 = arith.constant 3.100000e+01 : f32
    %max3A_1563 = vector.broadcast %jit3A_1561 : f32 to vector<16xf32>
    %max3A_1564 = arith.maximumf %max3A_1563, %sub3A_1554 : vector<16xf32>
    %min3A_1565 = vector.broadcast %jit3A_1562 : f32 to vector<16xf32>
    %min3A_1566 = arith.minimumf %min3A_1565, %max3A_1564 : vector<16xf32>
    %add3A_1567 = arith.addf %min3A_1560, %min3A_1566 : vector<16xf32>
    %convert_element_type3A_1568 = arith.fptosi %add3A_1567 : vector<16xf32> to vector<16xi32>
    %swap3A_1569 = arith.constant 464 : index
    %swap3A_1570 = tpu.vector_load %arg9[%swap3A_1569] {strides = array<i32>} : memref<640xi32, #tpu.memory_space<vmem>>, vector<16xi32>,
    %swap3A_1571 = vector.shape_cast %swap3A_1570 : vector<16xi32> to vector<16xi32>
    %swap3A_1572 = vector.shape_cast %convert_element_type3A_1568 : vector<16xi32> to vector<16xi32>
    tpu.vector_store %arg9[%swap3A_1569], %swap3A_1572 {strides = array<i32>} : memref<640xi32, #tpu.memory_space<vmem>>, vector<16xi32>,
    %get3A_1573 = arith.constant 480 : index
    %get3A_1574 = tpu.vector_load %arg8[%get3A_1573] {strides = array<i32>} : memref<2560xf32, #tpu.memory_space<vmem>>, vector<16xf32>,
    %get3A_1575 = vector.shape_cast %get3A_1574 : vector<16xf32> to vector<16xf32>
    %get3A_1576 = arith.constant 1760 : index
    %get3A_1577 = tpu.vector_load %arg8[%get3A_1576] {strides = array<i32>} : memref<2560xf32, #tpu.memory_space<vmem>>, vector<16xf32>,
    %get3A_1578 = vector.shape_cast %get3A_1577 : vector<16xf32> to vector<16xf32>
    %add3A_1579 = arith.addf %get3A_1575, %get3A_1578 : vector<16xf32>
    %get3A_1580 = arith.constant 1120 : index
    %get3A_1581 = tpu.vector_load %arg8[%get3A_1580] {strides = array<i32>} : memref<2560xf32, #tpu.memory_space<vmem>>, vector<16xf32>,
    %get3A_1582 = vector.shape_cast %get3A_1581 : vector<16xf32> to vector<16xf32>
    %get3A_1583 = arith.constant 2400 : index
    %get3A_1584 = tpu.vector_load %arg8[%get3A_1583] {strides = array<i32>} : memref<2560xf32, #tpu.memory_space<vmem>>, vector<16xf32>,
    %get3A_1585 = vector.shape_cast %get3A_1584 : vector<16xf32> to vector<16xf32>
    %add3A_1586 = arith.addf %get3A_1582, %get3A_1585 : vector<16xf32>
    %mul3A_1587 = arith.constant 4.960000e+02 : f32
    %mul3A_1588 = vector.broadcast %mul3A_1587 : f32 to vector<16xf32>
    %mul3A_1589 = arith.mulf %add3A_1579, %mul3A_1588 : vector<16xf32>
    %add3A_1590 = arith.constant 0x4DC00000 : f32
    %add3A_1591 = vector.broadcast %add3A_1590 : f32 to vector<16xf32>
    %add3A_1592 = arith.addf %mul3A_1589, %add3A_1591 : vector<16xf32>
    %sub3A_1593 = arith.constant 0x4DC00000 : f32
    %sub3A_1594 = vector.broadcast %sub3A_1593 : f32 to vector<16xf32>
    %sub3A_1595 = arith.subf %add3A_1592, %sub3A_1594 : vector<16xf32>
    %mul3A_1596 = arith.constant 1.550000e+01 : f32
    %mul3A_1597 = vector.broadcast %mul3A_1596 : f32 to vector<16xf32>
    %mul3A_1598 = arith.mulf %add3A_1586, %mul3A_1597 : vector<16xf32>
    %add3A_1599 = arith.constant 0x4B400000 : f32
    %add3A_1600 = vector.broadcast %add3A_1599 : f32 to vector<16xf32>
    %add3A_1601 = arith.addf %mul3A_1598, %add3A_1600 : vector<16xf32>
    %sub3A_1602 = arith.constant 0x4B400000 : f32
    %sub3A_1603 = vector.broadcast %sub3A_1602 : f32 to vector<16xf32>
    %sub3A_1604 = arith.subf %add3A_1601, %sub3A_1603 : vector<16xf32>
    %jit3A_1605 = arith.constant 0.000000e+00 : f32
    %jit3A_1606 = arith.constant 9.920000e+02 : f32
    %max3A_1607 = vector.broadcast %jit3A_1605 : f32 to vector<16xf32>
    %max3A_1608 = arith.maximumf %max3A_1607, %sub3A_1595 : vector<16xf32>
    %min3A_1609 = vector.broadcast %jit3A_1606 : f32 to vector<16xf32>
    %min3A_1610 = arith.minimumf %min3A_1609, %max3A_1608 : vector<16xf32>
    %jit3A_1611 = arith.constant 0.000000e+00 : f32
    %jit3A_1612 = arith.constant 3.100000e+01 : f32
    %max3A_1613 = vector.broadcast %jit3A_1611 : f32 to vector<16xf32>
    %max3A_1614 = arith.maximumf %max3A_1613, %sub3A_1604 : vector<16xf32>
    %min3A_1615 = vector.broadcast %jit3A_1612 : f32 to vector<16xf32>
    %min3A_1616 = arith.minimumf %min3A_1615, %max3A_1614 : vector<16xf32>
    %add3A_1617 = arith.addf %min3A_1610, %min3A_1616 : vector<16xf32>
    %convert_element_type3A_1618 = arith.fptosi %add3A_1617 : vector<16xf32> to vector<16xi32>
    %swap3A_1619 = arith.constant 480 : index
    %swap3A_1620 = tpu.vector_load %arg9[%swap3A_1619] {strides = array<i32>} : memref<640xi32, #tpu.memory_space<vmem>>, vector<16xi32>,
    %swap3A_1621 = vector.shape_cast %swap3A_1620 : vector<16xi32> to vector<16xi32>
    %swap3A_1622 = vector.shape_cast %convert_element_type3A_1618 : vector<16xi32> to vector<16xi32>
    tpu.vector_store %arg9[%swap3A_1619], %swap3A_1622 {strides = array<i32>} : memref<640xi32, #tpu.memory_space<vmem>>, vector<16xi32>,
    %get3A_1623 = arith.constant 496 : index
    %get3A_1624 = tpu.vector_load %arg8[%get3A_1623] {strides = array<i32>} : memref<2560xf32, #tpu.memory_space<vmem>>, vector<16xf32>,
    %get3A_1625 = vector.shape_cast %get3A_1624 : vector<16xf32> to vector<16xf32>
    %get3A_1626 = arith.constant 1776 : index
    %get3A_1627 = tpu.vector_load %arg8[%get3A_1626] {strides = array<i32>} : memref<2560xf32, #tpu.memory_space<vmem>>, vector<16xf32>,
    %get3A_1628 = vector.shape_cast %get3A_1627 : vector<16xf32> to vector<16xf32>
    %add3A_1629 = arith.addf %get3A_1625, %get3A_1628 : vector<16xf32>
    %get3A_1630 = arith.constant 1136 : index
    %get3A_1631 = tpu.vector_load %arg8[%get3A_1630] {strides = array<i32>} : memref<2560xf32, #tpu.memory_space<vmem>>, vector<16xf32>,
    %get3A_1632 = vector.shape_cast %get3A_1631 : vector<16xf32> to vector<16xf32>
    %get3A_1633 = arith.constant 2416 : index
    %get3A_1634 = tpu.vector_load %arg8[%get3A_1633] {strides = array<i32>} : memref<2560xf32, #tpu.memory_space<vmem>>, vector<16xf32>,
    %get3A_1635 = vector.shape_cast %get3A_1634 : vector<16xf32> to vector<16xf32>
    %add3A_1636 = arith.addf %get3A_1632, %get3A_1635 : vector<16xf32>
    %mul3A_1637 = arith.constant 4.960000e+02 : f32
    %mul3A_1638 = vector.broadcast %mul3A_1637 : f32 to vector<16xf32>
    %mul3A_1639 = arith.mulf %add3A_1629, %mul3A_1638 : vector<16xf32>
    %add3A_1640 = arith.constant 0x4DC00000 : f32
    %add3A_1641 = vector.broadcast %add3A_1640 : f32 to vector<16xf32>
    %add3A_1642 = arith.addf %mul3A_1639, %add3A_1641 : vector<16xf32>
    %sub3A_1643 = arith.constant 0x4DC00000 : f32
    %sub3A_1644 = vector.broadcast %sub3A_1643 : f32 to vector<16xf32>
    %sub3A_1645 = arith.subf %add3A_1642, %sub3A_1644 : vector<16xf32>
    %mul3A_1646 = arith.constant 1.550000e+01 : f32
    %mul3A_1647 = vector.broadcast %mul3A_1646 : f32 to vector<16xf32>
    %mul3A_1648 = arith.mulf %add3A_1636, %mul3A_1647 : vector<16xf32>
    %add3A_1649 = arith.constant 0x4B400000 : f32
    %add3A_1650 = vector.broadcast %add3A_1649 : f32 to vector<16xf32>
    %add3A_1651 = arith.addf %mul3A_1648, %add3A_1650 : vector<16xf32>
    %sub3A_1652 = arith.constant 0x4B400000 : f32
    %sub3A_1653 = vector.broadcast %sub3A_1652 : f32 to vector<16xf32>
    %sub3A_1654 = arith.subf %add3A_1651, %sub3A_1653 : vector<16xf32>
    %jit3A_1655 = arith.constant 0.000000e+00 : f32
    %jit3A_1656 = arith.constant 9.920000e+02 : f32
    %max3A_1657 = vector.broadcast %jit3A_1655 : f32 to vector<16xf32>
    %max3A_1658 = arith.maximumf %max3A_1657, %sub3A_1645 : vector<16xf32>
    %min3A_1659 = vector.broadcast %jit3A_1656 : f32 to vector<16xf32>
    %min3A_1660 = arith.minimumf %min3A_1659, %max3A_1658 : vector<16xf32>
    %jit3A_1661 = arith.constant 0.000000e+00 : f32
    %jit3A_1662 = arith.constant 3.100000e+01 : f32
    %max3A_1663 = vector.broadcast %jit3A_1661 : f32 to vector<16xf32>
    %max3A_1664 = arith.maximumf %max3A_1663, %sub3A_1654 : vector<16xf32>
    %min3A_1665 = vector.broadcast %jit3A_1662 : f32 to vector<16xf32>
    %min3A_1666 = arith.minimumf %min3A_1665, %max3A_1664 : vector<16xf32>
    %add3A_1667 = arith.addf %min3A_1660, %min3A_1666 : vector<16xf32>
    %convert_element_type3A_1668 = arith.fptosi %add3A_1667 : vector<16xf32> to vector<16xi32>
    %swap3A_1669 = arith.constant 496 : index
    %swap3A_1670 = tpu.vector_load %arg9[%swap3A_1669] {strides = array<i32>} : memref<640xi32, #tpu.memory_space<vmem>>, vector<16xi32>,
    %swap3A_1671 = vector.shape_cast %swap3A_1670 : vector<16xi32> to vector<16xi32>
    %swap3A_1672 = vector.shape_cast %convert_element_type3A_1668 : vector<16xi32> to vector<16xi32>
    tpu.vector_store %arg9[%swap3A_1669], %swap3A_1672 {strides = array<i32>} : memref<640xi32, #tpu.memory_space<vmem>>, vector<16xi32>,
    %dma_start3A_1673 = arith.constant 384 : i32
    %dma_start3A_1674 = tpu.memref_slice %arg9[%dma_start3A_1673] : memref<640xi32, #tpu.memory_space<vmem>> -> memref<128xi32, #tpu.memory_space<vmem>>
    %dma_start3A_1675 = arith.constant 0 : i32
    %dma_start3A_1676 = arith.constant 0 : i32
    %dma_start3A_1677 = tpu.memref_slice %arg6[%dma_start3A_1675, %dma_start3A_1676] : memref<1024x256xf32, #tpu.memory_space<hbm>> -> memref<1024x256xf32, #tpu.memory_space<hbm>>
    tpu.enqueue_indirect_dma source(%dma_start3A_1677 : memref<1024x256xf32, #tpu.memory_space<hbm>>) target(%arg11 : memref<128x256xf32, #tpu.memory_space<vmem>>) offsets(%dma_start3A_1674 : memref<128xi32, #tpu.memory_space<vmem>>) semaphore(%arg13 : memref<!tpu.dma_semaphore, #tpu.memory_space<semaphore_mem>>)
    %dma_wait3A_1678 = arith.constant 256 : i32
    %dma_wait3A_1679 = tpu.memref_slice %arg9[%dma_wait3A_1678] : memref<640xi32, #tpu.memory_space<vmem>> -> memref<128xi32, #tpu.memory_space<vmem>>
    %dma_wait3A_1680 = arith.constant 0 : i32
    %dma_wait3A_1681 = arith.constant 0 : i32
    %dma_wait3A_1682 = tpu.memref_slice %arg6[%dma_wait3A_1680, %dma_wait3A_1681] : memref<1024x256xf32, #tpu.memory_space<hbm>> -> memref<1024x256xf32, #tpu.memory_space<hbm>>
    tpu.wait_indirect_dma semaphore(%arg12 : memref<!tpu.dma_semaphore, #tpu.memory_space<semaphore_mem>>) src(%dma_wait3A_1682 : memref<1024x256xf32, #tpu.memory_space<hbm>>) dst(%arg10 : memref<128x256xf32, #tpu.memory_space<vmem>>)
    %add3A_1683 = arith.constant 256 : i32
    %add3A_1684 = arith.addi %min3A_3, %add3A_1683 : i32
    "tpu.region"() ({
      %run_scoped3A = tpu.sem_alloc : memref<!tpu.dma_semaphore, #tpu.memory_space<semaphore_mem>>
      %dma_start3A_2104 = arith.constant 0 : i32
      %dma_start3A_2105 = tpu.memref_slice %arg7[%add3A_1684, %dma_start3A_2104] : memref<20000x256xf32, #tpu.memory_space<hbm>> -> memref<128x256xf32, #tpu.memory_space<hbm>>
      %dma_start3A_2106 = arith.constant 0 : i32
      %dma_start3A_2107 = tpu.memref_slice %arg7[%add3A_1684, %dma_start3A_2106] : memref<20000x256xf32, #tpu.memory_space<hbm>> -> memref<128x256xf32, #tpu.memory_space<hbm>>
      tpu.enqueue_dma source(%arg10 : memref<128x256xf32, #tpu.memory_space<vmem>>) target(%dma_start3A_2107 : memref<128x256xf32, #tpu.memory_space<hbm>>) target_semaphore(%run_scoped3A : memref<!tpu.dma_semaphore, #tpu.memory_space<semaphore_mem>>)
      %dma_wait3A_2108 = arith.constant 0 : i32
      %dma_wait3A_2109 = tpu.memref_slice %arg7[%add3A_1684, %dma_wait3A_2108] : memref<20000x256xf32, #tpu.memory_space<hbm>> -> memref<128x256xf32, #tpu.memory_space<hbm>>
      %dma_wait3A_2110 = arith.constant 0 : i32
      %dma_wait3A_2111 = tpu.memref_slice %arg7[%add3A_1684, %dma_wait3A_2110] : memref<20000x256xf32, #tpu.memory_space<hbm>> -> memref<128x256xf32, #tpu.memory_space<hbm>>
      tpu.wait_dma2 semaphore(%run_scoped3A : memref<!tpu.dma_semaphore, #tpu.memory_space<semaphore_mem>>) src(%arg10 : memref<128x256xf32, #tpu.memory_space<vmem>>) dst(%dma_wait3A_2111 : memref<128x256xf32, #tpu.memory_space<hbm>>)
      tpu.yield
    }) : () -> ()
    %get3A_1685 = arith.constant 512 : index
    %get3A_1686 = tpu.vector_load %arg8[%get3A_1685] {strides = array<i32>} : memref<2560xf32, #tpu.memory_space<vmem>>, vector<16xf32>,
    %get3A_1687 = vector.shape_cast %get3A_1686 : vector<16xf32> to vector<16xf32>
    %get3A_1688 = arith.constant 1792 : index
    %get3A_1689 = tpu.vector_load %arg8[%get3A_1688] {strides = array<i32>} : memref<2560xf32, #tpu.memory_space<vmem>>, vector<16xf32>,
    %get3A_1690 = vector.shape_cast %get3A_1689 : vector<16xf32> to vector<16xf32>
    %add3A_1691 = arith.addf %get3A_1687, %get3A_1690 : vector<16xf32>
    %get3A_1692 = arith.constant 1152 : index
    %get3A_1693 = tpu.vector_load %arg8[%get3A_1692] {strides = array<i32>} : memref<2560xf32, #tpu.memory_space<vmem>>, vector<16xf32>,
    %get3A_1694 = vector.shape_cast %get3A_1693 : vector<16xf32> to vector<16xf32>
    %get3A_1695 = arith.constant 2432 : index
    %get3A_1696 = tpu.vector_load %arg8[%get3A_1695] {strides = array<i32>} : memref<2560xf32, #tpu.memory_space<vmem>>, vector<16xf32>,
    %get3A_1697 = vector.shape_cast %get3A_1696 : vector<16xf32> to vector<16xf32>
    %add3A_1698 = arith.addf %get3A_1694, %get3A_1697 : vector<16xf32>
    %mul3A_1699 = arith.constant 4.960000e+02 : f32
    %mul3A_1700 = vector.broadcast %mul3A_1699 : f32 to vector<16xf32>
    %mul3A_1701 = arith.mulf %add3A_1691, %mul3A_1700 : vector<16xf32>
    %add3A_1702 = arith.constant 0x4DC00000 : f32
    %add3A_1703 = vector.broadcast %add3A_1702 : f32 to vector<16xf32>
    %add3A_1704 = arith.addf %mul3A_1701, %add3A_1703 : vector<16xf32>
    %sub3A_1705 = arith.constant 0x4DC00000 : f32
    %sub3A_1706 = vector.broadcast %sub3A_1705 : f32 to vector<16xf32>
    %sub3A_1707 = arith.subf %add3A_1704, %sub3A_1706 : vector<16xf32>
    %mul3A_1708 = arith.constant 1.550000e+01 : f32
    %mul3A_1709 = vector.broadcast %mul3A_1708 : f32 to vector<16xf32>
    %mul3A_1710 = arith.mulf %add3A_1698, %mul3A_1709 : vector<16xf32>
    %add3A_1711 = arith.constant 0x4B400000 : f32
    %add3A_1712 = vector.broadcast %add3A_1711 : f32 to vector<16xf32>
    %add3A_1713 = arith.addf %mul3A_1710, %add3A_1712 : vector<16xf32>
    %sub3A_1714 = arith.constant 0x4B400000 : f32
    %sub3A_1715 = vector.broadcast %sub3A_1714 : f32 to vector<16xf32>
    %sub3A_1716 = arith.subf %add3A_1713, %sub3A_1715 : vector<16xf32>
    %jit3A_1717 = arith.constant 0.000000e+00 : f32
    %jit3A_1718 = arith.constant 9.920000e+02 : f32
    %max3A_1719 = vector.broadcast %jit3A_1717 : f32 to vector<16xf32>
    %max3A_1720 = arith.maximumf %max3A_1719, %sub3A_1707 : vector<16xf32>
    %min3A_1721 = vector.broadcast %jit3A_1718 : f32 to vector<16xf32>
    %min3A_1722 = arith.minimumf %min3A_1721, %max3A_1720 : vector<16xf32>
    %jit3A_1723 = arith.constant 0.000000e+00 : f32
    %jit3A_1724 = arith.constant 3.100000e+01 : f32
    %max3A_1725 = vector.broadcast %jit3A_1723 : f32 to vector<16xf32>
    %max3A_1726 = arith.maximumf %max3A_1725, %sub3A_1716 : vector<16xf32>
    %min3A_1727 = vector.broadcast %jit3A_1724 : f32 to vector<16xf32>
    %min3A_1728 = arith.minimumf %min3A_1727, %max3A_1726 : vector<16xf32>
    %add3A_1729 = arith.addf %min3A_1722, %min3A_1728 : vector<16xf32>
    %convert_element_type3A_1730 = arith.fptosi %add3A_1729 : vector<16xf32> to vector<16xi32>
    %swap3A_1731 = arith.constant 512 : index
    %swap3A_1732 = tpu.vector_load %arg9[%swap3A_1731] {strides = array<i32>} : memref<640xi32, #tpu.memory_space<vmem>>, vector<16xi32>,
    %swap3A_1733 = vector.shape_cast %swap3A_1732 : vector<16xi32> to vector<16xi32>
    %swap3A_1734 = vector.shape_cast %convert_element_type3A_1730 : vector<16xi32> to vector<16xi32>
    tpu.vector_store %arg9[%swap3A_1731], %swap3A_1734 {strides = array<i32>} : memref<640xi32, #tpu.memory_space<vmem>>, vector<16xi32>,
    %get3A_1735 = arith.constant 528 : index
    %get3A_1736 = tpu.vector_load %arg8[%get3A_1735] {strides = array<i32>} : memref<2560xf32, #tpu.memory_space<vmem>>, vector<16xf32>,
    %get3A_1737 = vector.shape_cast %get3A_1736 : vector<16xf32> to vector<16xf32>
    %get3A_1738 = arith.constant 1808 : index
    %get3A_1739 = tpu.vector_load %arg8[%get3A_1738] {strides = array<i32>} : memref<2560xf32, #tpu.memory_space<vmem>>, vector<16xf32>,
    %get3A_1740 = vector.shape_cast %get3A_1739 : vector<16xf32> to vector<16xf32>
    %add3A_1741 = arith.addf %get3A_1737, %get3A_1740 : vector<16xf32>
    %get3A_1742 = arith.constant 1168 : index
    %get3A_1743 = tpu.vector_load %arg8[%get3A_1742] {strides = array<i32>} : memref<2560xf32, #tpu.memory_space<vmem>>, vector<16xf32>,
    %get3A_1744 = vector.shape_cast %get3A_1743 : vector<16xf32> to vector<16xf32>
    %get3A_1745 = arith.constant 2448 : index
    %get3A_1746 = tpu.vector_load %arg8[%get3A_1745] {strides = array<i32>} : memref<2560xf32, #tpu.memory_space<vmem>>, vector<16xf32>,
    %get3A_1747 = vector.shape_cast %get3A_1746 : vector<16xf32> to vector<16xf32>
    %add3A_1748 = arith.addf %get3A_1744, %get3A_1747 : vector<16xf32>
    %mul3A_1749 = arith.constant 4.960000e+02 : f32
    %mul3A_1750 = vector.broadcast %mul3A_1749 : f32 to vector<16xf32>
    %mul3A_1751 = arith.mulf %add3A_1741, %mul3A_1750 : vector<16xf32>
    %add3A_1752 = arith.constant 0x4DC00000 : f32
    %add3A_1753 = vector.broadcast %add3A_1752 : f32 to vector<16xf32>
    %add3A_1754 = arith.addf %mul3A_1751, %add3A_1753 : vector<16xf32>
    %sub3A_1755 = arith.constant 0x4DC00000 : f32
    %sub3A_1756 = vector.broadcast %sub3A_1755 : f32 to vector<16xf32>
    %sub3A_1757 = arith.subf %add3A_1754, %sub3A_1756 : vector<16xf32>
    %mul3A_1758 = arith.constant 1.550000e+01 : f32
    %mul3A_1759 = vector.broadcast %mul3A_1758 : f32 to vector<16xf32>
    %mul3A_1760 = arith.mulf %add3A_1748, %mul3A_1759 : vector<16xf32>
    %add3A_1761 = arith.constant 0x4B400000 : f32
    %add3A_1762 = vector.broadcast %add3A_1761 : f32 to vector<16xf32>
    %add3A_1763 = arith.addf %mul3A_1760, %add3A_1762 : vector<16xf32>
    %sub3A_1764 = arith.constant 0x4B400000 : f32
    %sub3A_1765 = vector.broadcast %sub3A_1764 : f32 to vector<16xf32>
    %sub3A_1766 = arith.subf %add3A_1763, %sub3A_1765 : vector<16xf32>
    %jit3A_1767 = arith.constant 0.000000e+00 : f32
    %jit3A_1768 = arith.constant 9.920000e+02 : f32
    %max3A_1769 = vector.broadcast %jit3A_1767 : f32 to vector<16xf32>
    %max3A_1770 = arith.maximumf %max3A_1769, %sub3A_1757 : vector<16xf32>
    %min3A_1771 = vector.broadcast %jit3A_1768 : f32 to vector<16xf32>
    %min3A_1772 = arith.minimumf %min3A_1771, %max3A_1770 : vector<16xf32>
    %jit3A_1773 = arith.constant 0.000000e+00 : f32
    %jit3A_1774 = arith.constant 3.100000e+01 : f32
    %max3A_1775 = vector.broadcast %jit3A_1773 : f32 to vector<16xf32>
    %max3A_1776 = arith.maximumf %max3A_1775, %sub3A_1766 : vector<16xf32>
    %min3A_1777 = vector.broadcast %jit3A_1774 : f32 to vector<16xf32>
    %min3A_1778 = arith.minimumf %min3A_1777, %max3A_1776 : vector<16xf32>
    %add3A_1779 = arith.addf %min3A_1772, %min3A_1778 : vector<16xf32>
    %convert_element_type3A_1780 = arith.fptosi %add3A_1779 : vector<16xf32> to vector<16xi32>
    %swap3A_1781 = arith.constant 528 : index
    %swap3A_1782 = tpu.vector_load %arg9[%swap3A_1781] {strides = array<i32>} : memref<640xi32, #tpu.memory_space<vmem>>, vector<16xi32>,
    %swap3A_1783 = vector.shape_cast %swap3A_1782 : vector<16xi32> to vector<16xi32>
    %swap3A_1784 = vector.shape_cast %convert_element_type3A_1780 : vector<16xi32> to vector<16xi32>
    tpu.vector_store %arg9[%swap3A_1781], %swap3A_1784 {strides = array<i32>} : memref<640xi32, #tpu.memory_space<vmem>>, vector<16xi32>,
    %get3A_1785 = arith.constant 544 : index
    %get3A_1786 = tpu.vector_load %arg8[%get3A_1785] {strides = array<i32>} : memref<2560xf32, #tpu.memory_space<vmem>>, vector<16xf32>,
    %get3A_1787 = vector.shape_cast %get3A_1786 : vector<16xf32> to vector<16xf32>
    %get3A_1788 = arith.constant 1824 : index
    %get3A_1789 = tpu.vector_load %arg8[%get3A_1788] {strides = array<i32>} : memref<2560xf32, #tpu.memory_space<vmem>>, vector<16xf32>,
    %get3A_1790 = vector.shape_cast %get3A_1789 : vector<16xf32> to vector<16xf32>
    %add3A_1791 = arith.addf %get3A_1787, %get3A_1790 : vector<16xf32>
    %get3A_1792 = arith.constant 1184 : index
    %get3A_1793 = tpu.vector_load %arg8[%get3A_1792] {strides = array<i32>} : memref<2560xf32, #tpu.memory_space<vmem>>, vector<16xf32>,
    %get3A_1794 = vector.shape_cast %get3A_1793 : vector<16xf32> to vector<16xf32>
    %get3A_1795 = arith.constant 2464 : index
    %get3A_1796 = tpu.vector_load %arg8[%get3A_1795] {strides = array<i32>} : memref<2560xf32, #tpu.memory_space<vmem>>, vector<16xf32>,
    %get3A_1797 = vector.shape_cast %get3A_1796 : vector<16xf32> to vector<16xf32>
    %add3A_1798 = arith.addf %get3A_1794, %get3A_1797 : vector<16xf32>
    %mul3A_1799 = arith.constant 4.960000e+02 : f32
    %mul3A_1800 = vector.broadcast %mul3A_1799 : f32 to vector<16xf32>
    %mul3A_1801 = arith.mulf %add3A_1791, %mul3A_1800 : vector<16xf32>
    %add3A_1802 = arith.constant 0x4DC00000 : f32
    %add3A_1803 = vector.broadcast %add3A_1802 : f32 to vector<16xf32>
    %add3A_1804 = arith.addf %mul3A_1801, %add3A_1803 : vector<16xf32>
    %sub3A_1805 = arith.constant 0x4DC00000 : f32
    %sub3A_1806 = vector.broadcast %sub3A_1805 : f32 to vector<16xf32>
    %sub3A_1807 = arith.subf %add3A_1804, %sub3A_1806 : vector<16xf32>
    %mul3A_1808 = arith.constant 1.550000e+01 : f32
    %mul3A_1809 = vector.broadcast %mul3A_1808 : f32 to vector<16xf32>
    %mul3A_1810 = arith.mulf %add3A_1798, %mul3A_1809 : vector<16xf32>
    %add3A_1811 = arith.constant 0x4B400000 : f32
    %add3A_1812 = vector.broadcast %add3A_1811 : f32 to vector<16xf32>
    %add3A_1813 = arith.addf %mul3A_1810, %add3A_1812 : vector<16xf32>
    %sub3A_1814 = arith.constant 0x4B400000 : f32
    %sub3A_1815 = vector.broadcast %sub3A_1814 : f32 to vector<16xf32>
    %sub3A_1816 = arith.subf %add3A_1813, %sub3A_1815 : vector<16xf32>
    %jit3A_1817 = arith.constant 0.000000e+00 : f32
    %jit3A_1818 = arith.constant 9.920000e+02 : f32
    %max3A_1819 = vector.broadcast %jit3A_1817 : f32 to vector<16xf32>
    %max3A_1820 = arith.maximumf %max3A_1819, %sub3A_1807 : vector<16xf32>
    %min3A_1821 = vector.broadcast %jit3A_1818 : f32 to vector<16xf32>
    %min3A_1822 = arith.minimumf %min3A_1821, %max3A_1820 : vector<16xf32>
    %jit3A_1823 = arith.constant 0.000000e+00 : f32
    %jit3A_1824 = arith.constant 3.100000e+01 : f32
    %max3A_1825 = vector.broadcast %jit3A_1823 : f32 to vector<16xf32>
    %max3A_1826 = arith.maximumf %max3A_1825, %sub3A_1816 : vector<16xf32>
    %min3A_1827 = vector.broadcast %jit3A_1824 : f32 to vector<16xf32>
    %min3A_1828 = arith.minimumf %min3A_1827, %max3A_1826 : vector<16xf32>
    %add3A_1829 = arith.addf %min3A_1822, %min3A_1828 : vector<16xf32>
    %convert_element_type3A_1830 = arith.fptosi %add3A_1829 : vector<16xf32> to vector<16xi32>
    %swap3A_1831 = arith.constant 544 : index
    %swap3A_1832 = tpu.vector_load %arg9[%swap3A_1831] {strides = array<i32>} : memref<640xi32, #tpu.memory_space<vmem>>, vector<16xi32>,
    %swap3A_1833 = vector.shape_cast %swap3A_1832 : vector<16xi32> to vector<16xi32>
    %swap3A_1834 = vector.shape_cast %convert_element_type3A_1830 : vector<16xi32> to vector<16xi32>
    tpu.vector_store %arg9[%swap3A_1831], %swap3A_1834 {strides = array<i32>} : memref<640xi32, #tpu.memory_space<vmem>>, vector<16xi32>,
    %get3A_1835 = arith.constant 560 : index
    %get3A_1836 = tpu.vector_load %arg8[%get3A_1835] {strides = array<i32>} : memref<2560xf32, #tpu.memory_space<vmem>>, vector<16xf32>,
    %get3A_1837 = vector.shape_cast %get3A_1836 : vector<16xf32> to vector<16xf32>
    %get3A_1838 = arith.constant 1840 : index
    %get3A_1839 = tpu.vector_load %arg8[%get3A_1838] {strides = array<i32>} : memref<2560xf32, #tpu.memory_space<vmem>>, vector<16xf32>,
    %get3A_1840 = vector.shape_cast %get3A_1839 : vector<16xf32> to vector<16xf32>
    %add3A_1841 = arith.addf %get3A_1837, %get3A_1840 : vector<16xf32>
    %get3A_1842 = arith.constant 1200 : index
    %get3A_1843 = tpu.vector_load %arg8[%get3A_1842] {strides = array<i32>} : memref<2560xf32, #tpu.memory_space<vmem>>, vector<16xf32>,
    %get3A_1844 = vector.shape_cast %get3A_1843 : vector<16xf32> to vector<16xf32>
    %get3A_1845 = arith.constant 2480 : index
    %get3A_1846 = tpu.vector_load %arg8[%get3A_1845] {strides = array<i32>} : memref<2560xf32, #tpu.memory_space<vmem>>, vector<16xf32>,
    %get3A_1847 = vector.shape_cast %get3A_1846 : vector<16xf32> to vector<16xf32>
    %add3A_1848 = arith.addf %get3A_1844, %get3A_1847 : vector<16xf32>
    %mul3A_1849 = arith.constant 4.960000e+02 : f32
    %mul3A_1850 = vector.broadcast %mul3A_1849 : f32 to vector<16xf32>
    %mul3A_1851 = arith.mulf %add3A_1841, %mul3A_1850 : vector<16xf32>
    %add3A_1852 = arith.constant 0x4DC00000 : f32
    %add3A_1853 = vector.broadcast %add3A_1852 : f32 to vector<16xf32>
    %add3A_1854 = arith.addf %mul3A_1851, %add3A_1853 : vector<16xf32>
    %sub3A_1855 = arith.constant 0x4DC00000 : f32
    %sub3A_1856 = vector.broadcast %sub3A_1855 : f32 to vector<16xf32>
    %sub3A_1857 = arith.subf %add3A_1854, %sub3A_1856 : vector<16xf32>
    %mul3A_1858 = arith.constant 1.550000e+01 : f32
    %mul3A_1859 = vector.broadcast %mul3A_1858 : f32 to vector<16xf32>
    %mul3A_1860 = arith.mulf %add3A_1848, %mul3A_1859 : vector<16xf32>
    %add3A_1861 = arith.constant 0x4B400000 : f32
    %add3A_1862 = vector.broadcast %add3A_1861 : f32 to vector<16xf32>
    %add3A_1863 = arith.addf %mul3A_1860, %add3A_1862 : vector<16xf32>
    %sub3A_1864 = arith.constant 0x4B400000 : f32
    %sub3A_1865 = vector.broadcast %sub3A_1864 : f32 to vector<16xf32>
    %sub3A_1866 = arith.subf %add3A_1863, %sub3A_1865 : vector<16xf32>
    %jit3A_1867 = arith.constant 0.000000e+00 : f32
    %jit3A_1868 = arith.constant 9.920000e+02 : f32
    %max3A_1869 = vector.broadcast %jit3A_1867 : f32 to vector<16xf32>
    %max3A_1870 = arith.maximumf %max3A_1869, %sub3A_1857 : vector<16xf32>
    %min3A_1871 = vector.broadcast %jit3A_1868 : f32 to vector<16xf32>
    %min3A_1872 = arith.minimumf %min3A_1871, %max3A_1870 : vector<16xf32>
    %jit3A_1873 = arith.constant 0.000000e+00 : f32
    %jit3A_1874 = arith.constant 3.100000e+01 : f32
    %max3A_1875 = vector.broadcast %jit3A_1873 : f32 to vector<16xf32>
    %max3A_1876 = arith.maximumf %max3A_1875, %sub3A_1866 : vector<16xf32>
    %min3A_1877 = vector.broadcast %jit3A_1874 : f32 to vector<16xf32>
    %min3A_1878 = arith.minimumf %min3A_1877, %max3A_1876 : vector<16xf32>
    %add3A_1879 = arith.addf %min3A_1872, %min3A_1878 : vector<16xf32>
    %convert_element_type3A_1880 = arith.fptosi %add3A_1879 : vector<16xf32> to vector<16xi32>
    %swap3A_1881 = arith.constant 560 : index
    %swap3A_1882 = tpu.vector_load %arg9[%swap3A_1881] {strides = array<i32>} : memref<640xi32, #tpu.memory_space<vmem>>, vector<16xi32>,
    %swap3A_1883 = vector.shape_cast %swap3A_1882 : vector<16xi32> to vector<16xi32>
    %swap3A_1884 = vector.shape_cast %convert_element_type3A_1880 : vector<16xi32> to vector<16xi32>
    tpu.vector_store %arg9[%swap3A_1881], %swap3A_1884 {strides = array<i32>} : memref<640xi32, #tpu.memory_space<vmem>>, vector<16xi32>,
    %get3A_1885 = arith.constant 576 : index
    %get3A_1886 = tpu.vector_load %arg8[%get3A_1885] {strides = array<i32>} : memref<2560xf32, #tpu.memory_space<vmem>>, vector<16xf32>,
    %get3A_1887 = vector.shape_cast %get3A_1886 : vector<16xf32> to vector<16xf32>
    %get3A_1888 = arith.constant 1856 : index
    %get3A_1889 = tpu.vector_load %arg8[%get3A_1888] {strides = array<i32>} : memref<2560xf32, #tpu.memory_space<vmem>>, vector<16xf32>,
    %get3A_1890 = vector.shape_cast %get3A_1889 : vector<16xf32> to vector<16xf32>
    %add3A_1891 = arith.addf %get3A_1887, %get3A_1890 : vector<16xf32>
    %get3A_1892 = arith.constant 1216 : index
    %get3A_1893 = tpu.vector_load %arg8[%get3A_1892] {strides = array<i32>} : memref<2560xf32, #tpu.memory_space<vmem>>, vector<16xf32>,
    %get3A_1894 = vector.shape_cast %get3A_1893 : vector<16xf32> to vector<16xf32>
    %get3A_1895 = arith.constant 2496 : index
    %get3A_1896 = tpu.vector_load %arg8[%get3A_1895] {strides = array<i32>} : memref<2560xf32, #tpu.memory_space<vmem>>, vector<16xf32>,
    %get3A_1897 = vector.shape_cast %get3A_1896 : vector<16xf32> to vector<16xf32>
    %add3A_1898 = arith.addf %get3A_1894, %get3A_1897 : vector<16xf32>
    %mul3A_1899 = arith.constant 4.960000e+02 : f32
    %mul3A_1900 = vector.broadcast %mul3A_1899 : f32 to vector<16xf32>
    %mul3A_1901 = arith.mulf %add3A_1891, %mul3A_1900 : vector<16xf32>
    %add3A_1902 = arith.constant 0x4DC00000 : f32
    %add3A_1903 = vector.broadcast %add3A_1902 : f32 to vector<16xf32>
    %add3A_1904 = arith.addf %mul3A_1901, %add3A_1903 : vector<16xf32>
    %sub3A_1905 = arith.constant 0x4DC00000 : f32
    %sub3A_1906 = vector.broadcast %sub3A_1905 : f32 to vector<16xf32>
    %sub3A_1907 = arith.subf %add3A_1904, %sub3A_1906 : vector<16xf32>
    %mul3A_1908 = arith.constant 1.550000e+01 : f32
    %mul3A_1909 = vector.broadcast %mul3A_1908 : f32 to vector<16xf32>
    %mul3A_1910 = arith.mulf %add3A_1898, %mul3A_1909 : vector<16xf32>
    %add3A_1911 = arith.constant 0x4B400000 : f32
    %add3A_1912 = vector.broadcast %add3A_1911 : f32 to vector<16xf32>
    %add3A_1913 = arith.addf %mul3A_1910, %add3A_1912 : vector<16xf32>
    %sub3A_1914 = arith.constant 0x4B400000 : f32
    %sub3A_1915 = vector.broadcast %sub3A_1914 : f32 to vector<16xf32>
    %sub3A_1916 = arith.subf %add3A_1913, %sub3A_1915 : vector<16xf32>
    %jit3A_1917 = arith.constant 0.000000e+00 : f32
    %jit3A_1918 = arith.constant 9.920000e+02 : f32
    %max3A_1919 = vector.broadcast %jit3A_1917 : f32 to vector<16xf32>
    %max3A_1920 = arith.maximumf %max3A_1919, %sub3A_1907 : vector<16xf32>
    %min3A_1921 = vector.broadcast %jit3A_1918 : f32 to vector<16xf32>
    %min3A_1922 = arith.minimumf %min3A_1921, %max3A_1920 : vector<16xf32>
    %jit3A_1923 = arith.constant 0.000000e+00 : f32
    %jit3A_1924 = arith.constant 3.100000e+01 : f32
    %max3A_1925 = vector.broadcast %jit3A_1923 : f32 to vector<16xf32>
    %max3A_1926 = arith.maximumf %max3A_1925, %sub3A_1916 : vector<16xf32>
    %min3A_1927 = vector.broadcast %jit3A_1924 : f32 to vector<16xf32>
    %min3A_1928 = arith.minimumf %min3A_1927, %max3A_1926 : vector<16xf32>
    %add3A_1929 = arith.addf %min3A_1922, %min3A_1928 : vector<16xf32>
    %convert_element_type3A_1930 = arith.fptosi %add3A_1929 : vector<16xf32> to vector<16xi32>
    %swap3A_1931 = arith.constant 576 : index
    %swap3A_1932 = tpu.vector_load %arg9[%swap3A_1931] {strides = array<i32>} : memref<640xi32, #tpu.memory_space<vmem>>, vector<16xi32>,
    %swap3A_1933 = vector.shape_cast %swap3A_1932 : vector<16xi32> to vector<16xi32>
    %swap3A_1934 = vector.shape_cast %convert_element_type3A_1930 : vector<16xi32> to vector<16xi32>
    tpu.vector_store %arg9[%swap3A_1931], %swap3A_1934 {strides = array<i32>} : memref<640xi32, #tpu.memory_space<vmem>>, vector<16xi32>,
    %get3A_1935 = arith.constant 592 : index
    %get3A_1936 = tpu.vector_load %arg8[%get3A_1935] {strides = array<i32>} : memref<2560xf32, #tpu.memory_space<vmem>>, vector<16xf32>,
    %get3A_1937 = vector.shape_cast %get3A_1936 : vector<16xf32> to vector<16xf32>
    %get3A_1938 = arith.constant 1872 : index
    %get3A_1939 = tpu.vector_load %arg8[%get3A_1938] {strides = array<i32>} : memref<2560xf32, #tpu.memory_space<vmem>>, vector<16xf32>,
    %get3A_1940 = vector.shape_cast %get3A_1939 : vector<16xf32> to vector<16xf32>
    %add3A_1941 = arith.addf %get3A_1937, %get3A_1940 : vector<16xf32>
    %get3A_1942 = arith.constant 1232 : index
    %get3A_1943 = tpu.vector_load %arg8[%get3A_1942] {strides = array<i32>} : memref<2560xf32, #tpu.memory_space<vmem>>, vector<16xf32>,
    %get3A_1944 = vector.shape_cast %get3A_1943 : vector<16xf32> to vector<16xf32>
    %get3A_1945 = arith.constant 2512 : index
    %get3A_1946 = tpu.vector_load %arg8[%get3A_1945] {strides = array<i32>} : memref<2560xf32, #tpu.memory_space<vmem>>, vector<16xf32>,
    %get3A_1947 = vector.shape_cast %get3A_1946 : vector<16xf32> to vector<16xf32>
    %add3A_1948 = arith.addf %get3A_1944, %get3A_1947 : vector<16xf32>
    %mul3A_1949 = arith.constant 4.960000e+02 : f32
    %mul3A_1950 = vector.broadcast %mul3A_1949 : f32 to vector<16xf32>
    %mul3A_1951 = arith.mulf %add3A_1941, %mul3A_1950 : vector<16xf32>
    %add3A_1952 = arith.constant 0x4DC00000 : f32
    %add3A_1953 = vector.broadcast %add3A_1952 : f32 to vector<16xf32>
    %add3A_1954 = arith.addf %mul3A_1951, %add3A_1953 : vector<16xf32>
    %sub3A_1955 = arith.constant 0x4DC00000 : f32
    %sub3A_1956 = vector.broadcast %sub3A_1955 : f32 to vector<16xf32>
    %sub3A_1957 = arith.subf %add3A_1954, %sub3A_1956 : vector<16xf32>
    %mul3A_1958 = arith.constant 1.550000e+01 : f32
    %mul3A_1959 = vector.broadcast %mul3A_1958 : f32 to vector<16xf32>
    %mul3A_1960 = arith.mulf %add3A_1948, %mul3A_1959 : vector<16xf32>
    %add3A_1961 = arith.constant 0x4B400000 : f32
    %add3A_1962 = vector.broadcast %add3A_1961 : f32 to vector<16xf32>
    %add3A_1963 = arith.addf %mul3A_1960, %add3A_1962 : vector<16xf32>
    %sub3A_1964 = arith.constant 0x4B400000 : f32
    %sub3A_1965 = vector.broadcast %sub3A_1964 : f32 to vector<16xf32>
    %sub3A_1966 = arith.subf %add3A_1963, %sub3A_1965 : vector<16xf32>
    %jit3A_1967 = arith.constant 0.000000e+00 : f32
    %jit3A_1968 = arith.constant 9.920000e+02 : f32
    %max3A_1969 = vector.broadcast %jit3A_1967 : f32 to vector<16xf32>
    %max3A_1970 = arith.maximumf %max3A_1969, %sub3A_1957 : vector<16xf32>
    %min3A_1971 = vector.broadcast %jit3A_1968 : f32 to vector<16xf32>
    %min3A_1972 = arith.minimumf %min3A_1971, %max3A_1970 : vector<16xf32>
    %jit3A_1973 = arith.constant 0.000000e+00 : f32
    %jit3A_1974 = arith.constant 3.100000e+01 : f32
    %max3A_1975 = vector.broadcast %jit3A_1973 : f32 to vector<16xf32>
    %max3A_1976 = arith.maximumf %max3A_1975, %sub3A_1966 : vector<16xf32>
    %min3A_1977 = vector.broadcast %jit3A_1974 : f32 to vector<16xf32>
    %min3A_1978 = arith.minimumf %min3A_1977, %max3A_1976 : vector<16xf32>
    %add3A_1979 = arith.addf %min3A_1972, %min3A_1978 : vector<16xf32>
    %convert_element_type3A_1980 = arith.fptosi %add3A_1979 : vector<16xf32> to vector<16xi32>
    %swap3A_1981 = arith.constant 592 : index
    %swap3A_1982 = tpu.vector_load %arg9[%swap3A_1981] {strides = array<i32>} : memref<640xi32, #tpu.memory_space<vmem>>, vector<16xi32>,
    %swap3A_1983 = vector.shape_cast %swap3A_1982 : vector<16xi32> to vector<16xi32>
    %swap3A_1984 = vector.shape_cast %convert_element_type3A_1980 : vector<16xi32> to vector<16xi32>
    tpu.vector_store %arg9[%swap3A_1981], %swap3A_1984 {strides = array<i32>} : memref<640xi32, #tpu.memory_space<vmem>>, vector<16xi32>,
    %get3A_1985 = arith.constant 608 : index
    %get3A_1986 = tpu.vector_load %arg8[%get3A_1985] {strides = array<i32>} : memref<2560xf32, #tpu.memory_space<vmem>>, vector<16xf32>,
    %get3A_1987 = vector.shape_cast %get3A_1986 : vector<16xf32> to vector<16xf32>
    %get3A_1988 = arith.constant 1888 : index
    %get3A_1989 = tpu.vector_load %arg8[%get3A_1988] {strides = array<i32>} : memref<2560xf32, #tpu.memory_space<vmem>>, vector<16xf32>,
    %get3A_1990 = vector.shape_cast %get3A_1989 : vector<16xf32> to vector<16xf32>
    %add3A_1991 = arith.addf %get3A_1987, %get3A_1990 : vector<16xf32>
    %get3A_1992 = arith.constant 1248 : index
    %get3A_1993 = tpu.vector_load %arg8[%get3A_1992] {strides = array<i32>} : memref<2560xf32, #tpu.memory_space<vmem>>, vector<16xf32>,
    %get3A_1994 = vector.shape_cast %get3A_1993 : vector<16xf32> to vector<16xf32>
    %get3A_1995 = arith.constant 2528 : index
    %get3A_1996 = tpu.vector_load %arg8[%get3A_1995] {strides = array<i32>} : memref<2560xf32, #tpu.memory_space<vmem>>, vector<16xf32>,
    %get3A_1997 = vector.shape_cast %get3A_1996 : vector<16xf32> to vector<16xf32>
    %add3A_1998 = arith.addf %get3A_1994, %get3A_1997 : vector<16xf32>
    %mul3A_1999 = arith.constant 4.960000e+02 : f32
    %mul3A_2000 = vector.broadcast %mul3A_1999 : f32 to vector<16xf32>
    %mul3A_2001 = arith.mulf %add3A_1991, %mul3A_2000 : vector<16xf32>
    %add3A_2002 = arith.constant 0x4DC00000 : f32
    %add3A_2003 = vector.broadcast %add3A_2002 : f32 to vector<16xf32>
    %add3A_2004 = arith.addf %mul3A_2001, %add3A_2003 : vector<16xf32>
    %sub3A_2005 = arith.constant 0x4DC00000 : f32
    %sub3A_2006 = vector.broadcast %sub3A_2005 : f32 to vector<16xf32>
    %sub3A_2007 = arith.subf %add3A_2004, %sub3A_2006 : vector<16xf32>
    %mul3A_2008 = arith.constant 1.550000e+01 : f32
    %mul3A_2009 = vector.broadcast %mul3A_2008 : f32 to vector<16xf32>
    %mul3A_2010 = arith.mulf %add3A_1998, %mul3A_2009 : vector<16xf32>
    %add3A_2011 = arith.constant 0x4B400000 : f32
    %add3A_2012 = vector.broadcast %add3A_2011 : f32 to vector<16xf32>
    %add3A_2013 = arith.addf %mul3A_2010, %add3A_2012 : vector<16xf32>
    %sub3A_2014 = arith.constant 0x4B400000 : f32
    %sub3A_2015 = vector.broadcast %sub3A_2014 : f32 to vector<16xf32>
    %sub3A_2016 = arith.subf %add3A_2013, %sub3A_2015 : vector<16xf32>
    %jit3A_2017 = arith.constant 0.000000e+00 : f32
    %jit3A_2018 = arith.constant 9.920000e+02 : f32
    %max3A_2019 = vector.broadcast %jit3A_2017 : f32 to vector<16xf32>
    %max3A_2020 = arith.maximumf %max3A_2019, %sub3A_2007 : vector<16xf32>
    %min3A_2021 = vector.broadcast %jit3A_2018 : f32 to vector<16xf32>
    %min3A_2022 = arith.minimumf %min3A_2021, %max3A_2020 : vector<16xf32>
    %jit3A_2023 = arith.constant 0.000000e+00 : f32
    %jit3A_2024 = arith.constant 3.100000e+01 : f32
    %max3A_2025 = vector.broadcast %jit3A_2023 : f32 to vector<16xf32>
    %max3A_2026 = arith.maximumf %max3A_2025, %sub3A_2016 : vector<16xf32>
    %min3A_2027 = vector.broadcast %jit3A_2024 : f32 to vector<16xf32>
    %min3A_2028 = arith.minimumf %min3A_2027, %max3A_2026 : vector<16xf32>
    %add3A_2029 = arith.addf %min3A_2022, %min3A_2028 : vector<16xf32>
    %convert_element_type3A_2030 = arith.fptosi %add3A_2029 : vector<16xf32> to vector<16xi32>
    %swap3A_2031 = arith.constant 608 : index
    %swap3A_2032 = tpu.vector_load %arg9[%swap3A_2031] {strides = array<i32>} : memref<640xi32, #tpu.memory_space<vmem>>, vector<16xi32>,
    %swap3A_2033 = vector.shape_cast %swap3A_2032 : vector<16xi32> to vector<16xi32>
    %swap3A_2034 = vector.shape_cast %convert_element_type3A_2030 : vector<16xi32> to vector<16xi32>
    tpu.vector_store %arg9[%swap3A_2031], %swap3A_2034 {strides = array<i32>} : memref<640xi32, #tpu.memory_space<vmem>>, vector<16xi32>,
    %get3A_2035 = arith.constant 624 : index
    %get3A_2036 = tpu.vector_load %arg8[%get3A_2035] {strides = array<i32>} : memref<2560xf32, #tpu.memory_space<vmem>>, vector<16xf32>,
    %get3A_2037 = vector.shape_cast %get3A_2036 : vector<16xf32> to vector<16xf32>
    %get3A_2038 = arith.constant 1904 : index
    %get3A_2039 = tpu.vector_load %arg8[%get3A_2038] {strides = array<i32>} : memref<2560xf32, #tpu.memory_space<vmem>>, vector<16xf32>,
    %get3A_2040 = vector.shape_cast %get3A_2039 : vector<16xf32> to vector<16xf32>
    %add3A_2041 = arith.addf %get3A_2037, %get3A_2040 : vector<16xf32>
    %get3A_2042 = arith.constant 1264 : index
    %get3A_2043 = tpu.vector_load %arg8[%get3A_2042] {strides = array<i32>} : memref<2560xf32, #tpu.memory_space<vmem>>, vector<16xf32>,
    %get3A_2044 = vector.shape_cast %get3A_2043 : vector<16xf32> to vector<16xf32>
    %get3A_2045 = arith.constant 2544 : index
    %get3A_2046 = tpu.vector_load %arg8[%get3A_2045] {strides = array<i32>} : memref<2560xf32, #tpu.memory_space<vmem>>, vector<16xf32>,
    %get3A_2047 = vector.shape_cast %get3A_2046 : vector<16xf32> to vector<16xf32>
    %add3A_2048 = arith.addf %get3A_2044, %get3A_2047 : vector<16xf32>
    %mul3A_2049 = arith.constant 4.960000e+02 : f32
    %mul3A_2050 = vector.broadcast %mul3A_2049 : f32 to vector<16xf32>
    %mul3A_2051 = arith.mulf %add3A_2041, %mul3A_2050 : vector<16xf32>
    %add3A_2052 = arith.constant 0x4DC00000 : f32
    %add3A_2053 = vector.broadcast %add3A_2052 : f32 to vector<16xf32>
    %add3A_2054 = arith.addf %mul3A_2051, %add3A_2053 : vector<16xf32>
    %sub3A_2055 = arith.constant 0x4DC00000 : f32
    %sub3A_2056 = vector.broadcast %sub3A_2055 : f32 to vector<16xf32>
    %sub3A_2057 = arith.subf %add3A_2054, %sub3A_2056 : vector<16xf32>
    %mul3A_2058 = arith.constant 1.550000e+01 : f32
    %mul3A_2059 = vector.broadcast %mul3A_2058 : f32 to vector<16xf32>
    %mul3A_2060 = arith.mulf %add3A_2048, %mul3A_2059 : vector<16xf32>
    %add3A_2061 = arith.constant 0x4B400000 : f32
    %add3A_2062 = vector.broadcast %add3A_2061 : f32 to vector<16xf32>
    %add3A_2063 = arith.addf %mul3A_2060, %add3A_2062 : vector<16xf32>
    %sub3A_2064 = arith.constant 0x4B400000 : f32
    %sub3A_2065 = vector.broadcast %sub3A_2064 : f32 to vector<16xf32>
    %sub3A_2066 = arith.subf %add3A_2063, %sub3A_2065 : vector<16xf32>
    %jit3A_2067 = arith.constant 0.000000e+00 : f32
    %jit3A_2068 = arith.constant 9.920000e+02 : f32
    %max3A_2069 = vector.broadcast %jit3A_2067 : f32 to vector<16xf32>
    %max3A_2070 = arith.maximumf %max3A_2069, %sub3A_2057 : vector<16xf32>
    %min3A_2071 = vector.broadcast %jit3A_2068 : f32 to vector<16xf32>
    %min3A_2072 = arith.minimumf %min3A_2071, %max3A_2070 : vector<16xf32>
    %jit3A_2073 = arith.constant 0.000000e+00 : f32
    %jit3A_2074 = arith.constant 3.100000e+01 : f32
    %max3A_2075 = vector.broadcast %jit3A_2073 : f32 to vector<16xf32>
    %max3A_2076 = arith.maximumf %max3A_2075, %sub3A_2066 : vector<16xf32>
    %min3A_2077 = vector.broadcast %jit3A_2074 : f32 to vector<16xf32>
    %min3A_2078 = arith.minimumf %min3A_2077, %max3A_2076 : vector<16xf32>
    %add3A_2079 = arith.addf %min3A_2072, %min3A_2078 : vector<16xf32>
    %convert_element_type3A_2080 = arith.fptosi %add3A_2079 : vector<16xf32> to vector<16xi32>
    %swap3A_2081 = arith.constant 624 : index
    %swap3A_2082 = tpu.vector_load %arg9[%swap3A_2081] {strides = array<i32>} : memref<640xi32, #tpu.memory_space<vmem>>, vector<16xi32>,
    %swap3A_2083 = vector.shape_cast %swap3A_2082 : vector<16xi32> to vector<16xi32>
    %swap3A_2084 = vector.shape_cast %convert_element_type3A_2080 : vector<16xi32> to vector<16xi32>
    tpu.vector_store %arg9[%swap3A_2081], %swap3A_2084 {strides = array<i32>} : memref<640xi32, #tpu.memory_space<vmem>>, vector<16xi32>,
    %dma_start3A_2085 = arith.constant 512 : i32
    %dma_start3A_2086 = tpu.memref_slice %arg9[%dma_start3A_2085] : memref<640xi32, #tpu.memory_space<vmem>> -> memref<128xi32, #tpu.memory_space<vmem>>
    %dma_start3A_2087 = arith.constant 0 : i32
    %dma_start3A_2088 = arith.constant 0 : i32
    %dma_start3A_2089 = tpu.memref_slice %arg6[%dma_start3A_2087, %dma_start3A_2088] : memref<1024x256xf32, #tpu.memory_space<hbm>> -> memref<1024x256xf32, #tpu.memory_space<hbm>>
    tpu.enqueue_indirect_dma source(%dma_start3A_2089 : memref<1024x256xf32, #tpu.memory_space<hbm>>) target(%arg10 : memref<128x256xf32, #tpu.memory_space<vmem>>) offsets(%dma_start3A_2086 : memref<128xi32, #tpu.memory_space<vmem>>) semaphore(%arg12 : memref<!tpu.dma_semaphore, #tpu.memory_space<semaphore_mem>>)
    %dma_wait3A_2090 = arith.constant 384 : i32
    %dma_wait3A_2091 = tpu.memref_slice %arg9[%dma_wait3A_2090] : memref<640xi32, #tpu.memory_space<vmem>> -> memref<128xi32, #tpu.memory_space<vmem>>
    %dma_wait3A_2092 = arith.constant 0 : i32
    %dma_wait3A_2093 = arith.constant 0 : i32
    %dma_wait3A_2094 = tpu.memref_slice %arg6[%dma_wait3A_2092, %dma_wait3A_2093] : memref<1024x256xf32, #tpu.memory_space<hbm>> -> memref<1024x256xf32, #tpu.memory_space<hbm>>
    tpu.wait_indirect_dma semaphore(%arg13 : memref<!tpu.dma_semaphore, #tpu.memory_space<semaphore_mem>>) src(%dma_wait3A_2094 : memref<1024x256xf32, #tpu.memory_space<hbm>>) dst(%arg11 : memref<128x256xf32, #tpu.memory_space<vmem>>)
    %add3A_2095 = arith.constant 384 : i32
    %add3A_2096 = arith.addi %min3A_3, %add3A_2095 : i32
    "tpu.region"() ({
      %run_scoped3A = tpu.sem_alloc : memref<!tpu.dma_semaphore, #tpu.memory_space<semaphore_mem>>
      %dma_start3A_2104 = arith.constant 0 : i32
      %dma_start3A_2105 = tpu.memref_slice %arg7[%add3A_2096, %dma_start3A_2104] : memref<20000x256xf32, #tpu.memory_space<hbm>> -> memref<128x256xf32, #tpu.memory_space<hbm>>
      %dma_start3A_2106 = arith.constant 0 : i32
      %dma_start3A_2107 = tpu.memref_slice %arg7[%add3A_2096, %dma_start3A_2106] : memref<20000x256xf32, #tpu.memory_space<hbm>> -> memref<128x256xf32, #tpu.memory_space<hbm>>
      tpu.enqueue_dma source(%arg11 : memref<128x256xf32, #tpu.memory_space<vmem>>) target(%dma_start3A_2107 : memref<128x256xf32, #tpu.memory_space<hbm>>) target_semaphore(%run_scoped3A : memref<!tpu.dma_semaphore, #tpu.memory_space<semaphore_mem>>)
      %dma_wait3A_2108 = arith.constant 0 : i32
      %dma_wait3A_2109 = tpu.memref_slice %arg7[%add3A_2096, %dma_wait3A_2108] : memref<20000x256xf32, #tpu.memory_space<hbm>> -> memref<128x256xf32, #tpu.memory_space<hbm>>
      %dma_wait3A_2110 = arith.constant 0 : i32
      %dma_wait3A_2111 = tpu.memref_slice %arg7[%add3A_2096, %dma_wait3A_2110] : memref<20000x256xf32, #tpu.memory_space<hbm>> -> memref<128x256xf32, #tpu.memory_space<hbm>>
      tpu.wait_dma2 semaphore(%run_scoped3A : memref<!tpu.dma_semaphore, #tpu.memory_space<semaphore_mem>>) src(%arg11 : memref<128x256xf32, #tpu.memory_space<vmem>>) dst(%dma_wait3A_2111 : memref<128x256xf32, #tpu.memory_space<hbm>>)
      tpu.yield
    }) : () -> ()
    %dma_wait3A_2097 = arith.constant 512 : i32
    %dma_wait3A_2098 = tpu.memref_slice %arg9[%dma_wait3A_2097] : memref<640xi32, #tpu.memory_space<vmem>> -> memref<128xi32, #tpu.memory_space<vmem>>
    %dma_wait3A_2099 = arith.constant 0 : i32
    %dma_wait3A_2100 = arith.constant 0 : i32
    %dma_wait3A_2101 = tpu.memref_slice %arg6[%dma_wait3A_2099, %dma_wait3A_2100] : memref<1024x256xf32, #tpu.memory_space<hbm>> -> memref<1024x256xf32, #tpu.memory_space<hbm>>
    tpu.wait_indirect_dma semaphore(%arg12 : memref<!tpu.dma_semaphore, #tpu.memory_space<semaphore_mem>>) src(%dma_wait3A_2101 : memref<1024x256xf32, #tpu.memory_space<hbm>>) dst(%arg10 : memref<128x256xf32, #tpu.memory_space<vmem>>)
    %add3A_2102 = arith.constant 512 : i32
    %add3A_2103 = arith.addi %min3A_3, %add3A_2102 : i32
    "tpu.region"() ({
      %run_scoped3A = tpu.sem_alloc : memref<!tpu.dma_semaphore, #tpu.memory_space<semaphore_mem>>
      %dma_start3A_2104 = arith.constant 0 : i32
      %dma_start3A_2105 = tpu.memref_slice %arg7[%add3A_2103, %dma_start3A_2104] : memref<20000x256xf32, #tpu.memory_space<hbm>> -> memref<128x256xf32, #tpu.memory_space<hbm>>
      %dma_start3A_2106 = arith.constant 0 : i32
      %dma_start3A_2107 = tpu.memref_slice %arg7[%add3A_2103, %dma_start3A_2106] : memref<20000x256xf32, #tpu.memory_space<hbm>> -> memref<128x256xf32, #tpu.memory_space<hbm>>
      tpu.enqueue_dma source(%arg10 : memref<128x256xf32, #tpu.memory_space<vmem>>) target(%dma_start3A_2107 : memref<128x256xf32, #tpu.memory_space<hbm>>) target_semaphore(%run_scoped3A : memref<!tpu.dma_semaphore, #tpu.memory_space<semaphore_mem>>)
      %dma_wait3A_2108 = arith.constant 0 : i32
      %dma_wait3A_2109 = tpu.memref_slice %arg7[%add3A_2103, %dma_wait3A_2108] : memref<20000x256xf32, #tpu.memory_space<hbm>> -> memref<128x256xf32, #tpu.memory_space<hbm>>
      %dma_wait3A_2110 = arith.constant 0 : i32
      %dma_wait3A_2111 = tpu.memref_slice %arg7[%add3A_2103, %dma_wait3A_2110] : memref<20000x256xf32, #tpu.memory_space<hbm>> -> memref<128x256xf32, #tpu.memory_space<hbm>>
      tpu.wait_dma2 semaphore(%run_scoped3A : memref<!tpu.dma_semaphore, #tpu.memory_space<semaphore_mem>>) src(%arg10 : memref<128x256xf32, #tpu.memory_space<vmem>>) dst(%dma_wait3A_2111 : memref<128x256xf32, #tpu.memory_space<hbm>>)
      tpu.yield
    }) : () -> ()
    return
  }
}

</mosaic_0001>

<sc_bundles>
// kernel: kernel.3.cloned.1.call-start
scs
__scs_entry_jumppad:
0x0: {  	(pc) =	sbr.rel $0x88, $3  }
0x1: {  	(tag) =	ssettag $0x0;
	lr =	simm.s32 $0x1  }
0x2: {  	[smem:$0x3F9E] =	sst lr;
	_ =	strace $0xD0000000  }
0x3: {  	_ = 	snop  }
0x4: {  	_ = 	snop  }
0x5: {  	_ = 	snop  }
0x6: {  	_ = 	snop  }
0x7: {  	_ = 	snop  }
__scs_overlays_trampoline_lowered:
0x8: {  	[smem:$0x3FAD] =	sst s0  }
0x9: {  	[smem:$0x3FAE] =	sst s1  }
0xa: {  	[smem:$0x3FAF] =	sst s2  }
0xb: {  	[smem:$0x3FB0] =	sst s3  }
0xc: {  	[smem:$0x3FB1] =	sst s4  }
0xd: {  	[smem:$0x3FB2] =	sst s5  }
0xe: {  	[smem:$0x3FB3] =	sst s6  }
0xf: {  	[smem:$0x3FB4] =	sst s7  }
0x10: {  	[smem:$0x3FB5] =	sst s8  }
0x11: {  	[smem:$0x3FB6] =	sst s9;
	s0 =	simm.s32 @!p0 $0x0  }
0x12: {  	s1 =	sld [smem:$0x3F9C];
	s0 =	simm.s32 @p0 $0x1  }
0x13: {  	[smem:$0x3FB7] =	sst s0;
	s0 =	simm.s32 @!p1 $0x0  }
0x14: {  	s2 =	sld [smem:$0x3F9B];
	s0 =	simm.s32 @p1 $0x1  }
0x15: {  	[smem:$0x3FB8] =	sst s0;
	s0 =	simm.s32 @!p2 $0x0  }
0x16: {  	s3 =	sld [smem:$0x3FDB];
	s0 =	simm.s32 @p2 $0x1  }
0x17: {  	s4 =	simm.s32 $0x1BF5;
	[smem:$0x3FBA] =	sst s0  }
0x18: {  	s0 =	sld [smem:$0x3F9D];
	_ =	swait.ge [sflag:s4], $0x0  }
0x19: {  	s7 =	sld [smem:$0x3F9E]  }
0x1a: {  	s8 =	sadd.s32 $0xFFFFE003, lr  }
0x1b: {  	s9 =	sadd.s32 $0xFFFFFEF7, lr;
	s5 =	simm.s32 $0xFFFFFFFF;
	p2 =	slt.u32 s8, $0xFFFFF086  }
0x1c: {  	p1 =	slt.u32 s9, $0xF7A;
	s5 =	simm.s32 @!p2 $0x0  }
0x1d: {  	s5 =	simm.s32 @p1 $0x1;
	p0 =	seq.s32 s7, s2  }
0x1e: {  	s7 =	smul.u32 @!p0 $0xF7A, s2;
	p2 =	seq.s32 @!p0 s5, $0x0  }
0x1f: {  	s9 =	smul.u32 $0xF7A, s1;
	s8 =	simm.s32 @!p0 $0x1BF5;
	p2 =	por !p2, p0  }
0x20: {  	[sflag:s8] =	ssyncset.s32 @!p0 $0xFFFFF086;
	s6 =	sadd.s32 @!p0 s3, s7;
	s7 =	simm.s32 @!p0 $0x108  }
0x21: {  	s3 =	sadd.s32 s3, s9;
	s6 =	sadd.s32 @!p0 $0x88, s6;
	s7 =	simm.s32 @p2 $0x1082  }
0x22: {  	[simem:s7], [sflag:s8] =	dma.local @!p0 [hbm:s6], $0xF7A  }
0x23: {  	s9 =	sor.u32 $0xD0000000, s2;
	s6 =	simm.s32 $0x108;
	_ =	swait.ge @!p0 [sflag:s8], $0x0  }
0x24: {  	s3 =	sadd.s32 $0x88, s3;
	s6 =	simm.s32 @!p1 $0x1082;
	[sflag:s4] =	ssyncset.s32 $0xFFFFF086  }
0x25: {  	[simem:s6], [sflag:s4] =	dma.local [hbm:s3], $0xF7A  }
0x26: {  	[smem:$0x3F9E] =	sst s1;
	(tag) =	ssettag s2;
	_ =	strace s9  }
0x27: {  	s1 =	sld [smem:$0x3FAE]  }
0x28: {  	s2 =	sld [smem:$0x3FAF]  }
0x29: {  	s4 =	sld [smem:$0x3FB1]  }
0x2a: {  	p0 =	seq.s32 s5, $0x0;
	s5 =	sld [smem:$0x3FB2]  }
0x2b: {  	s6 =	sld [smem:$0x3FB3]  }
0x2c: {  	s7 =	sld [smem:$0x3FB4]  }
0x2d: {  	s3 =	simm.s32 $0x108;
	s8 =	sld [smem:$0x3FB5]  }
0x2e: {  	s3 =	simm.s32 @!p0 $0x1082;
	s9 =	sld [smem:$0x3FB6]  }
0x2f: {  	lr =	sadd.s32 s0, s3;
	s0 =	sld [smem:$0x3FAD]  }
0x30: {  	s3 =	sld [smem:$0x3FB0]  }
0x31: {  	[smem:$0x3FB9] =	sst s10  }
0x32: {  	s10 =	sld [smem:$0x3FB7];
	_ =	sdelay $0x3  }
0x33: {  	p0 =	seq.s32 s10, $0x1;
	s10 =	sld [smem:$0x3FB9];
	_ =	sdelay $0x3  }
0x34: {  	[smem:$0x3FB9] =	sst s10  }
0x35: {  	s10 =	sld [smem:$0x3FB8];
	_ =	sdelay $0x3  }
0x36: {  	p1 =	seq.s32 s10, $0x1;
	s10 =	sld [smem:$0x3FB9];
	_ =	sdelay $0x3  }
0x37: {  	[smem:$0x3FB9] =	sst s10  }
0x38: {  	s10 =	sld [smem:$0x3FBA]  }
0x39: {  	_ = 	snop;
	(pc) =	sbr.ind lr, $3  }
0x3a: {  	_ = 	snop  }
0x3b: {  	_ = 	snop  }
0x3c: {  	p2 =	seq.s32 s10, $0x1;
	s10 =	sld [smem:$0x3FB9]  }
0x3d: {  	_ =	shalt  }
0x3e: {  	_ =	shalt  }
0x3f: {  	_ =	shalt  }
0x40: {  	_ =	shalt  }
0x41: {  	_ =	shalt  }
0x42: {  	_ =	shalt  }
0x43: {  	_ =	shalt  }
0x44: {  	_ =	shalt  }
0x45: {  	_ =	shalt  }
0x46: {  	_ =	shalt  }
0x47: {  	_ =	shalt  }
0x48: {  	_ =	shalt  }
0x49: {  	_ =	shalt  }
0x4a: {  	_ =	shalt  }
0x4b: {  	_ =	shalt  }
0x4c: {  	_ =	shalt  }
0x4d: {  	_ =	shalt  }
0x4e: {  	_ =	shalt  }
0x4f: {  	_ =	shalt  }
0x50: {  	_ =	shalt  }
0x51: {  	_ =	shalt  }
0x52: {  	_ =	shalt  }
0x53: {  	_ =	shalt  }
0x54: {  	_ =	shalt  }
0x55: {  	_ =	shalt  }
0x56: {  	_ =	shalt  }
0x57: {  	_ =	shalt  }
0x58: {  	_ =	shalt  }
0x59: {  	_ =	shalt  }
0x5a: {  	_ =	shalt  }
0x5b: {  	_ =	shalt  }
0x5c: {  	_ =	shalt  }
0x5d: {  	_ =	shalt  }
0x5e: {  	_ =	shalt  }
0x5f: {  	_ =	shalt  }
0x60: {  	_ =	shalt  }
0x61: {  	_ =	shalt  }
0x62: {  	_ =	shalt  }
0x63: {  	_ =	shalt  }
0x64: {  	_ =	shalt  }
0x65: {  	_ =	shalt  }
0x66: {  	_ =	shalt  }
0x67: {  	_ =	shalt  }
0x68: {  	_ =	shalt  }
0x69: {  	_ =	shalt  }
0x6a: {  	_ =	shalt  }
0x6b: {  	_ =	shalt  }
0x6c: {  	_ =	shalt  }
0x6d: {  	_ =	shalt  }
0x6e: {  	_ =	shalt  }
0x6f: {  	_ =	shalt  }
0x70: {  	_ =	shalt  }
0x71: {  	_ =	shalt  }
0x72: {  	_ =	shalt  }
0x73: {  	_ =	shalt  }
0x74: {  	_ =	shalt  }
0x75: {  	_ =	shalt  }
0x76: {  	_ =	shalt  }
0x77: {  	_ =	shalt  }
0x78: {  	_ =	shalt  }
0x79: {  	_ =	shalt  }
0x7a: {  	_ =	shalt  }
0x7b: {  	_ =	shalt  }
0x7c: {  	_ =	shalt  }
0x7d: {  	_ =	shalt  }
0x7e: {  	_ =	shalt  }
0x7f: {  	_ =	shalt  }
0x80: {  	_ =	shalt  }
0x81: {  	_ =	shalt  }
0x82: {  	_ =	shalt  }
0x83: {  	_ =	shalt  }
0x84: {  	_ =	shalt  }
0x85: {  	_ =	shalt  }
0x86: {  	_ =	shalt  }
0x87: {  	_ =	shalt  }
.Lfunc_end0:
.L_simem_size_0:
called_computation_lowered:
.L_overlay_start_0:
0x88: {  	s2 =	sld [smem:$0x3FD9]  }
0x89: {  	s3 =	sld [smem:$0x3FFE];
	_ =	sdelay $0x1  }
0x8a: {  	s1 =	srdreg.scid  }
0x8b: {  	s0 =	sand.u32 $0x1, s1  }
0x8c: {  	s17 =	sshll.u32 s0, $0xA;
	s2 =	sadd.s32 s3, s2  }
0x8d: {  	s2 =	sadd.s32 s2, s17  }
0x8e: {  	[smem:$0x3FC5] =	sst s2  }
0x8f: {  	_ = 	snop  }
0x90: {  	s2 =	sld [smem:$0x3FD0];
	(tm) =	ssettm $0x1  }
0x91: {  	s18 =	sld [smem:$0x3FFB];
	_ =	sdelay $0x3  }
0x92: {  	_ =	strace s18  }
0x93: {  	s3 =	sld [smem:$0x3FFC];
	_ =	sdelay $0x3  }
0x94: {  	_ =	strace s3  }
0x95: {  	s3 =	sld [smem:$0x3FFD];
	_ =	sdelay $0x3  }
0x96: {  	_ =	strace s3  }
0x97: {  	_ =	strace $0x8FFFFFFF  }
0x98: {  	s19 =	sld [smem:$0x3FDB];
	_ =	sdelay $0x1  }
0x99: {  	s4 =	simm.s32 $_scs_section_size  }
0x9a: {  	s5 =	simm.s32 $_size__tile_overlayer_lowered;
	s6 =	simm.s32 $_tile_overlayer_lowered  }
0x9b: {  	s22 =	simm.s32 $0x1BFF;
	s21 =	sshll.u32 s6, $0x1;
	s3 =	sadd.s32 s4, s19  }
0x9c: {  	s7 =	simm.s32 $0x0;
	s20 =	sshll.u32 s5, $0x1;
	s5 =	sadd.s32 s21, s3  }
0x9d: {  	[timem:s7], [sflag:s22] =	dma.local [hbm:s5], s20  }
0x9e: {  	_ =	swait.ge [sflag:s22], s20  }
0x9f: {  	s4 =	ssub.s32 $0x0, s20;
	[sflag:s22] =	ssyncset.done $0x0  }
0xa0: {  	[sflag:s22] =	ssyncadd.s32 s4;
	_ =	sdelay $0x1  }
0xa1: {  	s23 =	simm.s32 $0x1B8B  }
0xa2: {  	_ =	swait.ge [sflag:s23], $0x1  }
0xa3: {  	[sflag:s23] =	ssyncset.done $0x0  }
0xa4: {  	s25 =	simm.s32 $0x1B8E;
	s24 =	sld [smem:$0x3FFE];
	[sflag:s23] =	ssyncadd.s32 $0xFFFFFFFF  }
0xa5: {  	s26 =	simm.s32 $execute0_lowered;
	[smem:$0x3FD2] =	sst s25  }
0xa6: {  	s5 =	sshll.u32 s26, $0x1;
	_ =	strace $0x80000046;
	[dreg:$0x1] =	wrdreg $0xFFFFFFFF  }
0xa7: {  	s28 =	simm.s32 $_size_execute0_lowered;
	s3 =	sadd.s32 s3, s5;
	[dreg:$0x0] =	wrdreg $0x0  }
0xa8: {  	s5 =	sshll.u32 s28, $0x1;
	[dreg:$0x2] =	wrdreg s3  }
0xa9: {  	[dreg:$0x3] =	wrdreg s5  }
0xaa: {  	[dreg:$0x4] =	wrdreg $0xC0  }
0xab: {  	_ =	task [dreg:s7], $0x5FFFF  }
0xac: {  	[dreg:$0x1] =	wrdreg $0xFFFFFFFF  }
0xad: {  	[dreg:$0x0] =	wrdreg $0x60  }
0xae: {  	[dreg:$0x2] =	wrdreg s24  }
0xaf: {  	[dreg:$0x3] =	wrdreg s2  }
0xb0: {  	[dreg:$0x4] =	wrdreg $0x9  }
0xb1: {  	_ =	task.clear_ibuf [dreg:s7], $0x5FFFF;
	_ =	strace $0x90000046  }
0xb2: {  	s29 =	simm.s32 $0x9;
	_ =	strace $0x80000048  }
0xb3: {  	_ =	swait.ge [sflag:s29], $0x1  }
0xb4: {  	[sflag:s29] =	ssyncadd.s32 $0xFFFFFFFF  }
0xb5: {  	_ =	strace $0x90000048  }
0xb6: {  	_ =	sfence  }
0xb7: {  	s30 =	sld [smem:$0x0];
	_ =	sdelay $0x2  }
0xb8: {  	s31 =	sshll.u32 s1, $0xD;
	s1 =	sshrl.u32 s1, $0x2  }
0xb9: {  	s3 =	sand.u32 $0x4000, s31;
	s1 =	sadd.s32 s1, s30  }
0xba: {  	s0 =	sor.u32 s3, s0;
	s1 =	sshll.u32 s1, $0x11  }
0xbb: {  	s0 =	sor.u32 s1, s0  }
0xbc: {  	s0 =	sadd.s32 $0x8F2B, s0  }
0xbd: {  	[sflag:s0] =	ssyncadd.remote.s32 $0x1  }
0xbe: {  	_ =	sfence.sel $0xFFFF  }
0xbf: {  	[dreg:$0x0] =	wrdreg $0xFFFFFFFF;
	(pc) =	sbr.abs _section_cstart, $3  }
0xc0: {  	[dreg:$0x1] =	wrdreg $0xFFFFFFFF  }
0xc1: {  	_ =	task.clear_ibuf [dreg:s7], $0x2FFFF;
	_ =	strace $0x9FFFFFFF  }
0xc2: {  	(tm) =	ssettm $0x7FFFFFFF  }
0xc3: {  	_ =	shalt  }
tec
execute0_lowered:
.L_overlay_start_1:
0x0: {  	(tag) =	ssettag $0x1  }
0x1: {  	s0 =	srdreg.scid;
	s5 =	rddreg [dreg:$0x0]  }
0x2: {  	s1 =	stileid.u32;
	s2 =	rddreg [dreg:$0x1]  }
0x3: {  	s3 =	simm.s32 $0x0;
	s25 =	simm.s32 $0x280;
	s28 =	simm.s32 $0x500  }
0x4: {  	s29 =	simm.s32 $0x780;
	s7 =	simm.s32 $0x2;
	s31 =	simm.s32 $0x5  }
0x5: {  	s10 =	simm.s32 $0x8C80;
	s30 =	simm.s32 $0xAC80;
	s8 =	simm.s32 $0xBC80  }
0x6: {  	s9 =	simm.s32 $0xC480;
	s0 =	sand.u32 $0x1, s0;
	s1 =	sshll.u32 s1, $0x1  }
0x7: {  	s11 =	simm.s32 $0xCC80;
	s12 =	simm.s32 $0xD480;
	s1 =	sor.u32 s0, s1  }
0x8: {  	s13 =	simm.s32 $0xDC80;
	s14 =	simm.s32 $0xE480;
	s1 =	smul.u32 $0x280, s1  }
0x9: {  	s15 =	simm.s32 $0xEC80;
	s16 =	simm.s32 $0xF480;
	[smem:$0x7FF] =	sst s3  }
0xa: {  	_ =	strace $0x80000047;
	[dreg:$0xb] =	wrdreg s25;
	s1 =	smin.u32 s1, $0x4BA0  }
0xb: {  	s17 =	simm.s32 $0xFC80;
	[dreg:$0xc] =	wrdreg s28;
	s4 =	sshrl.u32 s1, $0x3  }
0xc: {  	s18 =	simm.s32 $0x10480;
	[dreg:$0xd] =	wrdreg s29;
	s4 =	sadd.s32 s5, s4  }
0xd: {  	s0 =	ssub.s32 $0x2, s0;
	s6 =	sadd.s32 $0x1E00, s4;
	[dreg:$0xe] =	wrdreg s4  }
0xe: {  	s1 =	sshll.u32 s1, $0x5;
	s19 =	sadd.s32 $0x1400, s4;
	[dreg:$0x3] =	wrdreg s6  }
0xf: {  	s1 =	sadd.s32 s1, s5;
	s20 =	sadd.s32 $0xA00, s4;
	[dreg:$0x4] =	wrdreg s19  }
0x10: {  	s25 =	simm.s32 $0x7C80;
	s21 =	sadd.s32 $0x2800, s1;
	[dreg:$0x5] =	wrdreg s20  }
0x11: {  	s26 =	sshrl.u32 s0, $0x1;
	s22 =	sadd.s32 $0x3800, s1;
	[dreg:$0x6] =	wrdreg s21  }
0x12: {  	s0 =	ssub.s32 s0, s26;
	s23 =	sadd.s32 $0x4800, s1;
	[dreg:$0x7] =	wrdreg s22  }
0x13: {  	s26 =	simm.s32 $0x8480;
	s24 =	sadd.s32 $0x5800, s1;
	[dreg:$0x8] =	wrdreg s23  }
0x14: {  	s5 =	smax.u32 s0, $0x1;
	s1 =	sadd.s32 $0x6800, s1;
	[dreg:$0x9] =	wrdreg s24  }
0x15: {  	v2 =	vlaneseq.u32;
	s4 =	simm.s32 $0xB480;
	[dreg:$0xa] =	wrdreg s1;
	s6 =	simm.s32 $0x1  }
0x16: {  	vm0 =	vmmov $0xffff;
	v1 =	vshrl.u32 v2, $0x3;
	s19 =	simm.s32 $0xC80;
	s20 =	simm.s32 $0x5480;
	s21 =	simm.s32 $0x5C80  }
0x17: {  	v0 =	vand.u32 $0x7, v2;
	v2 =	vor.u32 $0x8, v2;
	v1 =	vmul.u32 $0x8, v1;
	s22 =	simm.s32 $0x6480;
	s23 =	simm.s32 $0x6C80;
	s24 =	simm.s32 $0x7480  }
.LBB2_1:
0x18: {  	s1 =	rddreg [dreg:$0x3]  }
0x19: {  	s0 =	rddreg [dreg:$0xb]  }
0x1a: {  	s28 =	rddreg [dreg:$0x5]  }
0x1b: {  	s29 =	rddreg [dreg:$0xc]  }
0x1c: {  	[tilespmem:s3], [sflag:$0x1] =	stream.linear.gather [hbm4b:s1+s3], $0x280, $0x38;
	[tilespmem:$0x10C80] =	vst v63  }
0x1d: {  	s1 =	rddreg [dreg:$0x4]  }
0x1e: {  	[tilespmem:s0], [sflag:$0x2] =	stream.linear.gather [hbm4b:s1+s3], $0x280, $0x38;
	[tilespmem:$0x10C80] =	vst v63  }
0x1f: {  	s1 =	rddreg [dreg:$0xd]  }
0x20: {  	[tilespmem:s29], [sflag:$0x3] =	stream.linear.gather [hbm4b:s28+s3], $0x280, $0x38;
	[tilespmem:$0x10C80] =	vst v63  }
0x21: {  	s29 =	rddreg [dreg:$0xe]  }
0x22: {  	[tilespmem:s1], [sflag:$0x4] =	stream.linear.gather [hbm4b:s29+s3], $0x280, $0x38;
	[tilespmem:$0x10C80] =	vst v63  }
0x23: {  	_ =	swait.ge [sflag:s6], $0x280  }
0x24: {  	[sflag:s6] =	ssyncset.done $0x0  }
0x25: {  	[sflag:s6] =	ssyncadd.s32 $0xFFFFFD80  }
0x26: {  	_ =	swait.ge [sflag:s7], $0x280  }
0x27: {  	[sflag:s7] =	ssyncset.done $0x0  }
0x28: {  	s1 =	simm.s32 $0x3;
	[sflag:s7] =	ssyncadd.s32 $0xFFFFFD80  }
0x29: {  	_ =	swait.ge [sflag:s1], $0x280  }
0x2a: {  	[sflag:s1] =	ssyncset.done $0x0  }
0x2b: {  	s28 =	simm.s32 $0x4;
	[sflag:s1] =	ssyncadd.s32 $0xFFFFFD80  }
0x2c: {  	_ =	swait.ge [sflag:s28], $0x280  }
0x2d: {  	[sflag:s28] =	ssyncset.done $0x0  }
0x2e: {  	[sflag:s28] =	ssyncadd.s32 $0xFFFFFD80  }
0x2f: {  	v3 =	vld [tilespmem:$0x0]  }
0x30: {  	v4 =	vld [tilespmem:$0x500]  }
0x31: {  	v5 =	vld [tilespmem:$0x280]  }
0x32: {  	v6 =	vld [tilespmem:$0x780]  }
0x33: {  	v7 =	vld [tilespmem:$0x10]  }
0x34: {  	v8 =	vld [tilespmem:$0x510]  }
0x35: {  	v9 =	vld [tilespmem:$0x290]  }
0x36: {  	v10 =	vld [tilespmem:$0x790]  }
0x37: {  	v24 =	vld [tilespmem:$0x20]  }
0x38: {  	v26 =	vld [tilespmem:$0x520]  }
0x39: {  	v27 =	vld [tilespmem:$0x2A0]  }
0x3a: {  	v28 =	vld [tilespmem:$0x7A0]  }
0x3b: {  	v11 =	vld [tilespmem:$0x30]  }
0x3c: {  	v12 =	vld [tilespmem:$0x530]  }
0x3d: {  	v13 =	vld [tilespmem:$0x2B0]  }
0x3e: {  	v29 =	vld [tilespmem:$0x7B0]  }
0x3f: {  	v33 =	vld [tilespmem:$0x40]  }
0x40: {  	v35 =	vld [tilespmem:$0x540]  }
0x41: {  	v37 =	vld [tilespmem:$0x2C0]  }
0x42: {  	v38 =	vld [tilespmem:$0x7C0]  }
0x43: {  	v39 =	vld [tilespmem:$0x50]  }
0x44: {  	v14 =	vld [tilespmem:$0x550]  }
0x45: {  	v15 =	vld [tilespmem:$0x2D0]  }
0x46: {  	v40 =	vld [tilespmem:$0x7D0]  }
0x47: {  	v16 =	vld [tilespmem:$0x2E0]  }
0x48: {  	v44 =	vld [tilespmem:$0x7E0]  }
0x49: {  	v49 =	vld [tilespmem:$0x70];
	v3 =	vadd.f32 v4, v3;
	v22 =	vadd.f32 v6, v5  }
0x4a: {  	v50 =	vld [tilespmem:$0x570];
	v23 =	vadd.f32 v8, v7;
	v25 =	vadd.f32 v10, v9  }
0x4b: {  	v17 =	vld [tilespmem:$0x2F0];
	v6 =	vadd.f32 v26, v24;
	v32 =	vadd.f32 v28, v27  }
0x4c: {  	v52 =	vld [tilespmem:$0x7F0];
	v34 =	vadd.f32 v12, v11;
	v36 =	vadd.f32 v29, v13  }
0x4d: {  	v9 =	vadd.f32 v35, v33;
	v8 =	vadd.f32 v38, v37  }
0x4e: {  	v13 =	vadd.f32 v14, v39;
	v47 =	vadd.f32 v40, v15;
	v3 =	vmul.f32 $4.960000000e+02, v3  }
0x4f: {  	v51 =	vadd.f32 v44, v16;
	v4 =	vmul.f32 $1.550000000e+01, v22;
	v5 =	vmul.f32 $4.960000000e+02, v23  }
0x50: {  	v56 =	vadd.f32 v50, v49;
	v7 =	vmul.f32 $1.550000000e+01, v25;
	v6 =	vmul.f32 $4.960000000e+02, v6  }
0x51: {  	v57 =	vadd.f32 v52, v17;
	v10 =	vmul.f32 $4.960000000e+02, v34;
	v9 =	vmul.f32 $4.960000000e+02, v9  }
0x52: {  	v8 =	vmul.f32 $1.550000000e+01, v8;
	v3 =	vadd.f32 $4.026531840e+08, v3;
	v4 =	vadd.f32 $1.258291200e+07, v4  }
0x53: {  	v48 =	vmul.f32 $4.960000000e+02, v13;
	v5 =	vadd.f32 $4.026531840e+08, v5;
	v7 =	vadd.f32 $1.258291200e+07, v7  }
0x54: {  	v12 =	vmul.f32 $1.550000000e+01, v51;
	v6 =	vadd.f32 $4.026531840e+08, v6;
	v10 =	vadd.f32 $4.026531840e+08, v10  }
0x55: {  	v13 =	vmul.f32 $1.550000000e+01, v57;
	v9 =	vadd.f32 $4.026531840e+08, v9;
	v45 =	vadd.f32 $1.258291200e+07, v8  }
0x56: {  	v11 =	vadd.f32 $4.026531840e+08, v48;
	v55 =	vadd.f32 $1.258291200e+07, v12  }
0x57: {  	v61 =	vadd.f32 $1.258291200e+07, v13;
	v3 =	vadd.f32 $-4.026531840e+08, v3  }
0x58: {  	v4 =	vadd.f32 $-1.258291200e+07, v4;
	v5 =	vadd.f32 $-4.026531840e+08, v5  }
0x59: {  	v41 =	vld [tilespmem:$0x60];
	v12 =	vmul.f32 $4.960000000e+02, v56;
	v7 =	vadd.f32 $-1.258291200e+07, v7;
	v6 =	vadd.f32 $-4.026531840e+08, v6  }
0x5a: {  	v43 =	vld [tilespmem:$0x560];
	v10 =	vadd.f32 $-4.026531840e+08, v10;
	v46 =	vadd.f32 $-4.026531840e+08, v9  }
0x5b: {  	v9 =	vmul.f32 $1.550000000e+01, v47;
	v11 =	vadd.f32 $-4.026531840e+08, v11;
	v60 =	vadd.f32 $4.026531840e+08, v12  }
0x5c: {  	v12 =	vadd.f32 $-1.258291200e+07, v61;
	v3 =	vmax.f32 v3, $0.0e+00;
	v4 =	vmax.f32 v4, $0.0e+00  }
0x5d: {  	v30 =	vmax.f32 v5, $0.0e+00;
	v31 =	vmax.f32 v7, $0.0e+00;
	v7 =	vmul.f32 $1.550000000e+01, v32  }
0x5e: {  	v6 =	vmax.f32 v6, $0.0e+00;
	v42 =	vmax.f32 v10, $0.0e+00;
	v8 =	vmax.f32 v46, $0.0e+00  }
0x5f: {  	v10 =	vadd.f32 v43, v41;
	v9 =	vadd.f32 $1.258291200e+07, v9;
	v54 =	vmax.f32 v11, $0.0e+00  }
0x60: {  	v11 =	vadd.f32 $-1.258291200e+07, v55;
	v15 =	vmax.f32 v12, $0.0e+00;
	v3 =	vmin.f32 v3, $9.920000000e+02  }
0x61: {  	v4 =	vmin.f32 v4, $3.100000000e+01;
	v5 =	vmin.f32 v31, $3.100000000e+01;
	v6 =	vmin.f32 v6, $9.920000000e+02  }
0x62: {  	v8 =	vmin.f32 v8, $9.920000000e+02;
	v3 =	vadd.f32 v4, v3;
	v4 =	vmin.f32 v30, $9.920000000e+02  }
0x63: {  	v16 =	vmin.f32 v15, $3.100000000e+01;
	v4 =	vadd.f32 v5, v4;
	v5 =	vmul.f32 $1.550000000e+01, v36  }
0x64: {  	v7 =	vadd.f32 $1.258291200e+07, v7;
	v10 =	vmul.f32 $4.960000000e+02, v10;
	v53 =	vadd.f32 $-1.258291200e+07, v9  }
0x65: {  	v9 =	vmin.f32 v54, $9.920000000e+02;
	v59 =	vmax.f32 v11, $0.0e+00;
	v5 =	vadd.f32 $1.258291200e+07, v5  }
0x66: {  	v11 =	vadd.f32 $-4.026531840e+08, v60;
	v3 =	vtrunc.f32 v3;
	v7 =	vadd.f32 $-1.258291200e+07, v7  }
0x67: {  	v10 =	vadd.f32 $4.026531840e+08, v10;
	v4 =	vtrunc.f32 v4;
	v5 =	vadd.f32 $-1.258291200e+07, v5  }
0x68: {  	v3 =	vcvt.f32.s32 v3;
	v4 =	vcvt.f32.s32 v4;
	v7 =	vmax.f32 v7, $0.0e+00  }
0x69: {  	v10 =	vadd.f32 $-4.026531840e+08, v10;
	v7 =	vmin.f32 v7, $3.100000000e+01;
	v5 =	vmax.f32 v5, $0.0e+00  }
0x6a: {  	v6 =	vadd.f32 v7, v6;
	v7 =	vmin.f32 v42, $9.920000000e+02;
	v5 =	vmin.f32 v5, $3.100000000e+01  }
0x6b: {  	v62 =	vshll.u32 v3, $0x1;
	v5 =	vadd.f32 v5, v7;
	v7 =	vadd.f32 $-1.258291200e+07, v45  }
0x6c: {  	v63 =	vand.u32 $0x7, v3;
	[tilespmem:$0xA00] =	vst v3;
	v3 =	vmax.f32 v11, $0.0e+00;
	v58 =	vmax.f32 v10, $0.0e+00  }
0x6d: {  	v10 =	vmin.f32 v59, $3.100000000e+01;
	v3 =	vmin.f32 v3, $9.920000000e+02;
	v7 =	vmax.f32 v7, $0.0e+00  }
0x6e: {  	v13 =	vand.u32 $0xFFFFFFF0, v62;
	v3 =	vadd.f32 v16, v3;
	v7 =	vmin.f32 v7, $3.100000000e+01  }
0x6f: {  	v6 =	vtrunc.f32 v6;
	v7 =	vadd.f32 v7, v8;
	v8 =	vmax.f32 v53, $0.0e+00  }
0x70: {  	v6 =	vcvt.f32.s32 v6;
	v3 =	vtrunc.f32 v3;
	v8 =	vmin.f32 v8, $3.100000000e+01  }
0x71: {  	v3 =	vcvt.f32.s32 v3;
	v8 =	vadd.f32 v8, v9;
	v9 =	vmin.f32 v58, $9.920000000e+02  }
0x72: {  	v5 =	vtrunc.f32 v5;
	v9 =	vadd.f32 v10, v9;
	v10 =	vor.u32 v63, v13  }
0x73: {  	[tilespmem:$0xA10] =	vst v4;
	v7 =	vtrunc.f32 v7;
	v17 =	vperm.xlane v10, v0  }
0x74: {  	[tilespmem:$0xA20] =	vst v6;
	v5 =	vcvt.f32.s32 v5;
	v18 =	vcvt.f32.s32 v7  }
0x75: {  	[tilespmem:$0xA70] =	vst v3;
	v8 =	vtrunc.f32 v8;
	v22 =	vperm.xlane v10, v2;
	v21 =	vadd.s32 v1, v17  }
0x76: {  	[tilespmem:$0xA30] =	vst v5;
	v19 =	vcvt.f32.s32 v8;
	v20 =	vtrunc.f32 v9  }
0x77: {  	[tilespmem:$0xA40] =	vst v18;
	v4 =	vcvt.f32.s32 v20;
	v23 =	vadd.s32 v1, v22  }
0x78: {  	[tilespmem:$0xA50] =	vst v19  }
0x79: {  	[tilespmem:$0xA60] =	vst v4  }
0x7a: {  	[tilespmem:s19], [sflag:$0x1] =	stream.indirect_vreg.gather [hbm4b:s2+s3], $0x80, v21, vm0, $0xb8;
	[tilespmem:$0x10C80] =	vst v63  }
0x7b: {  	s29 =	simm.s32 $0x1480  }
0x7c: {  	[tilespmem:s29], [sflag:$0x1] =	stream.indirect_vreg.gather [hbm4b:s2+s3], $0x80, v23, vm0, $0xb8;
	[tilespmem:$0x10C80] =	vst v63  }
0x7d: {  	v3 =	vld [tilespmem:$0xA10];
	_ =	sdelay $0x4  }
0x7e: {  	v24 =	vshll.u32 v3, $0x1  }
0x7f: {  	v3 =	vand.u32 $0x7, v3;
	v4 =	vand.u32 $0xFFFFFFF0, v24  }
0x80: {  	v3 =	vor.u32 v3, v4  }
0x81: {  	v4 =	vperm.xlane v3, v0;
	_ =	sdelay $0x1  }
0x82: {  	v3 =	vperm.xlane v3, v2;
	v4 =	vadd.s32 v1, v4;
	_ =	sdelay $0x1  }
0x83: {  	v3 =	vadd.s32 v1, v3;
	_ =	sdelay $0x1  }
0x84: {  	s1 =	simm.s32 $0x1C80  }
0x85: {  	[tilespmem:s1], [sflag:$0x1] =	stream.indirect_vreg.gather [hbm4b:s2+s3], $0x80, v4, vm0, $0xb8;
	[tilespmem:$0x10C80] =	vst v63  }
0x86: {  	s28 =	simm.s32 $0x2480  }
0x87: {  	[tilespmem:s28], [sflag:$0x1] =	stream.indirect_vreg.gather [hbm4b:s2+s3], $0x80, v3, vm0, $0xb8;
	[tilespmem:$0x10C80] =	vst v63  }
0x88: {  	v3 =	vld [tilespmem:$0xA20];
	_ =	sdelay $0x4  }
0x89: {  	v25 =	vshll.u32 v3, $0x1  }
0x8a: {  	v3 =	vand.u32 $0x7, v3;
	v4 =	vand.u32 $0xFFFFFFF0, v25  }
0x8b: {  	v3 =	vor.u32 v3, v4  }
0x8c: {  	v4 =	vperm.xlane v3, v0;
	_ =	sdelay $0x1  }
0x8d: {  	v3 =	vperm.xlane v3, v2;
	v4 =	vadd.s32 v1, v4;
	_ =	sdelay $0x1  }
0x8e: {  	v3 =	vadd.s32 v1, v3;
	_ =	sdelay $0x1  }
0x8f: {  	s29 =	simm.s32 $0x2C80  }
0x90: {  	[tilespmem:s29], [sflag:$0x1] =	stream.indirect_vreg.gather [hbm4b:s2+s3], $0x80, v4, vm0, $0xb8;
	[tilespmem:$0x10C80] =	vst v63  }
0x91: {  	s1 =	simm.s32 $0x3480  }
0x92: {  	[tilespmem:s1], [sflag:$0x1] =	stream.indirect_vreg.gather [hbm4b:s2+s3], $0x80, v3, vm0, $0xb8;
	[tilespmem:$0x10C80] =	vst v63  }
0x93: {  	v3 =	vld [tilespmem:$0xA30];
	_ =	sdelay $0x4  }
0x94: {  	v26 =	vshll.u32 v3, $0x1  }
0x95: {  	v3 =	vand.u32 $0x7, v3;
	v4 =	vand.u32 $0xFFFFFFF0, v26  }
0x96: {  	v3 =	vor.u32 v3, v4  }
0x97: {  	v4 =	vperm.xlane v3, v0;
	_ =	sdelay $0x1  }
0x98: {  	v3 =	vperm.xlane v3, v2;
	v4 =	vadd.s32 v1, v4;
	_ =	sdelay $0x1  }
0x99: {  	v3 =	vadd.s32 v1, v3;
	_ =	sdelay $0x1  }
0x9a: {  	s28 =	simm.s32 $0x3C80  }
0x9b: {  	[tilespmem:s28], [sflag:$0x1] =	stream.indirect_vreg.gather [hbm4b:s2+s3], $0x80, v4, vm0, $0xb8;
	[tilespmem:$0x10C80] =	vst v63  }
0x9c: {  	s29 =	simm.s32 $0x4480  }
0x9d: {  	[tilespmem:s29], [sflag:$0x1] =	stream.indirect_vreg.gather [hbm4b:s2+s3], $0x80, v3, vm0, $0xb8;
	[tilespmem:$0x10C80] =	vst v63  }
0x9e: {  	v3 =	vld [tilespmem:$0xA40];
	_ =	sdelay $0x4  }
0x9f: {  	v27 =	vshll.u32 v3, $0x1  }
0xa0: {  	v3 =	vand.u32 $0x7, v3;
	v4 =	vand.u32 $0xFFFFFFF0, v27  }
0xa1: {  	v3 =	vor.u32 v3, v4  }
0xa2: {  	v4 =	vperm.xlane v3, v0;
	_ =	sdelay $0x1  }
0xa3: {  	v3 =	vperm.xlane v3, v2;
	v4 =	vadd.s32 v1, v4;
	_ =	sdelay $0x1  }
0xa4: {  	v3 =	vadd.s32 v1, v3;
	_ =	sdelay $0x1  }
0xa5: {  	s1 =	simm.s32 $0x4C80  }
0xa6: {  	[tilespmem:s1], [sflag:$0x1] =	stream.indirect_vreg.gather [hbm4b:s2+s3], $0x80, v4, vm0, $0xb8;
	[tilespmem:$0x10C80] =	vst v63  }
0xa7: {  	_ = 	snop  }
0xa8: {  	[tilespmem:s20], [sflag:$0x1] =	stream.indirect_vreg.gather [hbm4b:s2+s3], $0x80, v3, vm0, $0xb8;
	[tilespmem:$0x10C80] =	vst v63  }
0xa9: {  	v3 =	vld [tilespmem:$0xA50];
	_ =	sdelay $0x4  }
0xaa: {  	v28 =	vshll.u32 v3, $0x1  }
0xab: {  	v3 =	vand.u32 $0x7, v3;
	v4 =	vand.u32 $0xFFFFFFF0, v28  }
0xac: {  	v3 =	vor.u32 v3, v4  }
0xad: {  	v4 =	vperm.xlane v3, v0;
	_ =	sdelay $0x1  }
0xae: {  	v3 =	vperm.xlane v3, v2;
	v4 =	vadd.s32 v1, v4;
	_ =	sdelay $0x1  }
0xaf: {  	v3 =	vadd.s32 v1, v3;
	_ =	sdelay $0x2  }
0xb0: {  	[tilespmem:s21], [sflag:$0x1] =	stream.indirect_vreg.gather [hbm4b:s2+s3], $0x80, v4, vm0, $0xb8;
	[tilespmem:$0x10C80] =	vst v63  }
0xb1: {  	_ = 	snop  }
0xb2: {  	[tilespmem:s22], [sflag:$0x1] =	stream.indirect_vreg.gather [hbm4b:s2+s3], $0x80, v3, vm0, $0xb8;
	[tilespmem:$0x10C80] =	vst v63  }
0xb3: {  	v3 =	vld [tilespmem:$0xA60];
	_ =	sdelay $0x4  }
0xb4: {  	v29 =	vshll.u32 v3, $0x1  }
0xb5: {  	v3 =	vand.u32 $0x7, v3;
	v4 =	vand.u32 $0xFFFFFFF0, v29  }
0xb6: {  	v3 =	vor.u32 v3, v4  }
0xb7: {  	v4 =	vperm.xlane v3, v0;
	_ =	sdelay $0x1  }
0xb8: {  	v3 =	vperm.xlane v3, v2;
	v4 =	vadd.s32 v1, v4;
	_ =	sdelay $0x1  }
0xb9: {  	v3 =	vadd.s32 v1, v3;
	_ =	sdelay $0x2  }
0xba: {  	[tilespmem:s23], [sflag:$0x1] =	stream.indirect_vreg.gather [hbm4b:s2+s3], $0x80, v4, vm0, $0xb8;
	[tilespmem:$0x10C80] =	vst v63  }
0xbb: {  	_ = 	snop  }
0xbc: {  	[tilespmem:s24], [sflag:$0x1] =	stream.indirect_vreg.gather [hbm4b:s2+s3], $0x80, v3, vm0, $0xb8;
	[tilespmem:$0x10C80] =	vst v63  }
0xbd: {  	v3 =	vld [tilespmem:$0xA70];
	_ =	sdelay $0x4  }
0xbe: {  	v30 =	vshll.u32 v3, $0x1  }
0xbf: {  	v3 =	vand.u32 $0x7, v3;
	v4 =	vand.u32 $0xFFFFFFF0, v30  }
0xc0: {  	v3 =	vor.u32 v3, v4  }
0xc1: {  	v4 =	vperm.xlane v3, v0;
	_ =	sdelay $0x1  }
0xc2: {  	v3 =	vperm.xlane v3, v2;
	v4 =	vadd.s32 v1, v4;
	_ =	sdelay $0x1  }
0xc3: {  	v3 =	vadd.s32 v1, v3;
	_ =	sdelay $0x2  }
0xc4: {  	[tilespmem:s25], [sflag:$0x1] =	stream.indirect_vreg.gather [hbm4b:s2+s3], $0x80, v4, vm0, $0xb8;
	[tilespmem:$0x10C80] =	vst v63  }
0xc5: {  	_ = 	snop  }
0xc6: {  	[tilespmem:s26], [sflag:$0x1] =	stream.indirect_vreg.gather [hbm4b:s2+s3], $0x80, v3, vm0, $0xb8;
	[tilespmem:$0x10C80] =	vst v63  }
0xc7: {  	v3 =	vld [tilespmem:$0x80]  }
0xc8: {  	v4 =	vld [tilespmem:$0x580]  }
0xc9: {  	v5 =	vld [tilespmem:$0x300]  }
0xca: {  	v6 =	vld [tilespmem:$0x800]  }
0xcb: {  	v31 =	vld [tilespmem:$0x90]  }
0xcc: {  	v32 =	vld [tilespmem:$0x590]  }
0xcd: {  	v33 =	vld [tilespmem:$0x310]  }
0xce: {  	v34 =	vld [tilespmem:$0x810]  }
0xcf: {  	v37 =	vld [tilespmem:$0xA0]  }
0xd0: {  	v39 =	vld [tilespmem:$0x5A0]  }
0xd1: {  	v40 =	vld [tilespmem:$0x320]  }
0xd2: {  	v41 =	vld [tilespmem:$0x820]  }
0xd3: {  	v42 =	vld [tilespmem:$0xB0]  }
0xd4: {  	v43 =	vld [tilespmem:$0x5B0]  }
0xd5: {  	v44 =	vld [tilespmem:$0x330]  }
0xd6: {  	v45 =	vld [tilespmem:$0x830]  }
0xd7: {  	v49 =	vld [tilespmem:$0xC0]  }
0xd8: {  	v51 =	vld [tilespmem:$0x5C0]  }
0xd9: {  	v53 =	vld [tilespmem:$0x340]  }
0xda: {  	v54 =	vld [tilespmem:$0x840]  }
0xdb: {  	v55 =	vld [tilespmem:$0xD0]  }
0xdc: {  	v56 =	vld [tilespmem:$0x5D0]  }
0xdd: {  	v57 =	vld [tilespmem:$0x350]  }
0xde: {  	v58 =	vld [tilespmem:$0x850]  }
0xdf: {  	v62 =	vld [tilespmem:$0x360]  }
0xe0: {  	v63 =	vld [tilespmem:$0x860]  }
0xe1: {  	v22 =	vld [tilespmem:$0xF0];
	v3 =	vadd.f32 v4, v3;
	v35 =	vadd.f32 v6, v5  }
0xe2: {  	v23 =	vld [tilespmem:$0x5F0];
	v36 =	vadd.f32 v32, v31;
	v38 =	vadd.f32 v34, v33  }
0xe3: {  	v24 =	vld [tilespmem:$0x370];
	v6 =	vadd.f32 v39, v37;
	v48 =	vadd.f32 v41, v40  }
0xe4: {  	v26 =	vld [tilespmem:$0x870];
	v50 =	vadd.f32 v43, v42;
	v52 =	vadd.f32 v45, v44  }
0xe5: {  	v9 =	vadd.f32 v51, v49;
	v8 =	vadd.f32 v54, v53  }
0xe6: {  	v13 =	vadd.f32 v56, v55;
	v20 =	vadd.f32 v58, v57;
	v3 =	vmul.f32 $4.960000000e+02, v3  }
0xe7: {  	v25 =	vadd.f32 v63, v62;
	v4 =	vmul.f32 $1.550000000e+01, v35;
	v5 =	vmul.f32 $4.960000000e+02, v36  }
0xe8: {  	v30 =	vadd.f32 v23, v22;
	v7 =	vmul.f32 $1.550000000e+01, v38;
	v6 =	vmul.f32 $4.960000000e+02, v6  }
0xe9: {  	v31 =	vadd.f32 v26, v24;
	v10 =	vmul.f32 $4.960000000e+02, v50;
	v9 =	vmul.f32 $4.960000000e+02, v9  }
0xea: {  	v8 =	vmul.f32 $1.550000000e+01, v8;
	v3 =	vadd.f32 $4.026531840e+08, v3;
	v4 =	vadd.f32 $1.258291200e+07, v4  }
0xeb: {  	v21 =	vmul.f32 $4.960000000e+02, v13;
	v5 =	vadd.f32 $4.026531840e+08, v5;
	v7 =	vadd.f32 $1.258291200e+07, v7  }
0xec: {  	v12 =	vmul.f32 $1.550000000e+01, v25;
	v6 =	vadd.f32 $4.026531840e+08, v6;
	v10 =	vadd.f32 $4.026531840e+08, v10  }
0xed: {  	v13 =	vmul.f32 $1.550000000e+01, v31;
	v9 =	vadd.f32 $4.026531840e+08, v9;
	v18 =	vadd.f32 $1.258291200e+07, v8  }
0xee: {  	v11 =	vadd.f32 $4.026531840e+08, v21;
	v29 =	vadd.f32 $1.258291200e+07, v12  }
0xef: {  	v35 =	vadd.f32 $1.258291200e+07, v13;
	v3 =	vadd.f32 $-4.026531840e+08, v3  }
0xf0: {  	v4 =	vadd.f32 $-1.258291200e+07, v4;
	v5 =	vadd.f32 $-4.026531840e+08, v5  }
0xf1: {  	v59 =	vld [tilespmem:$0xE0];
	v12 =	vmul.f32 $4.960000000e+02, v30;
	v7 =	vadd.f32 $-1.258291200e+07, v7;
	v6 =	vadd.f32 $-4.026531840e+08, v6  }
0xf2: {  	v61 =	vld [tilespmem:$0x5E0];
	v10 =	vadd.f32 $-4.026531840e+08, v10;
	v19 =	vadd.f32 $-4.026531840e+08, v9  }
0xf3: {  	v9 =	vmul.f32 $1.550000000e+01, v20;
	v11 =	vadd.f32 $-4.026531840e+08, v11;
	v34 =	vadd.f32 $4.026531840e+08, v12  }
0xf4: {  	v12 =	vadd.f32 $-1.258291200e+07, v35;
	v3 =	vmax.f32 v3, $0.0e+00;
	v4 =	vmax.f32 v4, $0.0e+00  }
0xf5: {  	v46 =	vmax.f32 v5, $0.0e+00;
	v47 =	vmax.f32 v7, $0.0e+00;
	v7 =	vmul.f32 $1.550000000e+01, v48  }
0xf6: {  	v6 =	vmax.f32 v6, $0.0e+00;
	v60 =	vmax.f32 v10, $0.0e+00;
	v8 =	vmax.f32 v19, $0.0e+00  }
0xf7: {  	v10 =	vadd.f32 v61, v59;
	v9 =	vadd.f32 $1.258291200e+07, v9;
	v28 =	vmax.f32 v11, $0.0e+00  }
0xf8: {  	v11 =	vadd.f32 $-1.258291200e+07, v29;
	v38 =	vmax.f32 v12, $0.0e+00;
	v3 =	vmin.f32 v3, $9.920000000e+02  }
0xf9: {  	v4 =	vmin.f32 v4, $3.100000000e+01;
	v5 =	vmin.f32 v47, $3.100000000e+01;
	v6 =	vmin.f32 v6, $9.920000000e+02  }
0xfa: {  	v8 =	vmin.f32 v8, $9.920000000e+02;
	v3 =	vadd.f32 v4, v3;
	v4 =	vmin.f32 v46, $9.920000000e+02  }
0xfb: {  	v39 =	vmin.f32 v38, $3.100000000e+01;
	v4 =	vadd.f32 v5, v4;
	v5 =	vmul.f32 $1.550000000e+01, v52  }
0xfc: {  	v7 =	vadd.f32 $1.258291200e+07, v7;
	v10 =	vmul.f32 $4.960000000e+02, v10;
	v27 =	vadd.f32 $-1.258291200e+07, v9  }
0xfd: {  	v9 =	vmin.f32 v28, $9.920000000e+02;
	v33 =	vmax.f32 v11, $0.0e+00;
	v5 =	vadd.f32 $1.258291200e+07, v5  }
0xfe: {  	v11 =	vadd.f32 $-4.026531840e+08, v34;
	v3 =	vtrunc.f32 v3;
	v7 =	vadd.f32 $-1.258291200e+07, v7  }
0xff: {  	v10 =	vadd.f32 $4.026531840e+08, v10;
	v4 =	vtrunc.f32 v4;
	v5 =	vadd.f32 $-1.258291200e+07, v5  }
0x100: {  	v3 =	vcvt.f32.s32 v3;
	v4 =	vcvt.f32.s32 v4;
	v7 =	vmax.f32 v7, $0.0e+00  }
0x101: {  	v10 =	vadd.f32 $-4.026531840e+08, v10;
	v7 =	vmin.f32 v7, $3.100000000e+01;
	v5 =	vmax.f32 v5, $0.0e+00  }
0x102: {  	v6 =	vadd.f32 v7, v6;
	v7 =	vmin.f32 v60, $9.920000000e+02;
	v5 =	vmin.f32 v5, $3.100000000e+01  }
0x103: {  	v36 =	vshll.u32 v3, $0x1;
	v5 =	vadd.f32 v5, v7;
	v7 =	vadd.f32 $-1.258291200e+07, v18  }
0x104: {  	v37 =	vand.u32 $0x7, v3;
	[tilespmem:$0xA80] =	vst v3;
	v3 =	vmax.f32 v11, $0.0e+00;
	v32 =	vmax.f32 v10, $0.0e+00  }
0x105: {  	v10 =	vmin.f32 v33, $3.100000000e+01;
	v3 =	vmin.f32 v3, $9.920000000e+02;
	v7 =	vmax.f32 v7, $0.0e+00  }
0x106: {  	v13 =	vand.u32 $0xFFFFFFF0, v36;
	v3 =	vadd.f32 v39, v3;
	v7 =	vmin.f32 v7, $3.100000000e+01  }
0x107: {  	v6 =	vtrunc.f32 v6;
	v7 =	vadd.f32 v7, v8;
	v8 =	vmax.f32 v27, $0.0e+00  }
0x108: {  	v6 =	vcvt.f32.s32 v6;
	v3 =	vtrunc.f32 v3;
	v8 =	vmin.f32 v8, $3.100000000e+01  }
0x109: {  	v3 =	vcvt.f32.s32 v3;
	v8 =	vadd.f32 v8, v9;
	v9 =	vmin.f32 v32, $9.920000000e+02  }
0x10a: {  	v5 =	vtrunc.f32 v5;
	v9 =	vadd.f32 v10, v9;
	v10 =	vor.u32 v37, v13  }
0x10b: {  	[tilespmem:$0xA90] =	vst v4;
	v7 =	vtrunc.f32 v7;
	v40 =	vperm.xlane v10, v0  }
0x10c: {  	[tilespmem:$0xAA0] =	vst v6;
	v5 =	vcvt.f32.s32 v5;
	v41 =	vcvt.f32.s32 v7  }
0x10d: {  	[tilespmem:$0xAF0] =	vst v3;
	v8 =	vtrunc.f32 v8;
	v45 =	vperm.xlane v10, v2;
	v44 =	vadd.s32 v1, v40  }
0x10e: {  	[tilespmem:$0xAB0] =	vst v5;
	v42 =	vcvt.f32.s32 v8;
	v43 =	vtrunc.f32 v9  }
0x10f: {  	[tilespmem:$0xAC0] =	vst v41;
	v4 =	vcvt.f32.s32 v43;
	v46 =	vadd.s32 v1, v45  }
0x110: {  	[tilespmem:$0xAD0] =	vst v42  }
0x111: {  	[tilespmem:$0xAE0] =	vst v4  }
0x112: {  	[tilespmem:s10], [sflag:$0x2] =	stream.indirect_vreg.gather [hbm4b:s2+s3], $0x80, v44, vm0, $0xb8;
	[tilespmem:$0x10C80] =	vst v63  }
0x113: {  	s1 =	simm.s32 $0x9480  }
0x114: {  	[tilespmem:s1], [sflag:$0x2] =	stream.indirect_vreg.gather [hbm4b:s2+s3], $0x80, v46, vm0, $0xb8;
	[tilespmem:$0x10C80] =	vst v63  }
0x115: {  	v3 =	vld [tilespmem:$0xA90];
	_ =	sdelay $0x4  }
0x116: {  	v47 =	vshll.u32 v3, $0x1  }
0x117: {  	v3 =	vand.u32 $0x7, v3;
	v4 =	vand.u32 $0xFFFFFFF0, v47  }
0x118: {  	v3 =	vor.u32 v3, v4  }
0x119: {  	v4 =	vperm.xlane v3, v0;
	_ =	sdelay $0x1  }
0x11a: {  	v3 =	vperm.xlane v3, v2;
	v4 =	vadd.s32 v1, v4;
	_ =	sdelay $0x1  }
0x11b: {  	v3 =	vadd.s32 v1, v3;
	_ =	sdelay $0x1  }
0x11c: {  	s28 =	simm.s32 $0x9C80  }
0x11d: {  	[tilespmem:s28], [sflag:$0x2] =	stream.indirect_vreg.gather [hbm4b:s2+s3], $0x80, v4, vm0, $0xb8;
	[tilespmem:$0x10C80] =	vst v63  }
0x11e: {  	s29 =	simm.s32 $0xA480  }
0x11f: {  	[tilespmem:s29], [sflag:$0x2] =	stream.indirect_vreg.gather [hbm4b:s2+s3], $0x80, v3, vm0, $0xb8;
	[tilespmem:$0x10C80] =	vst v63  }
0x120: {  	v3 =	vld [tilespmem:$0xAA0];
	_ =	sdelay $0x4  }
0x121: {  	v48 =	vshll.u32 v3, $0x1  }
0x122: {  	v3 =	vand.u32 $0x7, v3;
	v4 =	vand.u32 $0xFFFFFFF0, v48  }
0x123: {  	v3 =	vor.u32 v3, v4  }
0x124: {  	v4 =	vperm.xlane v3, v0;
	_ =	sdelay $0x1  }
0x125: {  	v3 =	vperm.xlane v3, v2;
	v4 =	vadd.s32 v1, v4;
	_ =	sdelay $0x1  }
0x126: {  	v3 =	vadd.s32 v1, v3;
	_ =	sdelay $0x2  }
0x127: {  	[tilespmem:s30], [sflag:$0x2] =	stream.indirect_vreg.gather [hbm4b:s2+s3], $0x80, v4, vm0, $0xb8;
	[tilespmem:$0x10C80] =	vst v63  }
0x128: {  	_ = 	snop  }
0x129: {  	[tilespmem:s4], [sflag:$0x2] =	stream.indirect_vreg.gather [hbm4b:s2+s3], $0x80, v3, vm0, $0xb8;
	[tilespmem:$0x10C80] =	vst v63  }
0x12a: {  	v3 =	vld [tilespmem:$0xAB0];
	_ =	sdelay $0x4  }
0x12b: {  	v49 =	vshll.u32 v3, $0x1  }
0x12c: {  	v3 =	vand.u32 $0x7, v3;
	v4 =	vand.u32 $0xFFFFFFF0, v49  }
0x12d: {  	v3 =	vor.u32 v3, v4  }
0x12e: {  	v4 =	vperm.xlane v3, v0;
	_ =	sdelay $0x1  }
0x12f: {  	v3 =	vperm.xlane v3, v2;
	v4 =	vadd.s32 v1, v4;
	_ =	sdelay $0x1  }
0x130: {  	v3 =	vadd.s32 v1, v3;
	_ =	sdelay $0x2  }
0x131: {  	[tilespmem:s8], [sflag:$0x2] =	stream.indirect_vreg.gather [hbm4b:s2+s3], $0x80, v4, vm0, $0xb8;
	[tilespmem:$0x10C80] =	vst v63  }
0x132: {  	_ = 	snop  }
0x133: {  	[tilespmem:s9], [sflag:$0x2] =	stream.indirect_vreg.gather [hbm4b:s2+s3], $0x80, v3, vm0, $0xb8;
	[tilespmem:$0x10C80] =	vst v63  }
0x134: {  	v3 =	vld [tilespmem:$0xAC0];
	_ =	sdelay $0x4  }
0x135: {  	v50 =	vshll.u32 v3, $0x1  }
0x136: {  	v3 =	vand.u32 $0x7, v3;
	v4 =	vand.u32 $0xFFFFFFF0, v50  }
0x137: {  	v3 =	vor.u32 v3, v4  }
0x138: {  	v4 =	vperm.xlane v3, v0;
	_ =	sdelay $0x1  }
0x139: {  	v3 =	vperm.xlane v3, v2;
	v4 =	vadd.s32 v1, v4;
	_ =	sdelay $0x1  }
0x13a: {  	v3 =	vadd.s32 v1, v3;
	_ =	sdelay $0x2  }
0x13b: {  	[tilespmem:s11], [sflag:$0x2] =	stream.indirect_vreg.gather [hbm4b:s2+s3], $0x80, v4, vm0, $0xb8;
	[tilespmem:$0x10C80] =	vst v63  }
0x13c: {  	_ = 	snop  }
0x13d: {  	[tilespmem:s12], [sflag:$0x2] =	stream.indirect_vreg.gather [hbm4b:s2+s3], $0x80, v3, vm0, $0xb8;
	[tilespmem:$0x10C80] =	vst v63  }
0x13e: {  	v3 =	vld [tilespmem:$0xAD0];
	_ =	sdelay $0x4  }
0x13f: {  	v51 =	vshll.u32 v3, $0x1  }
0x140: {  	v3 =	vand.u32 $0x7, v3;
	v4 =	vand.u32 $0xFFFFFFF0, v51  }
0x141: {  	v3 =	vor.u32 v3, v4  }
0x142: {  	v4 =	vperm.xlane v3, v0;
	_ =	sdelay $0x1  }
0x143: {  	v3 =	vperm.xlane v3, v2;
	v4 =	vadd.s32 v1, v4;
	_ =	sdelay $0x1  }
0x144: {  	v3 =	vadd.s32 v1, v3;
	_ =	sdelay $0x2  }
0x145: {  	[tilespmem:s13], [sflag:$0x2] =	stream.indirect_vreg.gather [hbm4b:s2+s3], $0x80, v4, vm0, $0xb8;
	[tilespmem:$0x10C80] =	vst v63  }
0x146: {  	_ = 	snop  }
0x147: {  	[tilespmem:s14], [sflag:$0x2] =	stream.indirect_vreg.gather [hbm4b:s2+s3], $0x80, v3, vm0, $0xb8;
	[tilespmem:$0x10C80] =	vst v63  }
0x148: {  	v3 =	vld [tilespmem:$0xAE0];
	_ =	sdelay $0x4  }
0x149: {  	v52 =	vshll.u32 v3, $0x1  }
0x14a: {  	v3 =	vand.u32 $0x7, v3;
	v4 =	vand.u32 $0xFFFFFFF0, v52  }
0x14b: {  	v3 =	vor.u32 v3, v4  }
0x14c: {  	v4 =	vperm.xlane v3, v0;
	_ =	sdelay $0x1  }
0x14d: {  	v3 =	vperm.xlane v3, v2;
	v4 =	vadd.s32 v1, v4;
	_ =	sdelay $0x1  }
0x14e: {  	v3 =	vadd.s32 v1, v3;
	_ =	sdelay $0x2  }
0x14f: {  	[tilespmem:s15], [sflag:$0x2] =	stream.indirect_vreg.gather [hbm4b:s2+s3], $0x80, v4, vm0, $0xb8;
	[tilespmem:$0x10C80] =	vst v63  }
0x150: {  	_ = 	snop  }
0x151: {  	[tilespmem:s16], [sflag:$0x2] =	stream.indirect_vreg.gather [hbm4b:s2+s3], $0x80, v3, vm0, $0xb8;
	[tilespmem:$0x10C80] =	vst v63  }
0x152: {  	v3 =	vld [tilespmem:$0xAF0];
	_ =	sdelay $0x4  }
0x153: {  	v53 =	vshll.u32 v3, $0x1  }
0x154: {  	v3 =	vand.u32 $0x7, v3;
	v4 =	vand.u32 $0xFFFFFFF0, v53  }
0x155: {  	v3 =	vor.u32 v3, v4  }
0x156: {  	v4 =	vperm.xlane v3, v0;
	_ =	sdelay $0x1  }
0x157: {  	v3 =	vperm.xlane v3, v2;
	v4 =	vadd.s32 v1, v4;
	_ =	sdelay $0x1  }
0x158: {  	v3 =	vadd.s32 v1, v3;
	_ =	sdelay $0x2  }
0x159: {  	[tilespmem:s17], [sflag:$0x2] =	stream.indirect_vreg.gather [hbm4b:s2+s3], $0x80, v4, vm0, $0xb8;
	[tilespmem:$0x10C80] =	vst v63  }
0x15a: {  	_ = 	snop  }
0x15b: {  	[tilespmem:s18], [sflag:$0x2] =	stream.indirect_vreg.gather [hbm4b:s2+s3], $0x80, v3, vm0, $0xb8;
	[tilespmem:$0x10C80] =	vst v63  }
0x15c: {  	_ =	swait.ge [sflag:s6], $0x8000  }
0x15d: {  	[sflag:s6] =	ssyncset.done $0x0  }
0x15e: {  	s0 =	rddreg [dreg:$0x6];
	[sflag:s6] =	ssyncadd.s32 $0xFFFF8000  }
0x15f: {  	[hbm4b:s0+s3] =	stream.linear.scatter [tilespmem:s19], [sflag:$0x5], $0x8000, $0x38;
	[tilespmem:$0x10C80] =	vst v63  }
0x160: {  	_ =	swait.ge [sflag:s31], $0x8000  }
0x161: {  	[sflag:s31] =	ssyncset.done $0x0  }
0x162: {  	[sflag:s31] =	ssyncadd.s32 $0xFFFF8000  }
0x163: {  	v3 =	vld [tilespmem:$0x100]  }
0x164: {  	v54 =	vld [tilespmem:$0x600]  }
0x165: {  	v55 =	vld [tilespmem:$0x380]  }
0x166: {  	v56 =	vld [tilespmem:$0x880]  }
0x167: {  	v57 =	vld [tilespmem:$0x110]  }
0x168: {  	v58 =	vld [tilespmem:$0x610]  }
0x169: {  	v59 =	vld [tilespmem:$0x390]  }
0x16a: {  	v60 =	vld [tilespmem:$0x890]  }
0x16b: {  	v63 =	vld [tilespmem:$0x120]  }
0x16c: {  	v17 =	vld [tilespmem:$0x620]  }
0x16d: {  	v18 =	vld [tilespmem:$0x3A0]  }
0x16e: {  	v19 =	vld [tilespmem:$0x8A0]  }
0x16f: {  	v20 =	vld [tilespmem:$0x130]  }
0x170: {  	v21 =	vld [tilespmem:$0x630]  }
0x171: {  	v22 =	vld [tilespmem:$0x3B0]  }
0x172: {  	v23 =	vld [tilespmem:$0x8B0]  }
0x173: {  	v27 =	vld [tilespmem:$0x140]  }
0x174: {  	v29 =	vld [tilespmem:$0x640]  }
0x175: {  	v31 =	vld [tilespmem:$0x3C0]  }
0x176: {  	v32 =	vld [tilespmem:$0x8C0]  }
0x177: {  	v33 =	vld [tilespmem:$0x150]  }
0x178: {  	v34 =	vld [tilespmem:$0x650]  }
0x179: {  	v35 =	vld [tilespmem:$0x3D0]  }
0x17a: {  	v36 =	vld [tilespmem:$0x8D0]  }
0x17b: {  	v40 =	vld [tilespmem:$0x3E0]  }
0x17c: {  	v41 =	vld [tilespmem:$0x8E0]  }
0x17d: {  	v46 =	vld [tilespmem:$0x170];
	v3 =	vadd.f32 v54, v3;
	v61 =	vadd.f32 v56, v55  }
0x17e: {  	v47 =	vld [tilespmem:$0x670];
	v62 =	vadd.f32 v58, v57;
	v16 =	vadd.f32 v60, v59  }
0x17f: {  	v48 =	vld [tilespmem:$0x3F0];
	v6 =	vadd.f32 v17, v63;
	v26 =	vadd.f32 v19, v18  }
0x180: {  	v50 =	vld [tilespmem:$0x8F0];
	v28 =	vadd.f32 v21, v20;
	v30 =	vadd.f32 v23, v22  }
0x181: {  	v9 =	vadd.f32 v29, v27;
	v8 =	vadd.f32 v32, v31  }
0x182: {  	v13 =	vadd.f32 v34, v33;
	v44 =	vadd.f32 v36, v35;
	v3 =	vmul.f32 $4.960000000e+02, v3  }
0x183: {  	v49 =	vadd.f32 v41, v40;
	v4 =	vmul.f32 $1.550000000e+01, v61;
	v5 =	vmul.f32 $4.960000000e+02, v62  }
0x184: {  	v54 =	vadd.f32 v47, v46;
	v7 =	vmul.f32 $1.550000000e+01, v16;
	v6 =	vmul.f32 $4.960000000e+02, v6  }
0x185: {  	v55 =	vadd.f32 v50, v48;
	v10 =	vmul.f32 $4.960000000e+02, v28;
	v9 =	vmul.f32 $4.960000000e+02, v9  }
0x186: {  	v8 =	vmul.f32 $1.550000000e+01, v8;
	v3 =	vadd.f32 $4.026531840e+08, v3;
	v4 =	vadd.f32 $1.258291200e+07, v4  }
0x187: {  	v45 =	vmul.f32 $4.960000000e+02, v13;
	v5 =	vadd.f32 $4.026531840e+08, v5;
	v7 =	vadd.f32 $1.258291200e+07, v7  }
0x188: {  	v12 =	vmul.f32 $1.550000000e+01, v49;
	v6 =	vadd.f32 $4.026531840e+08, v6;
	v10 =	vadd.f32 $4.026531840e+08, v10  }
0x189: {  	v13 =	vmul.f32 $1.550000000e+01, v55;
	v9 =	vadd.f32 $4.026531840e+08, v9;
	v42 =	vadd.f32 $1.258291200e+07, v8  }
0x18a: {  	v11 =	vadd.f32 $4.026531840e+08, v45;
	v53 =	vadd.f32 $1.258291200e+07, v12  }
0x18b: {  	v59 =	vadd.f32 $1.258291200e+07, v13;
	v3 =	vadd.f32 $-4.026531840e+08, v3  }
0x18c: {  	v4 =	vadd.f32 $-1.258291200e+07, v4;
	v5 =	vadd.f32 $-4.026531840e+08, v5  }
0x18d: {  	v37 =	vld [tilespmem:$0x160];
	v12 =	vmul.f32 $4.960000000e+02, v54;
	v7 =	vadd.f32 $-1.258291200e+07, v7;
	v6 =	vadd.f32 $-4.026531840e+08, v6  }
0x18e: {  	v39 =	vld [tilespmem:$0x660];
	v10 =	vadd.f32 $-4.026531840e+08, v10;
	v43 =	vadd.f32 $-4.026531840e+08, v9  }
0x18f: {  	v9 =	vmul.f32 $1.550000000e+01, v44;
	v11 =	vadd.f32 $-4.026531840e+08, v11;
	v58 =	vadd.f32 $4.026531840e+08, v12  }
0x190: {  	v12 =	vadd.f32 $-1.258291200e+07, v59;
	v3 =	vmax.f32 v3, $0.0e+00;
	v4 =	vmax.f32 v4, $0.0e+00  }
0x191: {  	v24 =	vmax.f32 v5, $0.0e+00;
	v25 =	vmax.f32 v7, $0.0e+00;
	v7 =	vmul.f32 $1.550000000e+01, v26  }
0x192: {  	v6 =	vmax.f32 v6, $0.0e+00;
	v38 =	vmax.f32 v10, $0.0e+00;
	v8 =	vmax.f32 v43, $0.0e+00  }
0x193: {  	v10 =	vadd.f32 v39, v37;
	v9 =	vadd.f32 $1.258291200e+07, v9;
	v52 =	vmax.f32 v11, $0.0e+00  }
0x194: {  	v11 =	vadd.f32 $-1.258291200e+07, v53;
	v62 =	vmax.f32 v12, $0.0e+00;
	v3 =	vmin.f32 v3, $9.920000000e+02  }
0x195: {  	v4 =	vmin.f32 v4, $3.100000000e+01;
	v5 =	vmin.f32 v25, $3.100000000e+01;
	v6 =	vmin.f32 v6, $9.920000000e+02  }
0x196: {  	v8 =	vmin.f32 v8, $9.920000000e+02;
	v3 =	vadd.f32 v4, v3;
	v4 =	vmin.f32 v24, $9.920000000e+02  }
0x197: {  	v63 =	vmin.f32 v62, $3.100000000e+01;
	v4 =	vadd.f32 v5, v4;
	v5 =	vmul.f32 $1.550000000e+01, v30  }
0x198: {  	v7 =	vadd.f32 $1.258291200e+07, v7;
	v10 =	vmul.f32 $4.960000000e+02, v10;
	v51 =	vadd.f32 $-1.258291200e+07, v9  }
0x199: {  	v9 =	vmin.f32 v52, $9.920000000e+02;
	v57 =	vmax.f32 v11, $0.0e+00;
	v5 =	vadd.f32 $1.258291200e+07, v5  }
0x19a: {  	v11 =	vadd.f32 $-4.026531840e+08, v58;
	v3 =	vtrunc.f32 v3;
	v7 =	vadd.f32 $-1.258291200e+07, v7  }
0x19b: {  	v10 =	vadd.f32 $4.026531840e+08, v10;
	v4 =	vtrunc.f32 v4;
	v5 =	vadd.f32 $-1.258291200e+07, v5  }
0x19c: {  	v3 =	vcvt.f32.s32 v3;
	v4 =	vcvt.f32.s32 v4;
	v7 =	vmax.f32 v7, $0.0e+00  }
0x19d: {  	v10 =	vadd.f32 $-4.026531840e+08, v10;
	v7 =	vmin.f32 v7, $3.100000000e+01;
	v5 =	vmax.f32 v5, $0.0e+00  }
0x19e: {  	v6 =	vadd.f32 v7, v6;
	v7 =	vmin.f32 v38, $9.920000000e+02;
	v5 =	vmin.f32 v5, $3.100000000e+01  }
0x19f: {  	v60 =	vshll.u32 v3, $0x1;
	v5 =	vadd.f32 v5, v7;
	v7 =	vadd.f32 $-1.258291200e+07, v42  }
0x1a0: {  	v61 =	vand.u32 $0x7, v3;
	[tilespmem:$0xB00] =	vst v3;
	v3 =	vmax.f32 v11, $0.0e+00;
	v56 =	vmax.f32 v10, $0.0e+00  }
0x1a1: {  	v10 =	vmin.f32 v57, $3.100000000e+01;
	v3 =	vmin.f32 v3, $9.920000000e+02;
	v7 =	vmax.f32 v7, $0.0e+00  }
0x1a2: {  	v13 =	vand.u32 $0xFFFFFFF0, v60;
	v3 =	vadd.f32 v63, v3;
	v7 =	vmin.f32 v7, $3.100000000e+01  }
0x1a3: {  	v6 =	vtrunc.f32 v6;
	v7 =	vadd.f32 v7, v8;
	v8 =	vmax.f32 v51, $0.0e+00  }
0x1a4: {  	v6 =	vcvt.f32.s32 v6;
	v3 =	vtrunc.f32 v3;
	v8 =	vmin.f32 v8, $3.100000000e+01  }
0x1a5: {  	v3 =	vcvt.f32.s32 v3;
	v8 =	vadd.f32 v8, v9;
	v9 =	vmin.f32 v56, $9.920000000e+02  }
0x1a6: {  	v5 =	vtrunc.f32 v5;
	v9 =	vadd.f32 v10, v9;
	v10 =	vor.u32 v61, v13  }
0x1a7: {  	[tilespmem:$0xB10] =	vst v4;
	v7 =	vtrunc.f32 v7;
	v12 =	vperm.xlane v10, v0  }
0x1a8: {  	[tilespmem:$0xB20] =	vst v6;
	v5 =	vcvt.f32.s32 v5;
	v13 =	vcvt.f32.s32 v7  }
0x1a9: {  	[tilespmem:$0xB70] =	vst v3;
	v8 =	vtrunc.f32 v8;
	v17 =	vperm.xlane v10, v2;
	v16 =	vadd.s32 v1, v12  }
0x1aa: {  	[tilespmem:$0xB30] =	vst v5;
	v14 =	vcvt.f32.s32 v8;
	v15 =	vtrunc.f32 v9  }
0x1ab: {  	[tilespmem:$0xB40] =	vst v13;
	v4 =	vcvt.f32.s32 v15;
	v18 =	vadd.s32 v1, v17  }
0x1ac: {  	[tilespmem:$0xB50] =	vst v14  }
0x1ad: {  	[tilespmem:$0xB60] =	vst v4  }
0x1ae: {  	[tilespmem:s19], [sflag:$0x1] =	stream.indirect_vreg.gather [hbm4b:s2+s3], $0x80, v16, vm0, $0xb8;
	[tilespmem:$0x10C80] =	vst v63  }
0x1af: {  	s0 =	simm.s32 $0x1480  }
0x1b0: {  	[tilespmem:s0], [sflag:$0x1] =	stream.indirect_vreg.gather [hbm4b:s2+s3], $0x80, v18, vm0, $0xb8;
	[tilespmem:$0x10C80] =	vst v63  }
0x1b1: {  	v3 =	vld [tilespmem:$0xB10];
	_ =	sdelay $0x4  }
0x1b2: {  	v19 =	vshll.u32 v3, $0x1  }
0x1b3: {  	v3 =	vand.u32 $0x7, v3;
	v4 =	vand.u32 $0xFFFFFFF0, v19  }
0x1b4: {  	v3 =	vor.u32 v3, v4  }
0x1b5: {  	v4 =	vperm.xlane v3, v0;
	_ =	sdelay $0x1  }
0x1b6: {  	v3 =	vperm.xlane v3, v2;
	v4 =	vadd.s32 v1, v4;
	_ =	sdelay $0x1  }
0x1b7: {  	v3 =	vadd.s32 v1, v3;
	_ =	sdelay $0x1  }
0x1b8: {  	s0 =	simm.s32 $0x1C80  }
0x1b9: {  	[tilespmem:s0], [sflag:$0x1] =	stream.indirect_vreg.gather [hbm4b:s2+s3], $0x80, v4, vm0, $0xb8;
	[tilespmem:$0x10C80] =	vst v63  }
0x1ba: {  	s0 =	simm.s32 $0x2480  }
0x1bb: {  	[tilespmem:s0], [sflag:$0x1] =	stream.indirect_vreg.gather [hbm4b:s2+s3], $0x80, v3, vm0, $0xb8;
	[tilespmem:$0x10C80] =	vst v63  }
0x1bc: {  	v3 =	vld [tilespmem:$0xB20];
	_ =	sdelay $0x4  }
0x1bd: {  	v20 =	vshll.u32 v3, $0x1  }
0x1be: {  	v3 =	vand.u32 $0x7, v3;
	v4 =	vand.u32 $0xFFFFFFF0, v20  }
0x1bf: {  	v3 =	vor.u32 v3, v4  }
0x1c0: {  	v4 =	vperm.xlane v3, v0;
	_ =	sdelay $0x1  }
0x1c1: {  	v3 =	vperm.xlane v3, v2;
	v4 =	vadd.s32 v1, v4;
	_ =	sdelay $0x1  }
0x1c2: {  	v3 =	vadd.s32 v1, v3;
	_ =	sdelay $0x1  }
0x1c3: {  	s0 =	simm.s32 $0x2C80  }
0x1c4: {  	[tilespmem:s0], [sflag:$0x1] =	stream.indirect_vreg.gather [hbm4b:s2+s3], $0x80, v4, vm0, $0xb8;
	[tilespmem:$0x10C80] =	vst v63  }
0x1c5: {  	s0 =	simm.s32 $0x3480  }
0x1c6: {  	[tilespmem:s0], [sflag:$0x1] =	stream.indirect_vreg.gather [hbm4b:s2+s3], $0x80, v3, vm0, $0xb8;
	[tilespmem:$0x10C80] =	vst v63  }
0x1c7: {  	v3 =	vld [tilespmem:$0xB30];
	_ =	sdelay $0x4  }
0x1c8: {  	v21 =	vshll.u32 v3, $0x1  }
0x1c9: {  	v3 =	vand.u32 $0x7, v3;
	v4 =	vand.u32 $0xFFFFFFF0, v21  }
0x1ca: {  	v3 =	vor.u32 v3, v4  }
0x1cb: {  	v4 =	vperm.xlane v3, v0;
	_ =	sdelay $0x1  }
0x1cc: {  	v3 =	vperm.xlane v3, v2;
	v4 =	vadd.s32 v1, v4;
	_ =	sdelay $0x1  }
0x1cd: {  	v3 =	vadd.s32 v1, v3;
	_ =	sdelay $0x1  }
0x1ce: {  	s0 =	simm.s32 $0x3C80  }
0x1cf: {  	[tilespmem:s0], [sflag:$0x1] =	stream.indirect_vreg.gather [hbm4b:s2+s3], $0x80, v4, vm0, $0xb8;
	[tilespmem:$0x10C80] =	vst v63  }
0x1d0: {  	s0 =	simm.s32 $0x4480  }
0x1d1: {  	[tilespmem:s0], [sflag:$0x1] =	stream.indirect_vreg.gather [hbm4b:s2+s3], $0x80, v3, vm0, $0xb8;
	[tilespmem:$0x10C80] =	vst v63  }
0x1d2: {  	v3 =	vld [tilespmem:$0xB40];
	_ =	sdelay $0x4  }
0x1d3: {  	v22 =	vshll.u32 v3, $0x1  }
0x1d4: {  	v3 =	vand.u32 $0x7, v3;
	v4 =	vand.u32 $0xFFFFFFF0, v22  }
0x1d5: {  	v3 =	vor.u32 v3, v4  }
0x1d6: {  	v4 =	vperm.xlane v3, v0;
	_ =	sdelay $0x1  }
0x1d7: {  	v3 =	vperm.xlane v3, v2;
	v4 =	vadd.s32 v1, v4;
	_ =	sdelay $0x1  }
0x1d8: {  	v3 =	vadd.s32 v1, v3;
	_ =	sdelay $0x1  }
0x1d9: {  	s0 =	simm.s32 $0x4C80  }
0x1da: {  	[tilespmem:s0], [sflag:$0x1] =	stream.indirect_vreg.gather [hbm4b:s2+s3], $0x80, v4, vm0, $0xb8;
	[tilespmem:$0x10C80] =	vst v63  }
0x1db: {  	_ = 	snop  }
0x1dc: {  	[tilespmem:s20], [sflag:$0x1] =	stream.indirect_vreg.gather [hbm4b:s2+s3], $0x80, v3, vm0, $0xb8;
	[tilespmem:$0x10C80] =	vst v63  }
0x1dd: {  	v3 =	vld [tilespmem:$0xB50];
	_ =	sdelay $0x4  }
0x1de: {  	v23 =	vshll.u32 v3, $0x1  }
0x1df: {  	v3 =	vand.u32 $0x7, v3;
	v4 =	vand.u32 $0xFFFFFFF0, v23  }
0x1e0: {  	v3 =	vor.u32 v3, v4  }
0x1e1: {  	v4 =	vperm.xlane v3, v0;
	_ =	sdelay $0x1  }
0x1e2: {  	v3 =	vperm.xlane v3, v2;
	v4 =	vadd.s32 v1, v4;
	_ =	sdelay $0x1  }
0x1e3: {  	v3 =	vadd.s32 v1, v3;
	_ =	sdelay $0x2  }
0x1e4: {  	[tilespmem:s21], [sflag:$0x1] =	stream.indirect_vreg.gather [hbm4b:s2+s3], $0x80, v4, vm0, $0xb8;
	[tilespmem:$0x10C80] =	vst v63  }
0x1e5: {  	_ = 	snop  }
0x1e6: {  	[tilespmem:s22], [sflag:$0x1] =	stream.indirect_vreg.gather [hbm4b:s2+s3], $0x80, v3, vm0, $0xb8;
	[tilespmem:$0x10C80] =	vst v63  }
0x1e7: {  	v3 =	vld [tilespmem:$0xB60];
	_ =	sdelay $0x4  }
0x1e8: {  	v24 =	vshll.u32 v3, $0x1  }
0x1e9: {  	v3 =	vand.u32 $0x7, v3;
	v4 =	vand.u32 $0xFFFFFFF0, v24  }
0x1ea: {  	v3 =	vor.u32 v3, v4  }
0x1eb: {  	v4 =	vperm.xlane v3, v0;
	_ =	sdelay $0x1  }
0x1ec: {  	v3 =	vperm.xlane v3, v2;
	v4 =	vadd.s32 v1, v4;
	_ =	sdelay $0x1  }
0x1ed: {  	v3 =	vadd.s32 v1, v3;
	_ =	sdelay $0x2  }
0x1ee: {  	[tilespmem:s23], [sflag:$0x1] =	stream.indirect_vreg.gather [hbm4b:s2+s3], $0x80, v4, vm0, $0xb8;
	[tilespmem:$0x10C80] =	vst v63  }
0x1ef: {  	_ = 	snop  }
0x1f0: {  	[tilespmem:s24], [sflag:$0x1] =	stream.indirect_vreg.gather [hbm4b:s2+s3], $0x80, v3, vm0, $0xb8;
	[tilespmem:$0x10C80] =	vst v63  }
0x1f1: {  	v3 =	vld [tilespmem:$0xB70];
	_ =	sdelay $0x4  }
0x1f2: {  	v25 =	vshll.u32 v3, $0x1  }
0x1f3: {  	v3 =	vand.u32 $0x7, v3;
	v4 =	vand.u32 $0xFFFFFFF0, v25  }
0x1f4: {  	v3 =	vor.u32 v3, v4  }
0x1f5: {  	v4 =	vperm.xlane v3, v0;
	_ =	sdelay $0x1  }
0x1f6: {  	v3 =	vperm.xlane v3, v2;
	v4 =	vadd.s32 v1, v4;
	_ =	sdelay $0x1  }
0x1f7: {  	v3 =	vadd.s32 v1, v3;
	_ =	sdelay $0x2  }
0x1f8: {  	[tilespmem:s25], [sflag:$0x1] =	stream.indirect_vreg.gather [hbm4b:s2+s3], $0x80, v4, vm0, $0xb8;
	[tilespmem:$0x10C80] =	vst v63  }
0x1f9: {  	_ = 	snop  }
0x1fa: {  	[tilespmem:s26], [sflag:$0x1] =	stream.indirect_vreg.gather [hbm4b:s2+s3], $0x80, v3, vm0, $0xb8;
	[tilespmem:$0x10C80] =	vst v63  }
0x1fb: {  	_ =	swait.ge [sflag:s7], $0x8000  }
0x1fc: {  	[sflag:s7] =	ssyncset.done $0x0  }
0x1fd: {  	s0 =	rddreg [dreg:$0x7];
	[sflag:s7] =	ssyncadd.s32 $0xFFFF8000  }
0x1fe: {  	[hbm4b:s0+s3] =	stream.linear.scatter [tilespmem:s10], [sflag:$0x5], $0x8000, $0x38;
	[tilespmem:$0x10C80] =	vst v63  }
0x1ff: {  	_ =	swait.ge [sflag:s31], $0x8000  }
0x200: {  	[sflag:s31] =	ssyncset.done $0x0  }
0x201: {  	[sflag:s31] =	ssyncadd.s32 $0xFFFF8000  }
0x202: {  	v3 =	vld [tilespmem:$0x180]  }
0x203: {  	v26 =	vld [tilespmem:$0x680]  }
0x204: {  	v27 =	vld [tilespmem:$0x400]  }
0x205: {  	v28 =	vld [tilespmem:$0x900]  }
0x206: {  	v29 =	vld [tilespmem:$0x190]  }
0x207: {  	v30 =	vld [tilespmem:$0x690]  }
0x208: {  	v31 =	vld [tilespmem:$0x410]  }
0x209: {  	v32 =	vld [tilespmem:$0x910]  }
0x20a: {  	v35 =	vld [tilespmem:$0x1A0]  }
0x20b: {  	v37 =	vld [tilespmem:$0x6A0]  }
0x20c: {  	v38 =	vld [tilespmem:$0x420]  }
0x20d: {  	v39 =	vld [tilespmem:$0x920]  }
0x20e: {  	v40 =	vld [tilespmem:$0x1B0]  }
0x20f: {  	v41 =	vld [tilespmem:$0x6B0]  }
0x210: {  	v42 =	vld [tilespmem:$0x430]  }
0x211: {  	v43 =	vld [tilespmem:$0x930]  }
0x212: {  	v47 =	vld [tilespmem:$0x1C0]  }
0x213: {  	v49 =	vld [tilespmem:$0x6C0]  }
0x214: {  	v51 =	vld [tilespmem:$0x440]  }
0x215: {  	v52 =	vld [tilespmem:$0x940]  }
0x216: {  	v53 =	vld [tilespmem:$0x1D0]  }
0x217: {  	v54 =	vld [tilespmem:$0x6D0]  }
0x218: {  	v55 =	vld [tilespmem:$0x450]  }
0x219: {  	v56 =	vld [tilespmem:$0x950]  }
0x21a: {  	v60 =	vld [tilespmem:$0x460]  }
0x21b: {  	v61 =	vld [tilespmem:$0x960]  }
0x21c: {  	v20 =	vld [tilespmem:$0x1F0];
	v3 =	vadd.f32 v26, v3;
	v33 =	vadd.f32 v28, v27  }
0x21d: {  	v21 =	vld [tilespmem:$0x6F0];
	v34 =	vadd.f32 v30, v29;
	v36 =	vadd.f32 v32, v31  }
0x21e: {  	v22 =	vld [tilespmem:$0x470];
	v6 =	vadd.f32 v37, v35;
	v46 =	vadd.f32 v39, v38  }
0x21f: {  	v24 =	vld [tilespmem:$0x970];
	v48 =	vadd.f32 v41, v40;
	v50 =	vadd.f32 v43, v42  }
0x220: {  	v9 =	vadd.f32 v49, v47;
	v8 =	vadd.f32 v52, v51  }
0x221: {  	v13 =	vadd.f32 v54, v53;
	v18 =	vadd.f32 v56, v55;
	v3 =	vmul.f32 $4.960000000e+02, v3  }
0x222: {  	v23 =	vadd.f32 v61, v60;
	v4 =	vmul.f32 $1.550000000e+01, v33;
	v5 =	vmul.f32 $4.960000000e+02, v34  }
0x223: {  	v28 =	vadd.f32 v21, v20;
	v7 =	vmul.f32 $1.550000000e+01, v36;
	v6 =	vmul.f32 $4.960000000e+02, v6  }
0x224: {  	v29 =	vadd.f32 v24, v22;
	v10 =	vmul.f32 $4.960000000e+02, v48;
	v9 =	vmul.f32 $4.960000000e+02, v9  }
0x225: {  	v8 =	vmul.f32 $1.550000000e+01, v8;
	v3 =	vadd.f32 $4.026531840e+08, v3;
	v4 =	vadd.f32 $1.258291200e+07, v4  }
0x226: {  	v19 =	vmul.f32 $4.960000000e+02, v13;
	v5 =	vadd.f32 $4.026531840e+08, v5;
	v7 =	vadd.f32 $1.258291200e+07, v7  }
0x227: {  	v12 =	vmul.f32 $1.550000000e+01, v23;
	v6 =	vadd.f32 $4.026531840e+08, v6;
	v10 =	vadd.f32 $4.026531840e+08, v10  }
0x228: {  	v13 =	vmul.f32 $1.550000000e+01, v29;
	v9 =	vadd.f32 $4.026531840e+08, v9;
	v62 =	vadd.f32 $1.258291200e+07, v8  }
0x229: {  	v11 =	vadd.f32 $4.026531840e+08, v19;
	v27 =	vadd.f32 $1.258291200e+07, v12  }
0x22a: {  	v33 =	vadd.f32 $1.258291200e+07, v13;
	v3 =	vadd.f32 $-4.026531840e+08, v3  }
0x22b: {  	v4 =	vadd.f32 $-1.258291200e+07, v4;
	v5 =	vadd.f32 $-4.026531840e+08, v5  }
0x22c: {  	v57 =	vld [tilespmem:$0x1E0];
	v12 =	vmul.f32 $4.960000000e+02, v28;
	v7 =	vadd.f32 $-1.258291200e+07, v7;
	v6 =	vadd.f32 $-4.026531840e+08, v6  }
0x22d: {  	v59 =	vld [tilespmem:$0x6E0];
	v10 =	vadd.f32 $-4.026531840e+08, v10;
	v63 =	vadd.f32 $-4.026531840e+08, v9  }
0x22e: {  	v9 =	vmul.f32 $1.550000000e+01, v18;
	v11 =	vadd.f32 $-4.026531840e+08, v11;
	v32 =	vadd.f32 $4.026531840e+08, v12  }
0x22f: {  	v12 =	vadd.f32 $-1.258291200e+07, v33;
	v3 =	vmax.f32 v3, $0.0e+00;
	v4 =	vmax.f32 v4, $0.0e+00  }
0x230: {  	v44 =	vmax.f32 v5, $0.0e+00;
	v45 =	vmax.f32 v7, $0.0e+00;
	v7 =	vmul.f32 $1.550000000e+01, v46  }
0x231: {  	v6 =	vmax.f32 v6, $0.0e+00;
	v58 =	vmax.f32 v10, $0.0e+00;
	v8 =	vmax.f32 v63, $0.0e+00  }
0x232: {  	v10 =	vadd.f32 v59, v57;
	v9 =	vadd.f32 $1.258291200e+07, v9;
	v26 =	vmax.f32 v11, $0.0e+00  }
0x233: {  	v11 =	vadd.f32 $-1.258291200e+07, v27;
	v36 =	vmax.f32 v12, $0.0e+00;
	v3 =	vmin.f32 v3, $9.920000000e+02  }
0x234: {  	v4 =	vmin.f32 v4, $3.100000000e+01;
	v5 =	vmin.f32 v45, $3.100000000e+01;
	v6 =	vmin.f32 v6, $9.920000000e+02  }
0x235: {  	v8 =	vmin.f32 v8, $9.920000000e+02;
	v3 =	vadd.f32 v4, v3;
	v4 =	vmin.f32 v44, $9.920000000e+02  }
0x236: {  	v37 =	vmin.f32 v36, $3.100000000e+01;
	v4 =	vadd.f32 v5, v4;
	v5 =	vmul.f32 $1.550000000e+01, v50  }
0x237: {  	v7 =	vadd.f32 $1.258291200e+07, v7;
	v10 =	vmul.f32 $4.960000000e+02, v10;
	v25 =	vadd.f32 $-1.258291200e+07, v9  }
0x238: {  	v9 =	vmin.f32 v26, $9.920000000e+02;
	v31 =	vmax.f32 v11, $0.0e+00;
	v5 =	vadd.f32 $1.258291200e+07, v5  }
0x239: {  	v11 =	vadd.f32 $-4.026531840e+08, v32;
	v3 =	vtrunc.f32 v3;
	v7 =	vadd.f32 $-1.258291200e+07, v7  }
0x23a: {  	v10 =	vadd.f32 $4.026531840e+08, v10;
	v4 =	vtrunc.f32 v4;
	v5 =	vadd.f32 $-1.258291200e+07, v5  }
0x23b: {  	v3 =	vcvt.f32.s32 v3;
	v4 =	vcvt.f32.s32 v4;
	v7 =	vmax.f32 v7, $0.0e+00  }
0x23c: {  	v10 =	vadd.f32 $-4.026531840e+08, v10;
	v7 =	vmin.f32 v7, $3.100000000e+01;
	v5 =	vmax.f32 v5, $0.0e+00  }
0x23d: {  	v6 =	vadd.f32 v7, v6;
	v7 =	vmin.f32 v58, $9.920000000e+02;
	v5 =	vmin.f32 v5, $3.100000000e+01  }
0x23e: {  	v34 =	vshll.u32 v3, $0x1;
	v5 =	vadd.f32 v5, v7;
	v7 =	vadd.f32 $-1.258291200e+07, v62  }
0x23f: {  	v35 =	vand.u32 $0x7, v3;
	[tilespmem:$0xB80] =	vst v3;
	v3 =	vmax.f32 v11, $0.0e+00;
	v30 =	vmax.f32 v10, $0.0e+00  }
0x240: {  	v10 =	vmin.f32 v31, $3.100000000e+01;
	v3 =	vmin.f32 v3, $9.920000000e+02;
	v7 =	vmax.f32 v7, $0.0e+00  }
0x241: {  	v13 =	vand.u32 $0xFFFFFFF0, v34;
	v3 =	vadd.f32 v37, v3;
	v7 =	vmin.f32 v7, $3.100000000e+01  }
0x242: {  	v6 =	vtrunc.f32 v6;
	v7 =	vadd.f32 v7, v8;
	v8 =	vmax.f32 v25, $0.0e+00  }
0x243: {  	v6 =	vcvt.f32.s32 v6;
	v3 =	vtrunc.f32 v3;
	v8 =	vmin.f32 v8, $3.100000000e+01  }
0x244: {  	v3 =	vcvt.f32.s32 v3;
	v8 =	vadd.f32 v8, v9;
	v9 =	vmin.f32 v30, $9.920000000e+02  }
0x245: {  	v5 =	vtrunc.f32 v5;
	v9 =	vadd.f32 v10, v9;
	v10 =	vor.u32 v35, v13  }
0x246: {  	[tilespmem:$0xB90] =	vst v4;
	v7 =	vtrunc.f32 v7;
	v38 =	vperm.xlane v10, v0  }
0x247: {  	[tilespmem:$0xBA0] =	vst v6;
	v5 =	vcvt.f32.s32 v5;
	v39 =	vcvt.f32.s32 v7  }
0x248: {  	[tilespmem:$0xBF0] =	vst v3;
	v8 =	vtrunc.f32 v8;
	v43 =	vperm.xlane v10, v2;
	v42 =	vadd.s32 v1, v38  }
0x249: {  	[tilespmem:$0xBB0] =	vst v5;
	v40 =	vcvt.f32.s32 v8;
	v41 =	vtrunc.f32 v9  }
0x24a: {  	[tilespmem:$0xBC0] =	vst v39;
	v4 =	vcvt.f32.s32 v41;
	v44 =	vadd.s32 v1, v43  }
0x24b: {  	[tilespmem:$0xBD0] =	vst v40  }
0x24c: {  	[tilespmem:$0xBE0] =	vst v4  }
0x24d: {  	[tilespmem:s10], [sflag:$0x2] =	stream.indirect_vreg.gather [hbm4b:s2+s3], $0x80, v42, vm0, $0xb8;
	[tilespmem:$0x10C80] =	vst v63  }
0x24e: {  	_ = 	snop  }
0x24f: {  	[tilespmem:s1], [sflag:$0x2] =	stream.indirect_vreg.gather [hbm4b:s2+s3], $0x80, v44, vm0, $0xb8;
	[tilespmem:$0x10C80] =	vst v63  }
0x250: {  	v3 =	vld [tilespmem:$0xB90];
	_ =	sdelay $0x4  }
0x251: {  	v45 =	vshll.u32 v3, $0x1  }
0x252: {  	v3 =	vand.u32 $0x7, v3;
	v4 =	vand.u32 $0xFFFFFFF0, v45  }
0x253: {  	v3 =	vor.u32 v3, v4  }
0x254: {  	v4 =	vperm.xlane v3, v0;
	_ =	sdelay $0x1  }
0x255: {  	v3 =	vperm.xlane v3, v2;
	v4 =	vadd.s32 v1, v4;
	_ =	sdelay $0x1  }
0x256: {  	v3 =	vadd.s32 v1, v3;
	_ =	sdelay $0x2  }
0x257: {  	[tilespmem:s28], [sflag:$0x2] =	stream.indirect_vreg.gather [hbm4b:s2+s3], $0x80, v4, vm0, $0xb8;
	[tilespmem:$0x10C80] =	vst v63  }
0x258: {  	_ = 	snop  }
0x259: {  	[tilespmem:s29], [sflag:$0x2] =	stream.indirect_vreg.gather [hbm4b:s2+s3], $0x80, v3, vm0, $0xb8;
	[tilespmem:$0x10C80] =	vst v63  }
0x25a: {  	v3 =	vld [tilespmem:$0xBA0];
	_ =	sdelay $0x4  }
0x25b: {  	v46 =	vshll.u32 v3, $0x1  }
0x25c: {  	v3 =	vand.u32 $0x7, v3;
	v4 =	vand.u32 $0xFFFFFFF0, v46  }
0x25d: {  	v3 =	vor.u32 v3, v4  }
0x25e: {  	v4 =	vperm.xlane v3, v0;
	_ =	sdelay $0x1  }
0x25f: {  	v3 =	vperm.xlane v3, v2;
	v4 =	vadd.s32 v1, v4;
	_ =	sdelay $0x1  }
0x260: {  	v3 =	vadd.s32 v1, v3;
	_ =	sdelay $0x2  }
0x261: {  	[tilespmem:s30], [sflag:$0x2] =	stream.indirect_vreg.gather [hbm4b:s2+s3], $0x80, v4, vm0, $0xb8;
	[tilespmem:$0x10C80] =	vst v63  }
0x262: {  	_ = 	snop  }
0x263: {  	[tilespmem:s4], [sflag:$0x2] =	stream.indirect_vreg.gather [hbm4b:s2+s3], $0x80, v3, vm0, $0xb8;
	[tilespmem:$0x10C80] =	vst v63  }
0x264: {  	v3 =	vld [tilespmem:$0xBB0];
	_ =	sdelay $0x4  }
0x265: {  	v47 =	vshll.u32 v3, $0x1  }
0x266: {  	v3 =	vand.u32 $0x7, v3;
	v4 =	vand.u32 $0xFFFFFFF0, v47  }
0x267: {  	v3 =	vor.u32 v3, v4  }
0x268: {  	v4 =	vperm.xlane v3, v0;
	_ =	sdelay $0x1  }
0x269: {  	v3 =	vperm.xlane v3, v2;
	v4 =	vadd.s32 v1, v4;
	_ =	sdelay $0x1  }
0x26a: {  	v3 =	vadd.s32 v1, v3;
	_ =	sdelay $0x2  }
0x26b: {  	[tilespmem:s8], [sflag:$0x2] =	stream.indirect_vreg.gather [hbm4b:s2+s3], $0x80, v4, vm0, $0xb8;
	[tilespmem:$0x10C80] =	vst v63  }
0x26c: {  	_ = 	snop  }
0x26d: {  	[tilespmem:s9], [sflag:$0x2] =	stream.indirect_vreg.gather [hbm4b:s2+s3], $0x80, v3, vm0, $0xb8;
	[tilespmem:$0x10C80] =	vst v63  }
0x26e: {  	v3 =	vld [tilespmem:$0xBC0];
	_ =	sdelay $0x4  }
0x26f: {  	v48 =	vshll.u32 v3, $0x1  }
0x270: {  	v3 =	vand.u32 $0x7, v3;
	v4 =	vand.u32 $0xFFFFFFF0, v48  }
0x271: {  	v3 =	vor.u32 v3, v4  }
0x272: {  	v4 =	vperm.xlane v3, v0;
	_ =	sdelay $0x1  }
0x273: {  	v3 =	vperm.xlane v3, v2;
	v4 =	vadd.s32 v1, v4;
	_ =	sdelay $0x1  }
0x274: {  	v3 =	vadd.s32 v1, v3;
	_ =	sdelay $0x2  }
0x275: {  	[tilespmem:s11], [sflag:$0x2] =	stream.indirect_vreg.gather [hbm4b:s2+s3], $0x80, v4, vm0, $0xb8;
	[tilespmem:$0x10C80] =	vst v63  }
0x276: {  	_ = 	snop  }
0x277: {  	[tilespmem:s12], [sflag:$0x2] =	stream.indirect_vreg.gather [hbm4b:s2+s3], $0x80, v3, vm0, $0xb8;
	[tilespmem:$0x10C80] =	vst v63  }
0x278: {  	v3 =	vld [tilespmem:$0xBD0];
	_ =	sdelay $0x4  }
0x279: {  	v49 =	vshll.u32 v3, $0x1  }
0x27a: {  	v3 =	vand.u32 $0x7, v3;
	v4 =	vand.u32 $0xFFFFFFF0, v49  }
0x27b: {  	v3 =	vor.u32 v3, v4  }
0x27c: {  	v4 =	vperm.xlane v3, v0;
	_ =	sdelay $0x1  }
0x27d: {  	v3 =	vperm.xlane v3, v2;
	v4 =	vadd.s32 v1, v4;
	_ =	sdelay $0x1  }
0x27e: {  	v3 =	vadd.s32 v1, v3;
	_ =	sdelay $0x2  }
0x27f: {  	[tilespmem:s13], [sflag:$0x2] =	stream.indirect_vreg.gather [hbm4b:s2+s3], $0x80, v4, vm0, $0xb8;
	[tilespmem:$0x10C80] =	vst v63  }
0x280: {  	_ = 	snop  }
0x281: {  	[tilespmem:s14], [sflag:$0x2] =	stream.indirect_vreg.gather [hbm4b:s2+s3], $0x80, v3, vm0, $0xb8;
	[tilespmem:$0x10C80] =	vst v63  }
0x282: {  	v3 =	vld [tilespmem:$0xBE0];
	_ =	sdelay $0x4  }
0x283: {  	v50 =	vshll.u32 v3, $0x1  }
0x284: {  	v3 =	vand.u32 $0x7, v3;
	v4 =	vand.u32 $0xFFFFFFF0, v50  }
0x285: {  	v3 =	vor.u32 v3, v4  }
0x286: {  	v4 =	vperm.xlane v3, v0;
	_ =	sdelay $0x1  }
0x287: {  	v3 =	vperm.xlane v3, v2;
	v4 =	vadd.s32 v1, v4;
	_ =	sdelay $0x1  }
0x288: {  	v3 =	vadd.s32 v1, v3;
	_ =	sdelay $0x2  }
0x289: {  	[tilespmem:s15], [sflag:$0x2] =	stream.indirect_vreg.gather [hbm4b:s2+s3], $0x80, v4, vm0, $0xb8;
	[tilespmem:$0x10C80] =	vst v63  }
0x28a: {  	_ = 	snop  }
0x28b: {  	[tilespmem:s16], [sflag:$0x2] =	stream.indirect_vreg.gather [hbm4b:s2+s3], $0x80, v3, vm0, $0xb8;
	[tilespmem:$0x10C80] =	vst v63  }
0x28c: {  	v3 =	vld [tilespmem:$0xBF0];
	_ =	sdelay $0x4  }
0x28d: {  	v51 =	vshll.u32 v3, $0x1  }
0x28e: {  	v3 =	vand.u32 $0x7, v3;
	v4 =	vand.u32 $0xFFFFFFF0, v51  }
0x28f: {  	v3 =	vor.u32 v3, v4  }
0x290: {  	v4 =	vperm.xlane v3, v0;
	_ =	sdelay $0x1  }
0x291: {  	v3 =	vperm.xlane v3, v2;
	v4 =	vadd.s32 v1, v4;
	_ =	sdelay $0x1  }
0x292: {  	v3 =	vadd.s32 v1, v3;
	_ =	sdelay $0x2  }
0x293: {  	[tilespmem:s17], [sflag:$0x2] =	stream.indirect_vreg.gather [hbm4b:s2+s3], $0x80, v4, vm0, $0xb8;
	[tilespmem:$0x10C80] =	vst v63  }
0x294: {  	_ = 	snop  }
0x295: {  	[tilespmem:s18], [sflag:$0x2] =	stream.indirect_vreg.gather [hbm4b:s2+s3], $0x80, v3, vm0, $0xb8;
	[tilespmem:$0x10C80] =	vst v63  }
0x296: {  	_ =	swait.ge [sflag:s6], $0x8000  }
0x297: {  	[sflag:s6] =	ssyncset.done $0x0  }
0x298: {  	s28 =	rddreg [dreg:$0x8];
	[sflag:s6] =	ssyncadd.s32 $0xFFFF8000  }
0x299: {  	[hbm4b:s28+s3] =	stream.linear.scatter [tilespmem:s19], [sflag:$0x5], $0x8000, $0x38;
	[tilespmem:$0x10C80] =	vst v63  }
0x29a: {  	_ =	swait.ge [sflag:s31], $0x8000  }
0x29b: {  	[sflag:s31] =	ssyncset.done $0x0  }
0x29c: {  	[sflag:s31] =	ssyncadd.s32 $0xFFFF8000  }
0x29d: {  	v3 =	vld [tilespmem:$0x200]  }
0x29e: {  	v52 =	vld [tilespmem:$0x700]  }
0x29f: {  	v53 =	vld [tilespmem:$0x480]  }
0x2a0: {  	v54 =	vld [tilespmem:$0x980]  }
0x2a1: {  	v55 =	vld [tilespmem:$0x210]  }
0x2a2: {  	v56 =	vld [tilespmem:$0x710]  }
0x2a3: {  	v57 =	vld [tilespmem:$0x490]  }
0x2a4: {  	v58 =	vld [tilespmem:$0x990]  }
0x2a5: {  	v59 =	vld [tilespmem:$0x220]  }
0x2a6: {  	v60 =	vld [tilespmem:$0x720]  }
0x2a7: {  	v61 =	vld [tilespmem:$0x4A0]  }
0x2a8: {  	v62 =	vld [tilespmem:$0x9A0]  }
0x2a9: {  	v63 =	vld [tilespmem:$0x230]  }
0x2aa: {  	v18 =	vld [tilespmem:$0x730]  }
0x2ab: {  	v19 =	vld [tilespmem:$0x4B0]  }
0x2ac: {  	v20 =	vld [tilespmem:$0x9B0]  }
0x2ad: {  	v21 =	vld [tilespmem:$0x240]  }
0x2ae: {  	v22 =	vld [tilespmem:$0x740]  }
0x2af: {  	v23 =	vld [tilespmem:$0x4C0]  }
0x2b0: {  	v30 =	vld [tilespmem:$0x4D0]  }
0x2b1: {  	v31 =	vld [tilespmem:$0x9D0]  }
0x2b2: {  	v32 =	vld [tilespmem:$0x260]  }
0x2b3: {  	v33 =	vld [tilespmem:$0x760];
	v3 =	vadd.f32 v52, v3  }
0x2b4: {  	v37 =	vld [tilespmem:$0x4F0];
	v5 =	vadd.f32 v54, v53;
	v7 =	vadd.f32 v56, v55  }
0x2b5: {  	v38 =	vld [tilespmem:$0x9F0];
	v4 =	vadd.f32 v58, v57;
	v6 =	vadd.f32 v60, v59  }
0x2b6: {  	v26 =	vld [tilespmem:$0x9C0];
	v8 =	vadd.f32 v62, v61;
	v9 =	vadd.f32 v18, v63  }
0x2b7: {  	v13 =	vadd.f32 v20, v19;
	v10 =	vadd.f32 v22, v21;
	v3 =	vmul.f32 $4.960000000e+02, v3  }
0x2b8: {  	v11 =	vadd.f32 v31, v30;
	v5 =	vmul.f32 $1.550000000e+01, v5;
	v7 =	vmul.f32 $4.960000000e+02, v7  }
0x2b9: {  	v39 =	vadd.f32 v33, v32;
	v4 =	vmul.f32 $1.550000000e+01, v4;
	v6 =	vmul.f32 $4.960000000e+02, v6  }
0x2ba: {  	v34 =	vld [tilespmem:$0x4E0];
	v12 =	vadd.f32 v38, v37;
	v25 =	vmul.f32 $1.550000000e+01, v8;
	v9 =	vmul.f32 $4.960000000e+02, v9  }
0x2bb: {  	v18 =	vld [tilespmem:$0x9E0];
	v8 =	vadd.f32 v26, v23;
	v13 =	vmul.f32 $1.550000000e+01, v13;
	v3 =	vadd.f32 $4.026531840e+08, v3  }
0x2bc: {  	v10 =	vmul.f32 $4.960000000e+02, v10;
	v5 =	vadd.f32 $1.258291200e+07, v5;
	v7 =	vadd.f32 $4.026531840e+08, v7  }
0x2bd: {  	v27 =	vld [tilespmem:$0x250];
	v11 =	vmul.f32 $1.550000000e+01, v11;
	v4 =	vadd.f32 $1.258291200e+07, v4;
	v6 =	vadd.f32 $4.026531840e+08, v6  }
0x2be: {  	v29 =	vld [tilespmem:$0x750];
	v9 =	vadd.f32 $4.026531840e+08, v9;
	v13 =	vadd.f32 $1.258291200e+07, v13  }
0x2bf: {  	v36 =	vld [tilespmem:$0x270];
	v10 =	vadd.f32 $4.026531840e+08, v10;
	v11 =	vadd.f32 $1.258291200e+07, v11  }
0x2c0: {  	v19 =	vld [tilespmem:$0x770];
	v40 =	vadd.f32 v18, v34;
	v3 =	vadd.f32 $-4.026531840e+08, v3  }
0x2c1: {  	v8 =	vmul.f32 $1.550000000e+01, v8;
	v5 =	vadd.f32 $-1.258291200e+07, v5;
	v7 =	vadd.f32 $-4.026531840e+08, v7  }
0x2c2: {  	v4 =	vadd.f32 $-1.258291200e+07, v4;
	v28 =	vadd.f32 $-4.026531840e+08, v6  }
0x2c3: {  	v9 =	vadd.f32 $-4.026531840e+08, v9;
	v8 =	vadd.f32 $1.258291200e+07, v8  }
0x2c4: {  	v35 =	vadd.f32 $-1.258291200e+07, v13;
	v10 =	vadd.f32 $-4.026531840e+08, v10  }
0x2c5: {  	v41 =	vmul.f32 $1.550000000e+01, v12;
	v6 =	vadd.f32 v29, v27;
	v13 =	vadd.f32 v19, v36  }
0x2c6: {  	v11 =	vadd.f32 $-1.258291200e+07, v11;
	v3 =	vmax.f32 v3, $0.0e+00;
	v5 =	vmax.f32 v5, $0.0e+00  }
0x2c7: {  	v24 =	vmax.f32 v7, $0.0e+00;
	v4 =	vmax.f32 v4, $0.0e+00;
	v7 =	vadd.f32 $1.258291200e+07, v25  }
0x2c8: {  	v9 =	vmax.f32 v9, $0.0e+00;
	v8 =	vadd.f32 $-1.258291200e+07, v8;
	v10 =	vmax.f32 v10, $0.0e+00  }
0x2c9: {  	v6 =	vmul.f32 $4.960000000e+02, v6;
	v11 =	vmax.f32 v11, $0.0e+00;
	v13 =	vmul.f32 $4.960000000e+02, v13  }
0x2ca: {  	v3 =	vmin.f32 v3, $9.920000000e+02;
	v5 =	vmin.f32 v5, $3.100000000e+01;
	v4 =	vmin.f32 v4, $3.100000000e+01  }
0x2cb: {  	v9 =	vmin.f32 v9, $9.920000000e+02;
	v10 =	vmin.f32 v10, $9.920000000e+02;
	v11 =	vmin.f32 v11, $3.100000000e+01  }
0x2cc: {  	v3 =	vadd.f32 v5, v3;
	v5 =	vmin.f32 v24, $9.920000000e+02;
	v7 =	vadd.f32 $-1.258291200e+07, v7  }
0x2cd: {  	v8 =	vmax.f32 v8, $0.0e+00;
	v6 =	vadd.f32 $4.026531840e+08, v6;
	v42 =	vadd.f32 $4.026531840e+08, v13  }
0x2ce: {  	v4 =	vadd.f32 v4, v5;
	v5 =	vmax.f32 v28, $0.0e+00;
	v8 =	vmin.f32 v8, $3.100000000e+01  }
0x2cf: {  	v5 =	vmin.f32 v5, $9.920000000e+02;
	v7 =	vmax.f32 v7, $0.0e+00;
	v8 =	vadd.f32 v8, v10  }
0x2d0: {  	v3 =	vtrunc.f32 v3;
	v6 =	vadd.f32 $-4.026531840e+08, v6;
	v10 =	vmul.f32 $1.550000000e+01, v40  }
0x2d1: {  	v43 =	vadd.f32 $-4.026531840e+08, v42;
	v7 =	vmin.f32 v7, $3.100000000e+01;
	v3 =	vcvt.f32.s32 v3  }
0x2d2: {  	v4 =	vtrunc.f32 v4;
	v5 =	vadd.f32 v7, v5;
	v7 =	vmax.f32 v35, $0.0e+00  }
0x2d3: {  	v4 =	vcvt.f32.s32 v4;
	v6 =	vmax.f32 v6, $0.0e+00;
	v10 =	vadd.f32 $1.258291200e+07, v10  }
0x2d4: {  	v8 =	vtrunc.f32 v8;
	v46 =	vmax.f32 v43, $0.0e+00;
	v7 =	vmin.f32 v7, $3.100000000e+01  }
0x2d5: {  	v6 =	vmin.f32 v6, $9.920000000e+02;
	v44 =	vshll.u32 v3, $0x1;
	v45 =	vand.u32 $0x7, v3  }
0x2d6: {  	v48 =	vmin.f32 v46, $9.920000000e+02;
	v7 =	vadd.f32 v7, v9;
	v9 =	vmul.f32 $4.960000000e+02, v39  }
0x2d7: {  	v51 =	vcvt.f32.s32 v8;
	v6 =	vadd.f32 v11, v6;
	v11 =	vadd.f32 $1.258291200e+07, v41  }
0x2d8: {  	v5 =	vtrunc.f32 v5;
	v10 =	vadd.f32 $-1.258291200e+07, v10;
	v9 =	vadd.f32 $4.026531840e+08, v9  }
0x2d9: {  	v12 =	vand.u32 $0xFFFFFFF0, v44;
	v5 =	vcvt.f32.s32 v5;
	v11 =	vadd.f32 $-1.258291200e+07, v11  }
0x2da: {  	v12 =	vor.u32 v45, v12;
	v7 =	vtrunc.f32 v7;
	v9 =	vadd.f32 $-4.026531840e+08, v9  }
0x2db: {  	[tilespmem:$0xC00] =	vst v3;
	v10 =	vmax.f32 v10, $0.0e+00;
	v3 =	vtrunc.f32 v6;
	v47 =	vmax.f32 v11, $0.0e+00  }
0x2dc: {  	v50 =	vperm.xlane v12, v0;
	v49 =	vmin.f32 v47, $3.100000000e+01;
	v9 =	vmax.f32 v9, $0.0e+00  }
0x2dd: {  	[tilespmem:$0xC10] =	vst v4;
	v10 =	vmin.f32 v10, $3.100000000e+01;
	v4 =	vadd.f32 v49, v48;
	v9 =	vmin.f32 v9, $9.920000000e+02  }
0x2de: {  	[tilespmem:$0xC40] =	vst v51;
	v54 =	vperm.xlane v12, v2;
	v3 =	vcvt.f32.s32 v3;
	v9 =	vadd.f32 v10, v9  }
0x2df: {  	v7 =	vcvt.f32.s32 v7;
	[tilespmem:$0xC20] =	vst v5;
	v53 =	vadd.s32 v1, v50;
	v4 =	vtrunc.f32 v4  }
0x2e0: {  	[tilespmem:$0xC50] =	vst v3;
	v3 =	vcvt.f32.s32 v4;
	v52 =	vtrunc.f32 v9  }
0x2e1: {  	v56 =	vadd.s32 v1, v54;
	[tilespmem:$0xC30] =	vst v7;
	v55 =	vcvt.f32.s32 v52  }
0x2e2: {  	[tilespmem:$0xC70] =	vst v3  }
0x2e3: {  	[tilespmem:$0xC60] =	vst v55  }
0x2e4: {  	[tilespmem:s19], [sflag:$0x1] =	stream.indirect_vreg.gather [hbm4b:s2+s3], $0x80, v53, vm0, $0xb8;
	[tilespmem:$0x10C80] =	vst v63  }
0x2e5: {  	s29 =	simm.s32 $0x1480  }
0x2e6: {  	[tilespmem:s29], [sflag:$0x1] =	stream.indirect_vreg.gather [hbm4b:s2+s3], $0x80, v56, vm0, $0xb8;
	[tilespmem:$0x10C80] =	vst v63  }
0x2e7: {  	v3 =	vld [tilespmem:$0xC10];
	_ =	sdelay $0x4  }
0x2e8: {  	v57 =	vshll.u32 v3, $0x1  }
0x2e9: {  	v3 =	vand.u32 $0x7, v3;
	v4 =	vand.u32 $0xFFFFFFF0, v57  }
0x2ea: {  	v3 =	vor.u32 v3, v4  }
0x2eb: {  	v4 =	vperm.xlane v3, v0;
	_ =	sdelay $0x1  }
0x2ec: {  	v3 =	vperm.xlane v3, v2;
	v4 =	vadd.s32 v1, v4;
	_ =	sdelay $0x1  }
0x2ed: {  	v3 =	vadd.s32 v1, v3;
	_ =	sdelay $0x1  }
0x2ee: {  	s1 =	simm.s32 $0x1C80  }
0x2ef: {  	[tilespmem:s1], [sflag:$0x1] =	stream.indirect_vreg.gather [hbm4b:s2+s3], $0x80, v4, vm0, $0xb8;
	[tilespmem:$0x10C80] =	vst v63  }
0x2f0: {  	s28 =	simm.s32 $0x2480  }
0x2f1: {  	[tilespmem:s28], [sflag:$0x1] =	stream.indirect_vreg.gather [hbm4b:s2+s3], $0x80, v3, vm0, $0xb8;
	[tilespmem:$0x10C80] =	vst v63  }
0x2f2: {  	v3 =	vld [tilespmem:$0xC20];
	_ =	sdelay $0x4  }
0x2f3: {  	v58 =	vshll.u32 v3, $0x1  }
0x2f4: {  	v3 =	vand.u32 $0x7, v3;
	v4 =	vand.u32 $0xFFFFFFF0, v58  }
0x2f5: {  	v3 =	vor.u32 v3, v4  }
0x2f6: {  	v4 =	vperm.xlane v3, v0;
	_ =	sdelay $0x1  }
0x2f7: {  	v3 =	vperm.xlane v3, v2;
	v4 =	vadd.s32 v1, v4;
	_ =	sdelay $0x1  }
0x2f8: {  	v3 =	vadd.s32 v1, v3;
	_ =	sdelay $0x1  }
0x2f9: {  	s29 =	simm.s32 $0x2C80  }
0x2fa: {  	[tilespmem:s29], [sflag:$0x1] =	stream.indirect_vreg.gather [hbm4b:s2+s3], $0x80, v4, vm0, $0xb8;
	[tilespmem:$0x10C80] =	vst v63  }
0x2fb: {  	s1 =	simm.s32 $0x3480  }
0x2fc: {  	[tilespmem:s1], [sflag:$0x1] =	stream.indirect_vreg.gather [hbm4b:s2+s3], $0x80, v3, vm0, $0xb8;
	[tilespmem:$0x10C80] =	vst v63  }
0x2fd: {  	v3 =	vld [tilespmem:$0xC30];
	_ =	sdelay $0x4  }
0x2fe: {  	v59 =	vshll.u32 v3, $0x1  }
0x2ff: {  	v3 =	vand.u32 $0x7, v3;
	v4 =	vand.u32 $0xFFFFFFF0, v59  }
0x300: {  	v3 =	vor.u32 v3, v4  }
0x301: {  	v4 =	vperm.xlane v3, v0;
	_ =	sdelay $0x1  }
0x302: {  	v3 =	vperm.xlane v3, v2;
	v4 =	vadd.s32 v1, v4;
	_ =	sdelay $0x1  }
0x303: {  	v3 =	vadd.s32 v1, v3;
	_ =	sdelay $0x1  }
0x304: {  	s28 =	simm.s32 $0x3C80  }
0x305: {  	[tilespmem:s28], [sflag:$0x1] =	stream.indirect_vreg.gather [hbm4b:s2+s3], $0x80, v4, vm0, $0xb8;
	[tilespmem:$0x10C80] =	vst v63  }
0x306: {  	s29 =	simm.s32 $0x4480  }
0x307: {  	[tilespmem:s29], [sflag:$0x1] =	stream.indirect_vreg.gather [hbm4b:s2+s3], $0x80, v3, vm0, $0xb8;
	[tilespmem:$0x10C80] =	vst v63  }
0x308: {  	v3 =	vld [tilespmem:$0xC40];
	_ =	sdelay $0x4  }
0x309: {  	v60 =	vshll.u32 v3, $0x1  }
0x30a: {  	v3 =	vand.u32 $0x7, v3;
	v4 =	vand.u32 $0xFFFFFFF0, v60  }
0x30b: {  	v3 =	vor.u32 v3, v4  }
0x30c: {  	v4 =	vperm.xlane v3, v0;
	_ =	sdelay $0x1  }
0x30d: {  	v3 =	vperm.xlane v3, v2;
	v4 =	vadd.s32 v1, v4;
	_ =	sdelay $0x1  }
0x30e: {  	v3 =	vadd.s32 v1, v3;
	_ =	sdelay $0x1  }
0x30f: {  	s1 =	simm.s32 $0x4C80  }
0x310: {  	[tilespmem:s1], [sflag:$0x1] =	stream.indirect_vreg.gather [hbm4b:s2+s3], $0x80, v4, vm0, $0xb8;
	[tilespmem:$0x10C80] =	vst v63  }
0x311: {  	_ = 	snop  }
0x312: {  	[tilespmem:s20], [sflag:$0x1] =	stream.indirect_vreg.gather [hbm4b:s2+s3], $0x80, v3, vm0, $0xb8;
	[tilespmem:$0x10C80] =	vst v63  }
0x313: {  	v3 =	vld [tilespmem:$0xC50];
	_ =	sdelay $0x4  }
0x314: {  	v61 =	vshll.u32 v3, $0x1  }
0x315: {  	v3 =	vand.u32 $0x7, v3;
	v4 =	vand.u32 $0xFFFFFFF0, v61  }
0x316: {  	v3 =	vor.u32 v3, v4  }
0x317: {  	v4 =	vperm.xlane v3, v0;
	_ =	sdelay $0x1  }
0x318: {  	v3 =	vperm.xlane v3, v2;
	v4 =	vadd.s32 v1, v4;
	_ =	sdelay $0x1  }
0x319: {  	v3 =	vadd.s32 v1, v3;
	_ =	sdelay $0x2  }
0x31a: {  	[tilespmem:s21], [sflag:$0x1] =	stream.indirect_vreg.gather [hbm4b:s2+s3], $0x80, v4, vm0, $0xb8;
	[tilespmem:$0x10C80] =	vst v63  }
0x31b: {  	_ = 	snop  }
0x31c: {  	[tilespmem:s22], [sflag:$0x1] =	stream.indirect_vreg.gather [hbm4b:s2+s3], $0x80, v3, vm0, $0xb8;
	[tilespmem:$0x10C80] =	vst v63  }
0x31d: {  	v3 =	vld [tilespmem:$0xC60];
	_ =	sdelay $0x4  }
0x31e: {  	v62 =	vshll.u32 v3, $0x1  }
0x31f: {  	v3 =	vand.u32 $0x7, v3;
	v4 =	vand.u32 $0xFFFFFFF0, v62  }
0x320: {  	v3 =	vor.u32 v3, v4  }
0x321: {  	v4 =	vperm.xlane v3, v0;
	_ =	sdelay $0x1  }
0x322: {  	v3 =	vperm.xlane v3, v2;
	v4 =	vadd.s32 v1, v4;
	_ =	sdelay $0x1  }
0x323: {  	v3 =	vadd.s32 v1, v3;
	_ =	sdelay $0x2  }
0x324: {  	[tilespmem:s23], [sflag:$0x1] =	stream.indirect_vreg.gather [hbm4b:s2+s3], $0x80, v4, vm0, $0xb8;
	[tilespmem:$0x10C80] =	vst v63  }
0x325: {  	_ = 	snop  }
0x326: {  	[tilespmem:s24], [sflag:$0x1] =	stream.indirect_vreg.gather [hbm4b:s2+s3], $0x80, v3, vm0, $0xb8;
	[tilespmem:$0x10C80] =	vst v63  }
0x327: {  	v3 =	vld [tilespmem:$0xC70];
	_ =	sdelay $0x4  }
0x328: {  	v63 =	vshll.u32 v3, $0x1  }
0x329: {  	v3 =	vand.u32 $0x7, v3;
	v4 =	vand.u32 $0xFFFFFFF0, v63  }
0x32a: {  	v3 =	vor.u32 v3, v4  }
0x32b: {  	v4 =	vperm.xlane v3, v0;
	_ =	sdelay $0x1  }
0x32c: {  	v3 =	vperm.xlane v3, v2;
	v4 =	vadd.s32 v1, v4;
	_ =	sdelay $0x1  }
0x32d: {  	v3 =	vadd.s32 v1, v3;
	_ =	sdelay $0x2  }
0x32e: {  	[tilespmem:s25], [sflag:$0x1] =	stream.indirect_vreg.gather [hbm4b:s2+s3], $0x80, v4, vm0, $0xb8;
	[tilespmem:$0x10C80] =	vst v63  }
0x32f: {  	_ = 	snop  }
0x330: {  	[tilespmem:s26], [sflag:$0x1] =	stream.indirect_vreg.gather [hbm4b:s2+s3], $0x80, v3, vm0, $0xb8;
	[tilespmem:$0x10C80] =	vst v63  }
0x331: {  	_ =	swait.ge [sflag:s7], $0x8000  }
0x332: {  	[sflag:s7] =	ssyncset.done $0x0  }
0x333: {  	s28 =	rddreg [dreg:$0x9];
	[sflag:s7] =	ssyncadd.s32 $0xFFFF8000  }
0x334: {  	[hbm4b:s28+s3] =	stream.linear.scatter [tilespmem:s10], [sflag:$0x5], $0x8000, $0x38;
	[tilespmem:$0x10C80] =	vst v63  }
0x335: {  	_ =	swait.ge [sflag:s31], $0x8000  }
0x336: {  	[sflag:s31] =	ssyncset.done $0x0  }
0x337: {  	[sflag:s31] =	ssyncadd.s32 $0xFFFF8000  }
0x338: {  	_ =	swait.ge [sflag:s6], $0x8000  }
0x339: {  	p0 =	sne.s32 s5, $0x1;
	[sflag:s6] =	ssyncset.done $0x0  }
.Ltmp0:
0x33a: {  	s29 =	rddreg [dreg:$0xa];
	[sflag:s6] =	ssyncadd.s32 $0xFFFF8000;
	(pc) =	sbr.rel @p0 .LBB2_1-.Ltmp0, $4  }
0x33b: {  	[hbm4b:s29+s3] =	stream.linear.scatter [tilespmem:s19], [sflag:$0x5], $0x8000, $0x38;
	[tilespmem:$0x10C80] =	vst v63  }
0x33c: {  	_ =	swait.ge [sflag:s31], $0x8000  }
0x33d: {  	[sflag:s31] =	ssyncset.done $0x0  }
0x33e: {  	s5 =	sadd.s32 $0xFFFFFFFF, s5;
	[sflag:s31] =	ssyncadd.s32 $0xFFFF8000  }
0x33f: {  	_ =	sfence.sel $0x180000  }
0x340: {  	[bflag:$0x0] =	sbarrier.arrive $0xFFFF  }
0x341: {  	_ =	strace $0x90000047  }
0x342: {  	s0 =	stileid.u32;
	[bflag:$0x2] =	sbarrier.arrive $0xFFFF  }
0x343: {  	p0 =	sne.s32 s0, $0x0;
	s0 =	rddreg [dreg:$0x2]  }
0x344: {  	s0 =	sadd.s32 @!p0 $0x100000, s0  }
0x345: {  	[sflag:s0] =	ssyncadd.tile.s32 @!p0 $0x1;
	_ =	shalt  }
.Lfunc_end2:
_tile_overlayer_lowered:
.L_overlay_start_2:
0x346: {  	(tag) =	ssettag $0x2  }
0x347: {  	s0 =	rddreg [dreg:$0x0];
	s2 =	stileid.u32  }
0x348: {  	s1 =	rddreg [dreg:$0x1];
	p0 =	sne.s32 s2, $0x0  }
0x349: {  	s3 =	rddreg [dreg:$0x2];
	[bflag:$0x3] =	sbarrier.arrive $0xFFFF;
	s2 =	simm.s32 @!p0 $0x1C05  }
0x34a: {  	[timem:s3], [sflag:s2] =	dma.local @!p0 [hbm:s0], s1  }
0x34b: {  	s0 =	simm.s32 @!p0 $0x5  }
0x34c: {  	_ =	swait.ge @!p0 [sflag:s0], s1  }
0x34d: {  	s1 =	ssub.s32 @!p0 $0x0, s1;
	[sflag:s0] =	ssyncset.done @!p0 $0x0  }
0x34e: {  	[sflag:s0] =	ssyncadd.s32 @!p0 s1  }
0x34f: {  	[bflag:$0x3] =	sbarrier.arrive $0xFFFF  }
0x350: {  	_ =	shalt  }

</sc_bundles>
